<compile_context>
chip_gen: v7x
topology: tpu7x:2x2x1
jax: 0.10.2.dev20260603
libtpu: 0.0.44.dev20260713+nightly
codegen_flags: <defaults>
</compile_context>

<pallas_src>
import functools

import jax
import jax.numpy as jnp
from jax import lax
from jax.experimental import pallas as pl
from jax.experimental.pallas import tpu as pltpu
from jax.experimental.pallas import tpu_sc as plsc

_B = 16384
_NCAT = 20
_NNUM = 6
_V = 100000
_C = 32
_N = _NCAT + _NNUM

_NW = 32
_RPW = _B // _NW
_BC = 64
_NITER = _RPW // _BC


def _embed_sc(idx_w, vals_w, tables_flat, w, bias):
  mesh = plsc.VectorSubcoreMesh(core_axis_name="c", subcore_axis_name="s")

  @functools.partial(
      pl.kernel,
      mesh=mesh,
      out_type=jax.ShapeDtypeStruct((_B * _C * _N,), jnp.float32),
      compiler_params=pltpu.CompilerParams(
          needs_layout_passes=False, use_tc_tiling_on_sc=False),
      scratch_types=[
          pltpu.VMEM((_NCAT, _RPW), jnp.int32),
          pltpu.VMEM((_NNUM * _RPW,), jnp.float32),
          pltpu.VMEM((2, _BC, _C), jnp.float32),
          pltpu.VMEM((_BC * _C * _N,), jnp.float32),
          pltpu.VMEM((_NNUM, _C), jnp.float32),
          pltpu.VMEM((_NNUM, _C), jnp.float32),
          pltpu.SemaphoreType.DMA,
          pltpu.SemaphoreType.DMA,
      ],
  )
  def k(idx_hbm, vals_hbm, tab_hbm, w_hbm, b_hbm, out_hbm,
        idxb, valb, gbuf, obuf, wbuf, bbuf, sem0, sem1):
    wid = lax.axis_index("s") * 2 + lax.axis_index("c")
    iota = lax.iota(jnp.int32, 16)
    col0 = iota * _N
    col1 = (iota + 16) * _N

    pltpu.sync_copy(w_hbm, wbuf)
    pltpu.sync_copy(b_hbm, bbuf)
    pltpu.sync_copy(idx_hbm.at[wid], idxb)
    pltpu.sync_copy(vals_hbm.at[wid], valb)
    sems = (sem0, sem1)

    def chunk_body(it, _):
      off = it * _BC

      def fire(f):
        return pltpu.async_copy(
            tab_hbm.at[f].at[idxb.at[f, pl.ds(off, _BC)]], gbuf.at[f % 2],
            sems[f % 2])

      cp = fire(0)
      for f in range(_NCAT):
        nxt = fire(f + 1) if f + 1 < _NCAT else None
        cp.wait()

        def row_body(i, _, f=f):
          rb = i * (_C * _N) + f
          plsc.store_scatter(obuf, [col0 + rb], gbuf[f % 2, i, pl.ds(0, 16)])
          plsc.store_scatter(obuf, [col1 + rb], gbuf[f % 2, i, pl.ds(16, 16)])
          return _

        lax.fori_loop(0, _BC, row_body, None)
        cp = nxt

      def num_body(i, _):
        gi = jnp.full((16,), off + i, jnp.int32)
        for j in range(_NNUM):
          s = plsc.load_gather(valb, [gi + j * _RPW])
          rb = i * (_C * _N) + _NCAT + j
          v0 = s * wbuf[j, pl.ds(0, 16)] + bbuf[j, pl.ds(0, 16)]
          v1 = s * wbuf[j, pl.ds(16, 16)] + bbuf[j, pl.ds(16, 16)]
          plsc.store_scatter(obuf, [col0 + rb], v0)
          plsc.store_scatter(obuf, [col1 + rb], v1)
        return _

      lax.fori_loop(0, _BC, num_body, None)
      pltpu.sync_copy(
          obuf, out_hbm.at[pl.ds((wid * _RPW + off) * _C * _N, _BC * _C * _N)])
      return _

    lax.fori_loop(0, _NITER, chunk_body, None)

  return k(idx_w, vals_w, tables_flat, w, bias)


def kernel(x_tensor, tables, W, b):
  idx_t = x_tensor[:, :_NCAT].astype(jnp.int32).T
  idx_w = idx_t.reshape(_NCAT, _NW, _RPW).transpose(1, 0, 2)
  vals_w = (x_tensor[:, _NCAT:].T.reshape(_NNUM, _NW, _RPW)
            .transpose(1, 0, 2).reshape(_NW, _NNUM * _RPW))
  out_flat = _embed_sc(idx_w, vals_w, tables, W, b)
  return out_flat.reshape(_B, _C, _N)

# --- scband reference (transcript-rebuilt; emitter-appended) ---
"""Pipeline reference for scband-hybrid-feature-embedder-48661979463952 (READ-ONLY COPY).

The authoritative reference and input builder live on the scoring server;
editing this copy changes nothing except your own understanding.
"""

import jax, jax.numpy as jnp
import numpy as np

B = 16384
NCAT = 20
NNUM = 6
V = 100000
C = 32


def setup_inputs(seed: int = 0) -> dict:
    key = jax.random.key(seed)
    k1, k2, k3, k4 = jax.random.split(key, 4)
    # x_tensor: float tensor whose first NCAT columns hold categorical ids (in [0, V))
    # and last NNUM columns are treated as continuous values.
    x_int = jax.random.randint(k1, (B, NCAT + NNUM), 0, V)
    x_tensor = x_int.astype(jnp.float32)
    # Learned params sized per init_kwargs:
    # one embedding table per categorical field (stacked), one Linear(1, C) per numeric field.
    tables = jax.random.normal(k2, (NCAT, V, C), dtype=jnp.float32) * 0.02
    W = jax.random.normal(k3, (NNUM, C), dtype=jnp.float32) * (1.0 / np.sqrt(1.0))
    b = jax.random.normal(k4, (NNUM, C), dtype=jnp.float32) * 0.01
    return {"x_tensor": x_tensor, "tables": tables, "W": W, "b": b}


def reference(x_tensor, tables, W, b):
    # categorical columns -> embedding lookups (one table per field)
    idx = x_tensor[:, :NCAT].astype(jnp.int32)  # (B, NCAT)
    emb_cat = jax.vmap(lambda t, i: jnp.take(t, i, axis=0), in_axes=(0, 1), out_axes=1)(tables, idx)  # (B, NCAT, C)
    # numeric columns -> Linear(1, C): val * W + b per field
    vals = x_tensor[:, NCAT:]  # (B, NNUM)
    emb_num = vals[:, :, None] * W[None, :, :] + b[None, :, :]  # (B, NNUM, C)
    out = jnp.concatenate([emb_cat, emb_num], axis=1)  # (B, N, C) in schema order
    return jnp.transpose(out, (0, 2, 1))  # (B, C, N)

if __name__ == "__main__":
    import jax
    _d = setup_inputs()
    print(jax.jit(kernel)(*tuple(_d.values())))

</pallas_src>

<mosaic_0001>
#map = affine_map<(d0, d1) -> (0, 0, 0)>
#map1 = affine_map<(d0, d1) -> (0, 0)>
#map2 = affine_map<(d0, d1) -> (0)>
module attributes {stable_mosaic.version = 14 : i64} {
  func.func @k(%arg0: i32, %arg1: i32, %arg2: memref<32x20x512xi32, #tpu.memory_space<hbm>>, %arg3: memref<32x3072xf32, #tpu.memory_space<hbm>>, %arg4: memref<20x100000x32xf32, #tpu.memory_space<hbm>>, %arg5: memref<6x32xf32, #tpu.memory_space<hbm>>, %arg6: memref<6x32xf32, #tpu.memory_space<hbm>>, %arg7: memref<13631488xf32, #tpu.memory_space<hbm>>, %arg8: memref<20x512xi32, #tpu.memory_space<vmem>>, %arg9: memref<3072xf32, #tpu.memory_space<vmem>>, %arg10: memref<2x64x32xf32, #tpu.memory_space<vmem>>, %arg11: memref<53248xf32, #tpu.memory_space<vmem>>, %arg12: memref<6x32xf32, #tpu.memory_space<vmem>>, %arg13: memref<6x32xf32, #tpu.memory_space<vmem>>, %arg14: memref<!tpu.dma_semaphore, #tpu.memory_space<semaphore_mem>>, %arg15: memref<!tpu.dma_semaphore, #tpu.memory_space<semaphore_mem>>) attributes {dimension_semantics = [#tpu.dimension_semantics<core_parallel>, #tpu.dimension_semantics<subcore_parallel>], iteration_bounds = array<i64: 2, 16>, scalar_prefetch = 0 : i64, scratch_operands = 8 : i64, tpu.core_type = #tpu.core_type<sc_vector_subcore>, window_params = [{transform_indices = #map}, {transform_indices = #map1}, {transform_indices = #map}, {transform_indices = #map1}, {transform_indices = #map1}, {transform_indices = #map2}]} {
    %mul3A = arith.constant 2 : i32
    %mul3A_0 = arith.muli %arg1, %mul3A : i32
    %add3A = arith.addi %mul3A_0, %arg0 : i32
    %iota3A = tpu.iota {dimensions = array<i32: 0>} : vector<16xi32>
    %mul3A_1 = arith.constant 26 : i32
    %mul3A_2 = vector.broadcast %mul3A_1 : i32 to vector<16xi32>
    %mul3A_3 = arith.muli %iota3A, %mul3A_2 : vector<16xi32>
    %add3A_4 = arith.constant 16 : i32
    %add3A_5 = vector.broadcast %add3A_4 : i32 to vector<16xi32>
    %add3A_6 = arith.addi %iota3A, %add3A_5 : vector<16xi32>
    %mul3A_7 = arith.constant 26 : i32
    %mul3A_8 = vector.broadcast %mul3A_7 : i32 to vector<16xi32>
    %mul3A_9 = arith.muli %add3A_6, %mul3A_8 : vector<16xi32>
    "tpu.region"() ({
      %run_scoped3A = tpu.sem_alloc : memref<!tpu.dma_semaphore, #tpu.memory_space<semaphore_mem>>
      tpu.enqueue_dma source(%arg5 : memref<6x32xf32, #tpu.memory_space<hbm>>) target(%arg12 : memref<6x32xf32, #tpu.memory_space<vmem>>) target_semaphore(%run_scoped3A : memref<!tpu.dma_semaphore, #tpu.memory_space<semaphore_mem>>)
      tpu.wait_dma2 semaphore(%run_scoped3A : memref<!tpu.dma_semaphore, #tpu.memory_space<semaphore_mem>>) src(%arg5 : memref<6x32xf32, #tpu.memory_space<hbm>>) dst(%arg12 : memref<6x32xf32, #tpu.memory_space<vmem>>)
      tpu.yield
    }) : () -> ()
    "tpu.region"() ({
      %run_scoped3A = tpu.sem_alloc : memref<!tpu.dma_semaphore, #tpu.memory_space<semaphore_mem>>
      tpu.enqueue_dma source(%arg6 : memref<6x32xf32, #tpu.memory_space<hbm>>) target(%arg13 : memref<6x32xf32, #tpu.memory_space<vmem>>) target_semaphore(%run_scoped3A : memref<!tpu.dma_semaphore, #tpu.memory_space<semaphore_mem>>)
      tpu.wait_dma2 semaphore(%run_scoped3A : memref<!tpu.dma_semaphore, #tpu.memory_space<semaphore_mem>>) src(%arg6 : memref<6x32xf32, #tpu.memory_space<hbm>>) dst(%arg13 : memref<6x32xf32, #tpu.memory_space<vmem>>)
      tpu.yield
    }) : () -> ()
    "tpu.region"() ({
      %run_scoped3A = tpu.sem_alloc : memref<!tpu.dma_semaphore, #tpu.memory_space<semaphore_mem>>
      %dma_start3A = arith.constant 0 : i32
      %dma_start3A_14 = arith.constant 0 : i32
      %dma_start3A_15 = tpu.memref_slice %arg2[%add3A, %dma_start3A, %dma_start3A_14] : memref<32x20x512xi32, #tpu.memory_space<hbm>> -> memref<1x20x512xi32, #tpu.memory_space<hbm>>
      %dma_start3A_16 = tpu.memref_squeeze %dma_start3A_15 : memref<1x20x512xi32, #tpu.memory_space<hbm>> -> memref<20x512xi32, #tpu.memory_space<hbm>>
      %dma_start3A_17 = arith.constant 0 : i32
      %dma_start3A_18 = arith.constant 0 : i32
      %dma_start3A_19 = tpu.memref_slice %arg2[%add3A, %dma_start3A_17, %dma_start3A_18] : memref<32x20x512xi32, #tpu.memory_space<hbm>> -> memref<1x20x512xi32, #tpu.memory_space<hbm>>
      %dma_start3A_20 = tpu.memref_squeeze %dma_start3A_19 : memref<1x20x512xi32, #tpu.memory_space<hbm>> -> memref<20x512xi32, #tpu.memory_space<hbm>>
      tpu.enqueue_dma source(%dma_start3A_20 : memref<20x512xi32, #tpu.memory_space<hbm>>) target(%arg8 : memref<20x512xi32, #tpu.memory_space<vmem>>) target_semaphore(%run_scoped3A : memref<!tpu.dma_semaphore, #tpu.memory_space<semaphore_mem>>)
      %dma_wait3A = arith.constant 0 : i32
      %dma_wait3A_21 = arith.constant 0 : i32
      %dma_wait3A_22 = tpu.memref_slice %arg2[%add3A, %dma_wait3A, %dma_wait3A_21] : memref<32x20x512xi32, #tpu.memory_space<hbm>> -> memref<1x20x512xi32, #tpu.memory_space<hbm>>
      %dma_wait3A_23 = tpu.memref_squeeze %dma_wait3A_22 : memref<1x20x512xi32, #tpu.memory_space<hbm>> -> memref<20x512xi32, #tpu.memory_space<hbm>>
      %dma_wait3A_24 = arith.constant 0 : i32
      %dma_wait3A_25 = arith.constant 0 : i32
      %dma_wait3A_26 = tpu.memref_slice %arg2[%add3A, %dma_wait3A_24, %dma_wait3A_25] : memref<32x20x512xi32, #tpu.memory_space<hbm>> -> memref<1x20x512xi32, #tpu.memory_space<hbm>>
      %dma_wait3A_27 = tpu.memref_squeeze %dma_wait3A_26 : memref<1x20x512xi32, #tpu.memory_space<hbm>> -> memref<20x512xi32, #tpu.memory_space<hbm>>
      tpu.wait_dma2 semaphore(%run_scoped3A : memref<!tpu.dma_semaphore, #tpu.memory_space<semaphore_mem>>) src(%dma_wait3A_27 : memref<20x512xi32, #tpu.memory_space<hbm>>) dst(%arg8 : memref<20x512xi32, #tpu.memory_space<vmem>>)
      tpu.yield
    }) : () -> ()
    "tpu.region"() ({
      %run_scoped3A = tpu.sem_alloc : memref<!tpu.dma_semaphore, #tpu.memory_space<semaphore_mem>>
      %dma_start3A = arith.constant 0 : i32
      %dma_start3A_14 = tpu.memref_slice %arg3[%add3A, %dma_start3A] : memref<32x3072xf32, #tpu.memory_space<hbm>> -> memref<1x3072xf32, #tpu.memory_space<hbm>>
      %dma_start3A_15 = tpu.memref_squeeze %dma_start3A_14 : memref<1x3072xf32, #tpu.memory_space<hbm>> -> memref<3072xf32, #tpu.memory_space<hbm>>
      %dma_start3A_16 = arith.constant 0 : i32
      %dma_start3A_17 = tpu.memref_slice %arg3[%add3A, %dma_start3A_16] : memref<32x3072xf32, #tpu.memory_space<hbm>> -> memref<1x3072xf32, #tpu.memory_space<hbm>>
      %dma_start3A_18 = tpu.memref_squeeze %dma_start3A_17 : memref<1x3072xf32, #tpu.memory_space<hbm>> -> memref<3072xf32, #tpu.memory_space<hbm>>
      tpu.enqueue_dma source(%dma_start3A_18 : memref<3072xf32, #tpu.memory_space<hbm>>) target(%arg9 : memref<3072xf32, #tpu.memory_space<vmem>>) target_semaphore(%run_scoped3A : memref<!tpu.dma_semaphore, #tpu.memory_space<semaphore_mem>>)
      %dma_wait3A = arith.constant 0 : i32
      %dma_wait3A_19 = tpu.memref_slice %arg3[%add3A, %dma_wait3A] : memref<32x3072xf32, #tpu.memory_space<hbm>> -> memref<1x3072xf32, #tpu.memory_space<hbm>>
      %dma_wait3A_20 = tpu.memref_squeeze %dma_wait3A_19 : memref<1x3072xf32, #tpu.memory_space<hbm>> -> memref<3072xf32, #tpu.memory_space<hbm>>
      %dma_wait3A_21 = arith.constant 0 : i32
      %dma_wait3A_22 = tpu.memref_slice %arg3[%add3A, %dma_wait3A_21] : memref<32x3072xf32, #tpu.memory_space<hbm>> -> memref<1x3072xf32, #tpu.memory_space<hbm>>
      %dma_wait3A_23 = tpu.memref_squeeze %dma_wait3A_22 : memref<1x3072xf32, #tpu.memory_space<hbm>> -> memref<3072xf32, #tpu.memory_space<hbm>>
      tpu.wait_dma2 semaphore(%run_scoped3A : memref<!tpu.dma_semaphore, #tpu.memory_space<semaphore_mem>>) src(%dma_wait3A_23 : memref<3072xf32, #tpu.memory_space<hbm>>) dst(%arg9 : memref<3072xf32, #tpu.memory_space<vmem>>)
      tpu.yield
    }) : () -> ()
    %scan3A = arith.constant 0 : i32
    %scan3A_10 = arith.constant 8 : i32
    %scan3A_11 = arith.addi %scan3A, %scan3A_10 : i32
    %scan3A_12 = arith.constant 1 : i32
    scf.for %scan3A_14 = %scan3A to %scan3A_11 step %scan3A_12  : i32 {
      %mul3A_15 = arith.constant 64 : i32
      %mul3A_16 = arith.muli %scan3A_14, %mul3A_15 : i32
      %dma_start3A = arith.constant 0 : i32
      %dma_start3A_17 = arith.constant 0 : i32
      %dma_start3A_18 = arith.constant 0 : i32
      %dma_start3A_19 = arith.constant 0 : i32
      %dma_start3A_20 = arith.constant 0 : i32
      %dma_start3A_21 = tpu.memref_slice %arg10[%dma_start3A_18, %dma_start3A_19, %dma_start3A_20] : memref<2x64x32xf32, #tpu.memory_space<vmem>> -> memref<1x64x32xf32, #tpu.memory_space<vmem>>
      %dma_start3A_22 = tpu.memref_squeeze %dma_start3A_21 : memref<1x64x32xf32, #tpu.memory_space<vmem>> -> memref<64x32xf32, #tpu.memory_space<vmem>>
      %dma_start3A_23 = tpu.memref_slice %arg8[%dma_start3A_17, %mul3A_16] : memref<20x512xi32, #tpu.memory_space<vmem>> -> memref<1x64xi32, #tpu.memory_space<vmem>>
      %dma_start3A_24 = tpu.memref_squeeze %dma_start3A_23 : memref<1x64xi32, #tpu.memory_space<vmem>> -> memref<64xi32, #tpu.memory_space<vmem>>
      %dma_start3A_25 = arith.constant 0 : i32
      %dma_start3A_26 = arith.constant 0 : i32
      %dma_start3A_27 = tpu.memref_slice %arg4[%dma_start3A, %dma_start3A_25, %dma_start3A_26] : memref<20x100000x32xf32, #tpu.memory_space<hbm>> -> memref<1x100000x32xf32, #tpu.memory_space<hbm>>
      %dma_start3A_28 = tpu.memref_squeeze %dma_start3A_27 : memref<1x100000x32xf32, #tpu.memory_space<hbm>> -> memref<100000x32xf32, #tpu.memory_space<hbm>>
      %dma_start3A_29 = arith.constant 0 : i32
      %dma_start3A_30 = arith.constant 0 : i32
      %dma_start3A_31 = tpu.memref_slice %dma_start3A_28[%dma_start3A_29, %dma_start3A_30] : memref<100000x32xf32, #tpu.memory_space<hbm>> -> memref<100000x32xf32, #tpu.memory_space<hbm>>
      tpu.enqueue_indirect_dma source(%dma_start3A_31 : memref<100000x32xf32, #tpu.memory_space<hbm>>) target(%dma_start3A_22 : memref<64x32xf32, #tpu.memory_space<vmem>>) offsets(%dma_start3A_24 : memref<64xi32, #tpu.memory_space<vmem>>) semaphore(%arg14 : memref<!tpu.dma_semaphore, #tpu.memory_space<semaphore_mem>>)
      %dma_start3A_32 = arith.constant 1 : i32
      %dma_start3A_33 = arith.constant 1 : i32
      %dma_start3A_34 = arith.constant 1 : i32
      %dma_start3A_35 = arith.constant 0 : i32
      %dma_start3A_36 = arith.constant 0 : i32
      %dma_start3A_37 = tpu.memref_slice %arg10[%dma_start3A_34, %dma_start3A_35, %dma_start3A_36] : memref<2x64x32xf32, #tpu.memory_space<vmem>> -> memref<1x64x32xf32, #tpu.memory_space<vmem>>
      %dma_start3A_38 = tpu.memref_squeeze %dma_start3A_37 : memref<1x64x32xf32, #tpu.memory_space<vmem>> -> memref<64x32xf32, #tpu.memory_space<vmem>>
      %dma_start3A_39 = tpu.memref_slice %arg8[%dma_start3A_33, %mul3A_16] : memref<20x512xi32, #tpu.memory_space<vmem>> -> memref<1x64xi32, #tpu.memory_space<vmem>>
      %dma_start3A_40 = tpu.memref_squeeze %dma_start3A_39 : memref<1x64xi32, #tpu.memory_space<vmem>> -> memref<64xi32, #tpu.memory_space<vmem>>
      %dma_start3A_41 = arith.constant 0 : i32
      %dma_start3A_42 = arith.constant 0 : i32
      %dma_start3A_43 = tpu.memref_slice %arg4[%dma_start3A_32, %dma_start3A_41, %dma_start3A_42] : memref<20x100000x32xf32, #tpu.memory_space<hbm>> -> memref<1x100000x32xf32, #tpu.memory_space<hbm>>
      %dma_start3A_44 = tpu.memref_squeeze %dma_start3A_43 : memref<1x100000x32xf32, #tpu.memory_space<hbm>> -> memref<100000x32xf32, #tpu.memory_space<hbm>>
      %dma_start3A_45 = arith.constant 0 : i32
      %dma_start3A_46 = arith.constant 0 : i32
      %dma_start3A_47 = tpu.memref_slice %dma_start3A_44[%dma_start3A_45, %dma_start3A_46] : memref<100000x32xf32, #tpu.memory_space<hbm>> -> memref<100000x32xf32, #tpu.memory_space<hbm>>
      tpu.enqueue_indirect_dma source(%dma_start3A_47 : memref<100000x32xf32, #tpu.memory_space<hbm>>) target(%dma_start3A_38 : memref<64x32xf32, #tpu.memory_space<vmem>>) offsets(%dma_start3A_40 : memref<64xi32, #tpu.memory_space<vmem>>) semaphore(%arg15 : memref<!tpu.dma_semaphore, #tpu.memory_space<semaphore_mem>>)
      %dma_wait3A = arith.constant 0 : i32
      %dma_wait3A_48 = arith.constant 0 : i32
      %dma_wait3A_49 = arith.constant 0 : i32
      %dma_wait3A_50 = arith.constant 0 : i32
      %dma_wait3A_51 = arith.constant 0 : i32
      %dma_wait3A_52 = tpu.memref_slice %arg10[%dma_wait3A_49, %dma_wait3A_50, %dma_wait3A_51] : memref<2x64x32xf32, #tpu.memory_space<vmem>> -> memref<1x64x32xf32, #tpu.memory_space<vmem>>
      %dma_wait3A_53 = tpu.memref_squeeze %dma_wait3A_52 : memref<1x64x32xf32, #tpu.memory_space<vmem>> -> memref<64x32xf32, #tpu.memory_space<vmem>>
      %dma_wait3A_54 = tpu.memref_slice %arg8[%dma_wait3A_48, %mul3A_16] : memref<20x512xi32, #tpu.memory_space<vmem>> -> memref<1x64xi32, #tpu.memory_space<vmem>>
      %dma_wait3A_55 = tpu.memref_squeeze %dma_wait3A_54 : memref<1x64xi32, #tpu.memory_space<vmem>> -> memref<64xi32, #tpu.memory_space<vmem>>
      %dma_wait3A_56 = arith.constant 0 : i32
      %dma_wait3A_57 = arith.constant 0 : i32
      %dma_wait3A_58 = tpu.memref_slice %arg4[%dma_wait3A, %dma_wait3A_56, %dma_wait3A_57] : memref<20x100000x32xf32, #tpu.memory_space<hbm>> -> memref<1x100000x32xf32, #tpu.memory_space<hbm>>
      %dma_wait3A_59 = tpu.memref_squeeze %dma_wait3A_58 : memref<1x100000x32xf32, #tpu.memory_space<hbm>> -> memref<100000x32xf32, #tpu.memory_space<hbm>>
      %dma_wait3A_60 = arith.constant 0 : i32
      %dma_wait3A_61 = arith.constant 0 : i32
      %dma_wait3A_62 = tpu.memref_slice %dma_wait3A_59[%dma_wait3A_60, %dma_wait3A_61] : memref<100000x32xf32, #tpu.memory_space<hbm>> -> memref<100000x32xf32, #tpu.memory_space<hbm>>
      tpu.wait_indirect_dma semaphore(%arg14 : memref<!tpu.dma_semaphore, #tpu.memory_space<semaphore_mem>>) src(%dma_wait3A_62 : memref<100000x32xf32, #tpu.memory_space<hbm>>) dst(%dma_wait3A_53 : memref<64x32xf32, #tpu.memory_space<vmem>>)
      %scan3A_63 = arith.constant 0 : i32
      %scan3A_64 = arith.constant 64 : i32
      %scan3A_65 = arith.addi %scan3A_63, %scan3A_64 : i32
      %scan3A_66 = arith.constant 1 : i32
      scf.for %scan3A_767 = %scan3A_63 to %scan3A_65 step %scan3A_66  : i32 {
        %mul3A_768 = arith.constant 832 : i32
        %mul3A_769 = arith.muli %scan3A_767, %mul3A_768 : i32
        %add3A_770 = arith.constant 0 : i32
        %add3A_771 = arith.addi %mul3A_769, %add3A_770 : i32
        %add3A_772 = vector.broadcast %add3A_771 : i32 to vector<16xi32>
        %add3A_773 = arith.addi %mul3A_3, %add3A_772 : vector<16xi32>
        %get3A = arith.constant 0 : i32
        %get3A_774 = arith.index_cast %get3A : i32 to index
        %get3A_775 = arith.index_cast %scan3A_767 : i32 to index
        %get3A_776 = arith.constant 0 : index
        %get3A_777 = tpu.vector_load %arg10[%get3A_774, %get3A_775, %get3A_776] {strides = array<i32>} : memref<2x64x32xf32, #tpu.memory_space<vmem>>, vector<16xf32>,
        tpu.vector_store_idx %arg11[%add3A_773], %get3A_777 : memref<53248xf32, #tpu.memory_space<vmem>>[vector<16xi32>], vector<16xf32>,
        %add3A_778 = vector.broadcast %add3A_771 : i32 to vector<16xi32>
        %add3A_779 = arith.addi %mul3A_9, %add3A_778 : vector<16xi32>
        %get3A_780 = arith.constant 0 : i32
        %get3A_781 = arith.index_cast %get3A_780 : i32 to index
        %get3A_782 = arith.index_cast %scan3A_767 : i32 to index
        %get3A_783 = arith.constant 16 : index
        %get3A_784 = tpu.vector_load %arg10[%get3A_781, %get3A_782, %get3A_783] {strides = array<i32>} : memref<2x64x32xf32, #tpu.memory_space<vmem>>, vector<16xf32>,
        tpu.vector_store_idx %arg11[%add3A_779], %get3A_784 : memref<53248xf32, #tpu.memory_space<vmem>>[vector<16xi32>], vector<16xf32>,
      }
      %scan3A_67 = arith.constant 64 : i32
      %dma_start3A_68 = arith.constant 2 : i32
      %dma_start3A_69 = arith.constant 2 : i32
      %dma_start3A_70 = arith.constant 0 : i32
      %dma_start3A_71 = arith.constant 0 : i32
      %dma_start3A_72 = arith.constant 0 : i32
      %dma_start3A_73 = tpu.memref_slice %arg10[%dma_start3A_70, %dma_start3A_71, %dma_start3A_72] : memref<2x64x32xf32, #tpu.memory_space<vmem>> -> memref<1x64x32xf32, #tpu.memory_space<vmem>>
      %dma_start3A_74 = tpu.memref_squeeze %dma_start3A_73 : memref<1x64x32xf32, #tpu.memory_space<vmem>> -> memref<64x32xf32, #tpu.memory_space<vmem>>
      %dma_start3A_75 = tpu.memref_slice %arg8[%dma_start3A_69, %mul3A_16] : memref<20x512xi32, #tpu.memory_space<vmem>> -> memref<1x64xi32, #tpu.memory_space<vmem>>
      %dma_start3A_76 = tpu.memref_squeeze %dma_start3A_75 : memref<1x64xi32, #tpu.memory_space<vmem>> -> memref<64xi32, #tpu.memory_space<vmem>>
      %dma_start3A_77 = arith.constant 0 : i32
      %dma_start3A_78 = arith.constant 0 : i32
      %dma_start3A_79 = tpu.memref_slice %arg4[%dma_start3A_68, %dma_start3A_77, %dma_start3A_78] : memref<20x100000x32xf32, #tpu.memory_space<hbm>> -> memref<1x100000x32xf32, #tpu.memory_space<hbm>>
      %dma_start3A_80 = tpu.memref_squeeze %dma_start3A_79 : memref<1x100000x32xf32, #tpu.memory_space<hbm>> -> memref<100000x32xf32, #tpu.memory_space<hbm>>
      %dma_start3A_81 = arith.constant 0 : i32
      %dma_start3A_82 = arith.constant 0 : i32
      %dma_start3A_83 = tpu.memref_slice %dma_start3A_80[%dma_start3A_81, %dma_start3A_82] : memref<100000x32xf32, #tpu.memory_space<hbm>> -> memref<100000x32xf32, #tpu.memory_space<hbm>>
      tpu.enqueue_indirect_dma source(%dma_start3A_83 : memref<100000x32xf32, #tpu.memory_space<hbm>>) target(%dma_start3A_74 : memref<64x32xf32, #tpu.memory_space<vmem>>) offsets(%dma_start3A_76 : memref<64xi32, #tpu.memory_space<vmem>>) semaphore(%arg14 : memref<!tpu.dma_semaphore, #tpu.memory_space<semaphore_mem>>)
      %dma_wait3A_84 = arith.constant 1 : i32
      %dma_wait3A_85 = arith.constant 1 : i32
      %dma_wait3A_86 = arith.constant 1 : i32
      %dma_wait3A_87 = arith.constant 0 : i32
      %dma_wait3A_88 = arith.constant 0 : i32
      %dma_wait3A_89 = tpu.memref_slice %arg10[%dma_wait3A_86, %dma_wait3A_87, %dma_wait3A_88] : memref<2x64x32xf32, #tpu.memory_space<vmem>> -> memref<1x64x32xf32, #tpu.memory_space<vmem>>
      %dma_wait3A_90 = tpu.memref_squeeze %dma_wait3A_89 : memref<1x64x32xf32, #tpu.memory_space<vmem>> -> memref<64x32xf32, #tpu.memory_space<vmem>>
      %dma_wait3A_91 = tpu.memref_slice %arg8[%dma_wait3A_85, %mul3A_16] : memref<20x512xi32, #tpu.memory_space<vmem>> -> memref<1x64xi32, #tpu.memory_space<vmem>>
      %dma_wait3A_92 = tpu.memref_squeeze %dma_wait3A_91 : memref<1x64xi32, #tpu.memory_space<vmem>> -> memref<64xi32, #tpu.memory_space<vmem>>
      %dma_wait3A_93 = arith.constant 0 : i32
      %dma_wait3A_94 = arith.constant 0 : i32
      %dma_wait3A_95 = tpu.memref_slice %arg4[%dma_wait3A_84, %dma_wait3A_93, %dma_wait3A_94] : memref<20x100000x32xf32, #tpu.memory_space<hbm>> -> memref<1x100000x32xf32, #tpu.memory_space<hbm>>
      %dma_wait3A_96 = tpu.memref_squeeze %dma_wait3A_95 : memref<1x100000x32xf32, #tpu.memory_space<hbm>> -> memref<100000x32xf32, #tpu.memory_space<hbm>>
      %dma_wait3A_97 = arith.constant 0 : i32
      %dma_wait3A_98 = arith.constant 0 : i32
      %dma_wait3A_99 = tpu.memref_slice %dma_wait3A_96[%dma_wait3A_97, %dma_wait3A_98] : memref<100000x32xf32, #tpu.memory_space<hbm>> -> memref<100000x32xf32, #tpu.memory_space<hbm>>
      tpu.wait_indirect_dma semaphore(%arg15 : memref<!tpu.dma_semaphore, #tpu.memory_space<semaphore_mem>>) src(%dma_wait3A_99 : memref<100000x32xf32, #tpu.memory_space<hbm>>) dst(%dma_wait3A_90 : memref<64x32xf32, #tpu.memory_space<vmem>>)
      %scan3A_100 = arith.constant 0 : i32
      %scan3A_101 = arith.constant 64 : i32
      %scan3A_102 = arith.addi %scan3A_100, %scan3A_101 : i32
      %scan3A_103 = arith.constant 1 : i32
      scf.for %scan3A_767 = %scan3A_100 to %scan3A_102 step %scan3A_103  : i32 {
        %mul3A_768 = arith.constant 832 : i32
        %mul3A_769 = arith.muli %scan3A_767, %mul3A_768 : i32
        %add3A_770 = arith.constant 1 : i32
        %add3A_771 = arith.addi %mul3A_769, %add3A_770 : i32
        %add3A_772 = vector.broadcast %add3A_771 : i32 to vector<16xi32>
        %add3A_773 = arith.addi %mul3A_3, %add3A_772 : vector<16xi32>
        %get3A = arith.constant 1 : i32
        %get3A_774 = arith.index_cast %get3A : i32 to index
        %get3A_775 = arith.index_cast %scan3A_767 : i32 to index
        %get3A_776 = arith.constant 0 : index
        %get3A_777 = tpu.vector_load %arg10[%get3A_774, %get3A_775, %get3A_776] {strides = array<i32>} : memref<2x64x32xf32, #tpu.memory_space<vmem>>, vector<16xf32>,
        tpu.vector_store_idx %arg11[%add3A_773], %get3A_777 : memref<53248xf32, #tpu.memory_space<vmem>>[vector<16xi32>], vector<16xf32>,
        %add3A_778 = vector.broadcast %add3A_771 : i32 to vector<16xi32>
        %add3A_779 = arith.addi %mul3A_9, %add3A_778 : vector<16xi32>
        %get3A_780 = arith.constant 1 : i32
        %get3A_781 = arith.index_cast %get3A_780 : i32 to index
        %get3A_782 = arith.index_cast %scan3A_767 : i32 to index
        %get3A_783 = arith.constant 16 : index
        %get3A_784 = tpu.vector_load %arg10[%get3A_781, %get3A_782, %get3A_783] {strides = array<i32>} : memref<2x64x32xf32, #tpu.memory_space<vmem>>, vector<16xf32>,
        tpu.vector_store_idx %arg11[%add3A_779], %get3A_784 : memref<53248xf32, #tpu.memory_space<vmem>>[vector<16xi32>], vector<16xf32>,
      }
      %scan3A_104 = arith.constant 64 : i32
      %dma_start3A_105 = arith.constant 3 : i32
      %dma_start3A_106 = arith.constant 3 : i32
      %dma_start3A_107 = arith.constant 1 : i32
      %dma_start3A_108 = arith.constant 0 : i32
      %dma_start3A_109 = arith.constant 0 : i32
      %dma_start3A_110 = tpu.memref_slice %arg10[%dma_start3A_107, %dma_start3A_108, %dma_start3A_109] : memref<2x64x32xf32, #tpu.memory_space<vmem>> -> memref<1x64x32xf32, #tpu.memory_space<vmem>>
      %dma_start3A_111 = tpu.memref_squeeze %dma_start3A_110 : memref<1x64x32xf32, #tpu.memory_space<vmem>> -> memref<64x32xf32, #tpu.memory_space<vmem>>
      %dma_start3A_112 = tpu.memref_slice %arg8[%dma_start3A_106, %mul3A_16] : memref<20x512xi32, #tpu.memory_space<vmem>> -> memref<1x64xi32, #tpu.memory_space<vmem>>
      %dma_start3A_113 = tpu.memref_squeeze %dma_start3A_112 : memref<1x64xi32, #tpu.memory_space<vmem>> -> memref<64xi32, #tpu.memory_space<vmem>>
      %dma_start3A_114 = arith.constant 0 : i32
      %dma_start3A_115 = arith.constant 0 : i32
      %dma_start3A_116 = tpu.memref_slice %arg4[%dma_start3A_105, %dma_start3A_114, %dma_start3A_115] : memref<20x100000x32xf32, #tpu.memory_space<hbm>> -> memref<1x100000x32xf32, #tpu.memory_space<hbm>>
      %dma_start3A_117 = tpu.memref_squeeze %dma_start3A_116 : memref<1x100000x32xf32, #tpu.memory_space<hbm>> -> memref<100000x32xf32, #tpu.memory_space<hbm>>
      %dma_start3A_118 = arith.constant 0 : i32
      %dma_start3A_119 = arith.constant 0 : i32
      %dma_start3A_120 = tpu.memref_slice %dma_start3A_117[%dma_start3A_118, %dma_start3A_119] : memref<100000x32xf32, #tpu.memory_space<hbm>> -> memref<100000x32xf32, #tpu.memory_space<hbm>>
      tpu.enqueue_indirect_dma source(%dma_start3A_120 : memref<100000x32xf32, #tpu.memory_space<hbm>>) target(%dma_start3A_111 : memref<64x32xf32, #tpu.memory_space<vmem>>) offsets(%dma_start3A_113 : memref<64xi32, #tpu.memory_space<vmem>>) semaphore(%arg15 : memref<!tpu.dma_semaphore, #tpu.memory_space<semaphore_mem>>)
      %dma_wait3A_121 = arith.constant 2 : i32
      %dma_wait3A_122 = arith.constant 2 : i32
      %dma_wait3A_123 = arith.constant 0 : i32
      %dma_wait3A_124 = arith.constant 0 : i32
      %dma_wait3A_125 = arith.constant 0 : i32
      %dma_wait3A_126 = tpu.memref_slice %arg10[%dma_wait3A_123, %dma_wait3A_124, %dma_wait3A_125] : memref<2x64x32xf32, #tpu.memory_space<vmem>> -> memref<1x64x32xf32, #tpu.memory_space<vmem>>
      %dma_wait3A_127 = tpu.memref_squeeze %dma_wait3A_126 : memref<1x64x32xf32, #tpu.memory_space<vmem>> -> memref<64x32xf32, #tpu.memory_space<vmem>>
      %dma_wait3A_128 = tpu.memref_slice %arg8[%dma_wait3A_122, %mul3A_16] : memref<20x512xi32, #tpu.memory_space<vmem>> -> memref<1x64xi32, #tpu.memory_space<vmem>>
      %dma_wait3A_129 = tpu.memref_squeeze %dma_wait3A_128 : memref<1x64xi32, #tpu.memory_space<vmem>> -> memref<64xi32, #tpu.memory_space<vmem>>
      %dma_wait3A_130 = arith.constant 0 : i32
      %dma_wait3A_131 = arith.constant 0 : i32
      %dma_wait3A_132 = tpu.memref_slice %arg4[%dma_wait3A_121, %dma_wait3A_130, %dma_wait3A_131] : memref<20x100000x32xf32, #tpu.memory_space<hbm>> -> memref<1x100000x32xf32, #tpu.memory_space<hbm>>
      %dma_wait3A_133 = tpu.memref_squeeze %dma_wait3A_132 : memref<1x100000x32xf32, #tpu.memory_space<hbm>> -> memref<100000x32xf32, #tpu.memory_space<hbm>>
      %dma_wait3A_134 = arith.constant 0 : i32
      %dma_wait3A_135 = arith.constant 0 : i32
      %dma_wait3A_136 = tpu.memref_slice %dma_wait3A_133[%dma_wait3A_134, %dma_wait3A_135] : memref<100000x32xf32, #tpu.memory_space<hbm>> -> memref<100000x32xf32, #tpu.memory_space<hbm>>
      tpu.wait_indirect_dma semaphore(%arg14 : memref<!tpu.dma_semaphore, #tpu.memory_space<semaphore_mem>>) src(%dma_wait3A_136 : memref<100000x32xf32, #tpu.memory_space<hbm>>) dst(%dma_wait3A_127 : memref<64x32xf32, #tpu.memory_space<vmem>>)
      %scan3A_137 = arith.constant 0 : i32
      %scan3A_138 = arith.constant 64 : i32
      %scan3A_139 = arith.addi %scan3A_137, %scan3A_138 : i32
      %scan3A_140 = arith.constant 1 : i32
      scf.for %scan3A_767 = %scan3A_137 to %scan3A_139 step %scan3A_140  : i32 {
        %mul3A_768 = arith.constant 832 : i32
        %mul3A_769 = arith.muli %scan3A_767, %mul3A_768 : i32
        %add3A_770 = arith.constant 2 : i32
        %add3A_771 = arith.addi %mul3A_769, %add3A_770 : i32
        %add3A_772 = vector.broadcast %add3A_771 : i32 to vector<16xi32>
        %add3A_773 = arith.addi %mul3A_3, %add3A_772 : vector<16xi32>
        %get3A = arith.constant 0 : i32
        %get3A_774 = arith.index_cast %get3A : i32 to index
        %get3A_775 = arith.index_cast %scan3A_767 : i32 to index
        %get3A_776 = arith.constant 0 : index
        %get3A_777 = tpu.vector_load %arg10[%get3A_774, %get3A_775, %get3A_776] {strides = array<i32>} : memref<2x64x32xf32, #tpu.memory_space<vmem>>, vector<16xf32>,
        tpu.vector_store_idx %arg11[%add3A_773], %get3A_777 : memref<53248xf32, #tpu.memory_space<vmem>>[vector<16xi32>], vector<16xf32>,
        %add3A_778 = vector.broadcast %add3A_771 : i32 to vector<16xi32>
        %add3A_779 = arith.addi %mul3A_9, %add3A_778 : vector<16xi32>
        %get3A_780 = arith.constant 0 : i32
        %get3A_781 = arith.index_cast %get3A_780 : i32 to index
        %get3A_782 = arith.index_cast %scan3A_767 : i32 to index
        %get3A_783 = arith.constant 16 : index
        %get3A_784 = tpu.vector_load %arg10[%get3A_781, %get3A_782, %get3A_783] {strides = array<i32>} : memref<2x64x32xf32, #tpu.memory_space<vmem>>, vector<16xf32>,
        tpu.vector_store_idx %arg11[%add3A_779], %get3A_784 : memref<53248xf32, #tpu.memory_space<vmem>>[vector<16xi32>], vector<16xf32>,
      }
      %scan3A_141 = arith.constant 64 : i32
      %dma_start3A_142 = arith.constant 4 : i32
      %dma_start3A_143 = arith.constant 4 : i32
      %dma_start3A_144 = arith.constant 0 : i32
      %dma_start3A_145 = arith.constant 0 : i32
      %dma_start3A_146 = arith.constant 0 : i32
      %dma_start3A_147 = tpu.memref_slice %arg10[%dma_start3A_144, %dma_start3A_145, %dma_start3A_146] : memref<2x64x32xf32, #tpu.memory_space<vmem>> -> memref<1x64x32xf32, #tpu.memory_space<vmem>>
      %dma_start3A_148 = tpu.memref_squeeze %dma_start3A_147 : memref<1x64x32xf32, #tpu.memory_space<vmem>> -> memref<64x32xf32, #tpu.memory_space<vmem>>
      %dma_start3A_149 = tpu.memref_slice %arg8[%dma_start3A_143, %mul3A_16] : memref<20x512xi32, #tpu.memory_space<vmem>> -> memref<1x64xi32, #tpu.memory_space<vmem>>
      %dma_start3A_150 = tpu.memref_squeeze %dma_start3A_149 : memref<1x64xi32, #tpu.memory_space<vmem>> -> memref<64xi32, #tpu.memory_space<vmem>>
      %dma_start3A_151 = arith.constant 0 : i32
      %dma_start3A_152 = arith.constant 0 : i32
      %dma_start3A_153 = tpu.memref_slice %arg4[%dma_start3A_142, %dma_start3A_151, %dma_start3A_152] : memref<20x100000x32xf32, #tpu.memory_space<hbm>> -> memref<1x100000x32xf32, #tpu.memory_space<hbm>>
      %dma_start3A_154 = tpu.memref_squeeze %dma_start3A_153 : memref<1x100000x32xf32, #tpu.memory_space<hbm>> -> memref<100000x32xf32, #tpu.memory_space<hbm>>
      %dma_start3A_155 = arith.constant 0 : i32
      %dma_start3A_156 = arith.constant 0 : i32
      %dma_start3A_157 = tpu.memref_slice %dma_start3A_154[%dma_start3A_155, %dma_start3A_156] : memref<100000x32xf32, #tpu.memory_space<hbm>> -> memref<100000x32xf32, #tpu.memory_space<hbm>>
      tpu.enqueue_indirect_dma source(%dma_start3A_157 : memref<100000x32xf32, #tpu.memory_space<hbm>>) target(%dma_start3A_148 : memref<64x32xf32, #tpu.memory_space<vmem>>) offsets(%dma_start3A_150 : memref<64xi32, #tpu.memory_space<vmem>>) semaphore(%arg14 : memref<!tpu.dma_semaphore, #tpu.memory_space<semaphore_mem>>)
      %dma_wait3A_158 = arith.constant 3 : i32
      %dma_wait3A_159 = arith.constant 3 : i32
      %dma_wait3A_160 = arith.constant 1 : i32
      %dma_wait3A_161 = arith.constant 0 : i32
      %dma_wait3A_162 = arith.constant 0 : i32
      %dma_wait3A_163 = tpu.memref_slice %arg10[%dma_wait3A_160, %dma_wait3A_161, %dma_wait3A_162] : memref<2x64x32xf32, #tpu.memory_space<vmem>> -> memref<1x64x32xf32, #tpu.memory_space<vmem>>
      %dma_wait3A_164 = tpu.memref_squeeze %dma_wait3A_163 : memref<1x64x32xf32, #tpu.memory_space<vmem>> -> memref<64x32xf32, #tpu.memory_space<vmem>>
      %dma_wait3A_165 = tpu.memref_slice %arg8[%dma_wait3A_159, %mul3A_16] : memref<20x512xi32, #tpu.memory_space<vmem>> -> memref<1x64xi32, #tpu.memory_space<vmem>>
      %dma_wait3A_166 = tpu.memref_squeeze %dma_wait3A_165 : memref<1x64xi32, #tpu.memory_space<vmem>> -> memref<64xi32, #tpu.memory_space<vmem>>
      %dma_wait3A_167 = arith.constant 0 : i32
      %dma_wait3A_168 = arith.constant 0 : i32
      %dma_wait3A_169 = tpu.memref_slice %arg4[%dma_wait3A_158, %dma_wait3A_167, %dma_wait3A_168] : memref<20x100000x32xf32, #tpu.memory_space<hbm>> -> memref<1x100000x32xf32, #tpu.memory_space<hbm>>
      %dma_wait3A_170 = tpu.memref_squeeze %dma_wait3A_169 : memref<1x100000x32xf32, #tpu.memory_space<hbm>> -> memref<100000x32xf32, #tpu.memory_space<hbm>>
      %dma_wait3A_171 = arith.constant 0 : i32
      %dma_wait3A_172 = arith.constant 0 : i32
      %dma_wait3A_173 = tpu.memref_slice %dma_wait3A_170[%dma_wait3A_171, %dma_wait3A_172] : memref<100000x32xf32, #tpu.memory_space<hbm>> -> memref<100000x32xf32, #tpu.memory_space<hbm>>
      tpu.wait_indirect_dma semaphore(%arg15 : memref<!tpu.dma_semaphore, #tpu.memory_space<semaphore_mem>>) src(%dma_wait3A_173 : memref<100000x32xf32, #tpu.memory_space<hbm>>) dst(%dma_wait3A_164 : memref<64x32xf32, #tpu.memory_space<vmem>>)
      %scan3A_174 = arith.constant 0 : i32
      %scan3A_175 = arith.constant 64 : i32
      %scan3A_176 = arith.addi %scan3A_174, %scan3A_175 : i32
      %scan3A_177 = arith.constant 1 : i32
      scf.for %scan3A_767 = %scan3A_174 to %scan3A_176 step %scan3A_177  : i32 {
        %mul3A_768 = arith.constant 832 : i32
        %mul3A_769 = arith.muli %scan3A_767, %mul3A_768 : i32
        %add3A_770 = arith.constant 3 : i32
        %add3A_771 = arith.addi %mul3A_769, %add3A_770 : i32
        %add3A_772 = vector.broadcast %add3A_771 : i32 to vector<16xi32>
        %add3A_773 = arith.addi %mul3A_3, %add3A_772 : vector<16xi32>
        %get3A = arith.constant 1 : i32
        %get3A_774 = arith.index_cast %get3A : i32 to index
        %get3A_775 = arith.index_cast %scan3A_767 : i32 to index
        %get3A_776 = arith.constant 0 : index
        %get3A_777 = tpu.vector_load %arg10[%get3A_774, %get3A_775, %get3A_776] {strides = array<i32>} : memref<2x64x32xf32, #tpu.memory_space<vmem>>, vector<16xf32>,
        tpu.vector_store_idx %arg11[%add3A_773], %get3A_777 : memref<53248xf32, #tpu.memory_space<vmem>>[vector<16xi32>], vector<16xf32>,
        %add3A_778 = vector.broadcast %add3A_771 : i32 to vector<16xi32>
        %add3A_779 = arith.addi %mul3A_9, %add3A_778 : vector<16xi32>
        %get3A_780 = arith.constant 1 : i32
        %get3A_781 = arith.index_cast %get3A_780 : i32 to index
        %get3A_782 = arith.index_cast %scan3A_767 : i32 to index
        %get3A_783 = arith.constant 16 : index
        %get3A_784 = tpu.vector_load %arg10[%get3A_781, %get3A_782, %get3A_783] {strides = array<i32>} : memref<2x64x32xf32, #tpu.memory_space<vmem>>, vector<16xf32>,
        tpu.vector_store_idx %arg11[%add3A_779], %get3A_784 : memref<53248xf32, #tpu.memory_space<vmem>>[vector<16xi32>], vector<16xf32>,
      }
      %scan3A_178 = arith.constant 64 : i32
      %dma_start3A_179 = arith.constant 5 : i32
      %dma_start3A_180 = arith.constant 5 : i32
      %dma_start3A_181 = arith.constant 1 : i32
      %dma_start3A_182 = arith.constant 0 : i32
      %dma_start3A_183 = arith.constant 0 : i32
      %dma_start3A_184 = tpu.memref_slice %arg10[%dma_start3A_181, %dma_start3A_182, %dma_start3A_183] : memref<2x64x32xf32, #tpu.memory_space<vmem>> -> memref<1x64x32xf32, #tpu.memory_space<vmem>>
      %dma_start3A_185 = tpu.memref_squeeze %dma_start3A_184 : memref<1x64x32xf32, #tpu.memory_space<vmem>> -> memref<64x32xf32, #tpu.memory_space<vmem>>
      %dma_start3A_186 = tpu.memref_slice %arg8[%dma_start3A_180, %mul3A_16] : memref<20x512xi32, #tpu.memory_space<vmem>> -> memref<1x64xi32, #tpu.memory_space<vmem>>
      %dma_start3A_187 = tpu.memref_squeeze %dma_start3A_186 : memref<1x64xi32, #tpu.memory_space<vmem>> -> memref<64xi32, #tpu.memory_space<vmem>>
      %dma_start3A_188 = arith.constant 0 : i32
      %dma_start3A_189 = arith.constant 0 : i32
      %dma_start3A_190 = tpu.memref_slice %arg4[%dma_start3A_179, %dma_start3A_188, %dma_start3A_189] : memref<20x100000x32xf32, #tpu.memory_space<hbm>> -> memref<1x100000x32xf32, #tpu.memory_space<hbm>>
      %dma_start3A_191 = tpu.memref_squeeze %dma_start3A_190 : memref<1x100000x32xf32, #tpu.memory_space<hbm>> -> memref<100000x32xf32, #tpu.memory_space<hbm>>
      %dma_start3A_192 = arith.constant 0 : i32
      %dma_start3A_193 = arith.constant 0 : i32
      %dma_start3A_194 = tpu.memref_slice %dma_start3A_191[%dma_start3A_192, %dma_start3A_193] : memref<100000x32xf32, #tpu.memory_space<hbm>> -> memref<100000x32xf32, #tpu.memory_space<hbm>>
      tpu.enqueue_indirect_dma source(%dma_start3A_194 : memref<100000x32xf32, #tpu.memory_space<hbm>>) target(%dma_start3A_185 : memref<64x32xf32, #tpu.memory_space<vmem>>) offsets(%dma_start3A_187 : memref<64xi32, #tpu.memory_space<vmem>>) semaphore(%arg15 : memref<!tpu.dma_semaphore, #tpu.memory_space<semaphore_mem>>)
      %dma_wait3A_195 = arith.constant 4 : i32
      %dma_wait3A_196 = arith.constant 4 : i32
      %dma_wait3A_197 = arith.constant 0 : i32
      %dma_wait3A_198 = arith.constant 0 : i32
      %dma_wait3A_199 = arith.constant 0 : i32
      %dma_wait3A_200 = tpu.memref_slice %arg10[%dma_wait3A_197, %dma_wait3A_198, %dma_wait3A_199] : memref<2x64x32xf32, #tpu.memory_space<vmem>> -> memref<1x64x32xf32, #tpu.memory_space<vmem>>
      %dma_wait3A_201 = tpu.memref_squeeze %dma_wait3A_200 : memref<1x64x32xf32, #tpu.memory_space<vmem>> -> memref<64x32xf32, #tpu.memory_space<vmem>>
      %dma_wait3A_202 = tpu.memref_slice %arg8[%dma_wait3A_196, %mul3A_16] : memref<20x512xi32, #tpu.memory_space<vmem>> -> memref<1x64xi32, #tpu.memory_space<vmem>>
      %dma_wait3A_203 = tpu.memref_squeeze %dma_wait3A_202 : memref<1x64xi32, #tpu.memory_space<vmem>> -> memref<64xi32, #tpu.memory_space<vmem>>
      %dma_wait3A_204 = arith.constant 0 : i32
      %dma_wait3A_205 = arith.constant 0 : i32
      %dma_wait3A_206 = tpu.memref_slice %arg4[%dma_wait3A_195, %dma_wait3A_204, %dma_wait3A_205] : memref<20x100000x32xf32, #tpu.memory_space<hbm>> -> memref<1x100000x32xf32, #tpu.memory_space<hbm>>
      %dma_wait3A_207 = tpu.memref_squeeze %dma_wait3A_206 : memref<1x100000x32xf32, #tpu.memory_space<hbm>> -> memref<100000x32xf32, #tpu.memory_space<hbm>>
      %dma_wait3A_208 = arith.constant 0 : i32
      %dma_wait3A_209 = arith.constant 0 : i32
      %dma_wait3A_210 = tpu.memref_slice %dma_wait3A_207[%dma_wait3A_208, %dma_wait3A_209] : memref<100000x32xf32, #tpu.memory_space<hbm>> -> memref<100000x32xf32, #tpu.memory_space<hbm>>
      tpu.wait_indirect_dma semaphore(%arg14 : memref<!tpu.dma_semaphore, #tpu.memory_space<semaphore_mem>>) src(%dma_wait3A_210 : memref<100000x32xf32, #tpu.memory_space<hbm>>) dst(%dma_wait3A_201 : memref<64x32xf32, #tpu.memory_space<vmem>>)
      %scan3A_211 = arith.constant 0 : i32
      %scan3A_212 = arith.constant 64 : i32
      %scan3A_213 = arith.addi %scan3A_211, %scan3A_212 : i32
      %scan3A_214 = arith.constant 1 : i32
      scf.for %scan3A_767 = %scan3A_211 to %scan3A_213 step %scan3A_214  : i32 {
        %mul3A_768 = arith.constant 832 : i32
        %mul3A_769 = arith.muli %scan3A_767, %mul3A_768 : i32
        %add3A_770 = arith.constant 4 : i32
        %add3A_771 = arith.addi %mul3A_769, %add3A_770 : i32
        %add3A_772 = vector.broadcast %add3A_771 : i32 to vector<16xi32>
        %add3A_773 = arith.addi %mul3A_3, %add3A_772 : vector<16xi32>
        %get3A = arith.constant 0 : i32
        %get3A_774 = arith.index_cast %get3A : i32 to index
        %get3A_775 = arith.index_cast %scan3A_767 : i32 to index
        %get3A_776 = arith.constant 0 : index
        %get3A_777 = tpu.vector_load %arg10[%get3A_774, %get3A_775, %get3A_776] {strides = array<i32>} : memref<2x64x32xf32, #tpu.memory_space<vmem>>, vector<16xf32>,
        tpu.vector_store_idx %arg11[%add3A_773], %get3A_777 : memref<53248xf32, #tpu.memory_space<vmem>>[vector<16xi32>], vector<16xf32>,
        %add3A_778 = vector.broadcast %add3A_771 : i32 to vector<16xi32>
        %add3A_779 = arith.addi %mul3A_9, %add3A_778 : vector<16xi32>
        %get3A_780 = arith.constant 0 : i32
        %get3A_781 = arith.index_cast %get3A_780 : i32 to index
        %get3A_782 = arith.index_cast %scan3A_767 : i32 to index
        %get3A_783 = arith.constant 16 : index
        %get3A_784 = tpu.vector_load %arg10[%get3A_781, %get3A_782, %get3A_783] {strides = array<i32>} : memref<2x64x32xf32, #tpu.memory_space<vmem>>, vector<16xf32>,
        tpu.vector_store_idx %arg11[%add3A_779], %get3A_784 : memref<53248xf32, #tpu.memory_space<vmem>>[vector<16xi32>], vector<16xf32>,
      }
      %scan3A_215 = arith.constant 64 : i32
      %dma_start3A_216 = arith.constant 6 : i32
      %dma_start3A_217 = arith.constant 6 : i32
      %dma_start3A_218 = arith.constant 0 : i32
      %dma_start3A_219 = arith.constant 0 : i32
      %dma_start3A_220 = arith.constant 0 : i32
      %dma_start3A_221 = tpu.memref_slice %arg10[%dma_start3A_218, %dma_start3A_219, %dma_start3A_220] : memref<2x64x32xf32, #tpu.memory_space<vmem>> -> memref<1x64x32xf32, #tpu.memory_space<vmem>>
      %dma_start3A_222 = tpu.memref_squeeze %dma_start3A_221 : memref<1x64x32xf32, #tpu.memory_space<vmem>> -> memref<64x32xf32, #tpu.memory_space<vmem>>
      %dma_start3A_223 = tpu.memref_slice %arg8[%dma_start3A_217, %mul3A_16] : memref<20x512xi32, #tpu.memory_space<vmem>> -> memref<1x64xi32, #tpu.memory_space<vmem>>
      %dma_start3A_224 = tpu.memref_squeeze %dma_start3A_223 : memref<1x64xi32, #tpu.memory_space<vmem>> -> memref<64xi32, #tpu.memory_space<vmem>>
      %dma_start3A_225 = arith.constant 0 : i32
      %dma_start3A_226 = arith.constant 0 : i32
      %dma_start3A_227 = tpu.memref_slice %arg4[%dma_start3A_216, %dma_start3A_225, %dma_start3A_226] : memref<20x100000x32xf32, #tpu.memory_space<hbm>> -> memref<1x100000x32xf32, #tpu.memory_space<hbm>>
      %dma_start3A_228 = tpu.memref_squeeze %dma_start3A_227 : memref<1x100000x32xf32, #tpu.memory_space<hbm>> -> memref<100000x32xf32, #tpu.memory_space<hbm>>
      %dma_start3A_229 = arith.constant 0 : i32
      %dma_start3A_230 = arith.constant 0 : i32
      %dma_start3A_231 = tpu.memref_slice %dma_start3A_228[%dma_start3A_229, %dma_start3A_230] : memref<100000x32xf32, #tpu.memory_space<hbm>> -> memref<100000x32xf32, #tpu.memory_space<hbm>>
      tpu.enqueue_indirect_dma source(%dma_start3A_231 : memref<100000x32xf32, #tpu.memory_space<hbm>>) target(%dma_start3A_222 : memref<64x32xf32, #tpu.memory_space<vmem>>) offsets(%dma_start3A_224 : memref<64xi32, #tpu.memory_space<vmem>>) semaphore(%arg14 : memref<!tpu.dma_semaphore, #tpu.memory_space<semaphore_mem>>)
      %dma_wait3A_232 = arith.constant 5 : i32
      %dma_wait3A_233 = arith.constant 5 : i32
      %dma_wait3A_234 = arith.constant 1 : i32
      %dma_wait3A_235 = arith.constant 0 : i32
      %dma_wait3A_236 = arith.constant 0 : i32
      %dma_wait3A_237 = tpu.memref_slice %arg10[%dma_wait3A_234, %dma_wait3A_235, %dma_wait3A_236] : memref<2x64x32xf32, #tpu.memory_space<vmem>> -> memref<1x64x32xf32, #tpu.memory_space<vmem>>
      %dma_wait3A_238 = tpu.memref_squeeze %dma_wait3A_237 : memref<1x64x32xf32, #tpu.memory_space<vmem>> -> memref<64x32xf32, #tpu.memory_space<vmem>>
      %dma_wait3A_239 = tpu.memref_slice %arg8[%dma_wait3A_233, %mul3A_16] : memref<20x512xi32, #tpu.memory_space<vmem>> -> memref<1x64xi32, #tpu.memory_space<vmem>>
      %dma_wait3A_240 = tpu.memref_squeeze %dma_wait3A_239 : memref<1x64xi32, #tpu.memory_space<vmem>> -> memref<64xi32, #tpu.memory_space<vmem>>
      %dma_wait3A_241 = arith.constant 0 : i32
      %dma_wait3A_242 = arith.constant 0 : i32
      %dma_wait3A_243 = tpu.memref_slice %arg4[%dma_wait3A_232, %dma_wait3A_241, %dma_wait3A_242] : memref<20x100000x32xf32, #tpu.memory_space<hbm>> -> memref<1x100000x32xf32, #tpu.memory_space<hbm>>
      %dma_wait3A_244 = tpu.memref_squeeze %dma_wait3A_243 : memref<1x100000x32xf32, #tpu.memory_space<hbm>> -> memref<100000x32xf32, #tpu.memory_space<hbm>>
      %dma_wait3A_245 = arith.constant 0 : i32
      %dma_wait3A_246 = arith.constant 0 : i32
      %dma_wait3A_247 = tpu.memref_slice %dma_wait3A_244[%dma_wait3A_245, %dma_wait3A_246] : memref<100000x32xf32, #tpu.memory_space<hbm>> -> memref<100000x32xf32, #tpu.memory_space<hbm>>
      tpu.wait_indirect_dma semaphore(%arg15 : memref<!tpu.dma_semaphore, #tpu.memory_space<semaphore_mem>>) src(%dma_wait3A_247 : memref<100000x32xf32, #tpu.memory_space<hbm>>) dst(%dma_wait3A_238 : memref<64x32xf32, #tpu.memory_space<vmem>>)
      %scan3A_248 = arith.constant 0 : i32
      %scan3A_249 = arith.constant 64 : i32
      %scan3A_250 = arith.addi %scan3A_248, %scan3A_249 : i32
      %scan3A_251 = arith.constant 1 : i32
      scf.for %scan3A_767 = %scan3A_248 to %scan3A_250 step %scan3A_251  : i32 {
        %mul3A_768 = arith.constant 832 : i32
        %mul3A_769 = arith.muli %scan3A_767, %mul3A_768 : i32
        %add3A_770 = arith.constant 5 : i32
        %add3A_771 = arith.addi %mul3A_769, %add3A_770 : i32
        %add3A_772 = vector.broadcast %add3A_771 : i32 to vector<16xi32>
        %add3A_773 = arith.addi %mul3A_3, %add3A_772 : vector<16xi32>
        %get3A = arith.constant 1 : i32
        %get3A_774 = arith.index_cast %get3A : i32 to index
        %get3A_775 = arith.index_cast %scan3A_767 : i32 to index
        %get3A_776 = arith.constant 0 : index
        %get3A_777 = tpu.vector_load %arg10[%get3A_774, %get3A_775, %get3A_776] {strides = array<i32>} : memref<2x64x32xf32, #tpu.memory_space<vmem>>, vector<16xf32>,
        tpu.vector_store_idx %arg11[%add3A_773], %get3A_777 : memref<53248xf32, #tpu.memory_space<vmem>>[vector<16xi32>], vector<16xf32>,
        %add3A_778 = vector.broadcast %add3A_771 : i32 to vector<16xi32>
        %add3A_779 = arith.addi %mul3A_9, %add3A_778 : vector<16xi32>
        %get3A_780 = arith.constant 1 : i32
        %get3A_781 = arith.index_cast %get3A_780 : i32 to index
        %get3A_782 = arith.index_cast %scan3A_767 : i32 to index
        %get3A_783 = arith.constant 16 : index
        %get3A_784 = tpu.vector_load %arg10[%get3A_781, %get3A_782, %get3A_783] {strides = array<i32>} : memref<2x64x32xf32, #tpu.memory_space<vmem>>, vector<16xf32>,
        tpu.vector_store_idx %arg11[%add3A_779], %get3A_784 : memref<53248xf32, #tpu.memory_space<vmem>>[vector<16xi32>], vector<16xf32>,
      }
      %scan3A_252 = arith.constant 64 : i32
      %dma_start3A_253 = arith.constant 7 : i32
      %dma_start3A_254 = arith.constant 7 : i32
      %dma_start3A_255 = arith.constant 1 : i32
      %dma_start3A_256 = arith.constant 0 : i32
      %dma_start3A_257 = arith.constant 0 : i32
      %dma_start3A_258 = tpu.memref_slice %arg10[%dma_start3A_255, %dma_start3A_256, %dma_start3A_257] : memref<2x64x32xf32, #tpu.memory_space<vmem>> -> memref<1x64x32xf32, #tpu.memory_space<vmem>>
      %dma_start3A_259 = tpu.memref_squeeze %dma_start3A_258 : memref<1x64x32xf32, #tpu.memory_space<vmem>> -> memref<64x32xf32, #tpu.memory_space<vmem>>
      %dma_start3A_260 = tpu.memref_slice %arg8[%dma_start3A_254, %mul3A_16] : memref<20x512xi32, #tpu.memory_space<vmem>> -> memref<1x64xi32, #tpu.memory_space<vmem>>
      %dma_start3A_261 = tpu.memref_squeeze %dma_start3A_260 : memref<1x64xi32, #tpu.memory_space<vmem>> -> memref<64xi32, #tpu.memory_space<vmem>>
      %dma_start3A_262 = arith.constant 0 : i32
      %dma_start3A_263 = arith.constant 0 : i32
      %dma_start3A_264 = tpu.memref_slice %arg4[%dma_start3A_253, %dma_start3A_262, %dma_start3A_263] : memref<20x100000x32xf32, #tpu.memory_space<hbm>> -> memref<1x100000x32xf32, #tpu.memory_space<hbm>>
      %dma_start3A_265 = tpu.memref_squeeze %dma_start3A_264 : memref<1x100000x32xf32, #tpu.memory_space<hbm>> -> memref<100000x32xf32, #tpu.memory_space<hbm>>
      %dma_start3A_266 = arith.constant 0 : i32
      %dma_start3A_267 = arith.constant 0 : i32
      %dma_start3A_268 = tpu.memref_slice %dma_start3A_265[%dma_start3A_266, %dma_start3A_267] : memref<100000x32xf32, #tpu.memory_space<hbm>> -> memref<100000x32xf32, #tpu.memory_space<hbm>>
      tpu.enqueue_indirect_dma source(%dma_start3A_268 : memref<100000x32xf32, #tpu.memory_space<hbm>>) target(%dma_start3A_259 : memref<64x32xf32, #tpu.memory_space<vmem>>) offsets(%dma_start3A_261 : memref<64xi32, #tpu.memory_space<vmem>>) semaphore(%arg15 : memref<!tpu.dma_semaphore, #tpu.memory_space<semaphore_mem>>)
      %dma_wait3A_269 = arith.constant 6 : i32
      %dma_wait3A_270 = arith.constant 6 : i32
      %dma_wait3A_271 = arith.constant 0 : i32
      %dma_wait3A_272 = arith.constant 0 : i32
      %dma_wait3A_273 = arith.constant 0 : i32
      %dma_wait3A_274 = tpu.memref_slice %arg10[%dma_wait3A_271, %dma_wait3A_272, %dma_wait3A_273] : memref<2x64x32xf32, #tpu.memory_space<vmem>> -> memref<1x64x32xf32, #tpu.memory_space<vmem>>
      %dma_wait3A_275 = tpu.memref_squeeze %dma_wait3A_274 : memref<1x64x32xf32, #tpu.memory_space<vmem>> -> memref<64x32xf32, #tpu.memory_space<vmem>>
      %dma_wait3A_276 = tpu.memref_slice %arg8[%dma_wait3A_270, %mul3A_16] : memref<20x512xi32, #tpu.memory_space<vmem>> -> memref<1x64xi32, #tpu.memory_space<vmem>>
      %dma_wait3A_277 = tpu.memref_squeeze %dma_wait3A_276 : memref<1x64xi32, #tpu.memory_space<vmem>> -> memref<64xi32, #tpu.memory_space<vmem>>
      %dma_wait3A_278 = arith.constant 0 : i32
      %dma_wait3A_279 = arith.constant 0 : i32
      %dma_wait3A_280 = tpu.memref_slice %arg4[%dma_wait3A_269, %dma_wait3A_278, %dma_wait3A_279] : memref<20x100000x32xf32, #tpu.memory_space<hbm>> -> memref<1x100000x32xf32, #tpu.memory_space<hbm>>
      %dma_wait3A_281 = tpu.memref_squeeze %dma_wait3A_280 : memref<1x100000x32xf32, #tpu.memory_space<hbm>> -> memref<100000x32xf32, #tpu.memory_space<hbm>>
      %dma_wait3A_282 = arith.constant 0 : i32
      %dma_wait3A_283 = arith.constant 0 : i32
      %dma_wait3A_284 = tpu.memref_slice %dma_wait3A_281[%dma_wait3A_282, %dma_wait3A_283] : memref<100000x32xf32, #tpu.memory_space<hbm>> -> memref<100000x32xf32, #tpu.memory_space<hbm>>
      tpu.wait_indirect_dma semaphore(%arg14 : memref<!tpu.dma_semaphore, #tpu.memory_space<semaphore_mem>>) src(%dma_wait3A_284 : memref<100000x32xf32, #tpu.memory_space<hbm>>) dst(%dma_wait3A_275 : memref<64x32xf32, #tpu.memory_space<vmem>>)
      %scan3A_285 = arith.constant 0 : i32
      %scan3A_286 = arith.constant 64 : i32
      %scan3A_287 = arith.addi %scan3A_285, %scan3A_286 : i32
      %scan3A_288 = arith.constant 1 : i32
      scf.for %scan3A_767 = %scan3A_285 to %scan3A_287 step %scan3A_288  : i32 {
        %mul3A_768 = arith.constant 832 : i32
        %mul3A_769 = arith.muli %scan3A_767, %mul3A_768 : i32
        %add3A_770 = arith.constant 6 : i32
        %add3A_771 = arith.addi %mul3A_769, %add3A_770 : i32
        %add3A_772 = vector.broadcast %add3A_771 : i32 to vector<16xi32>
        %add3A_773 = arith.addi %mul3A_3, %add3A_772 : vector<16xi32>
        %get3A = arith.constant 0 : i32
        %get3A_774 = arith.index_cast %get3A : i32 to index
        %get3A_775 = arith.index_cast %scan3A_767 : i32 to index
        %get3A_776 = arith.constant 0 : index
        %get3A_777 = tpu.vector_load %arg10[%get3A_774, %get3A_775, %get3A_776] {strides = array<i32>} : memref<2x64x32xf32, #tpu.memory_space<vmem>>, vector<16xf32>,
        tpu.vector_store_idx %arg11[%add3A_773], %get3A_777 : memref<53248xf32, #tpu.memory_space<vmem>>[vector<16xi32>], vector<16xf32>,
        %add3A_778 = vector.broadcast %add3A_771 : i32 to vector<16xi32>
        %add3A_779 = arith.addi %mul3A_9, %add3A_778 : vector<16xi32>
        %get3A_780 = arith.constant 0 : i32
        %get3A_781 = arith.index_cast %get3A_780 : i32 to index
        %get3A_782 = arith.index_cast %scan3A_767 : i32 to index
        %get3A_783 = arith.constant 16 : index
        %get3A_784 = tpu.vector_load %arg10[%get3A_781, %get3A_782, %get3A_783] {strides = array<i32>} : memref<2x64x32xf32, #tpu.memory_space<vmem>>, vector<16xf32>,
        tpu.vector_store_idx %arg11[%add3A_779], %get3A_784 : memref<53248xf32, #tpu.memory_space<vmem>>[vector<16xi32>], vector<16xf32>,
      }
      %scan3A_289 = arith.constant 64 : i32
      %dma_start3A_290 = arith.constant 8 : i32
      %dma_start3A_291 = arith.constant 8 : i32
      %dma_start3A_292 = arith.constant 0 : i32
      %dma_start3A_293 = arith.constant 0 : i32
      %dma_start3A_294 = arith.constant 0 : i32
      %dma_start3A_295 = tpu.memref_slice %arg10[%dma_start3A_292, %dma_start3A_293, %dma_start3A_294] : memref<2x64x32xf32, #tpu.memory_space<vmem>> -> memref<1x64x32xf32, #tpu.memory_space<vmem>>
      %dma_start3A_296 = tpu.memref_squeeze %dma_start3A_295 : memref<1x64x32xf32, #tpu.memory_space<vmem>> -> memref<64x32xf32, #tpu.memory_space<vmem>>
      %dma_start3A_297 = tpu.memref_slice %arg8[%dma_start3A_291, %mul3A_16] : memref<20x512xi32, #tpu.memory_space<vmem>> -> memref<1x64xi32, #tpu.memory_space<vmem>>
      %dma_start3A_298 = tpu.memref_squeeze %dma_start3A_297 : memref<1x64xi32, #tpu.memory_space<vmem>> -> memref<64xi32, #tpu.memory_space<vmem>>
      %dma_start3A_299 = arith.constant 0 : i32
      %dma_start3A_300 = arith.constant 0 : i32
      %dma_start3A_301 = tpu.memref_slice %arg4[%dma_start3A_290, %dma_start3A_299, %dma_start3A_300] : memref<20x100000x32xf32, #tpu.memory_space<hbm>> -> memref<1x100000x32xf32, #tpu.memory_space<hbm>>
      %dma_start3A_302 = tpu.memref_squeeze %dma_start3A_301 : memref<1x100000x32xf32, #tpu.memory_space<hbm>> -> memref<100000x32xf32, #tpu.memory_space<hbm>>
      %dma_start3A_303 = arith.constant 0 : i32
      %dma_start3A_304 = arith.constant 0 : i32
      %dma_start3A_305 = tpu.memref_slice %dma_start3A_302[%dma_start3A_303, %dma_start3A_304] : memref<100000x32xf32, #tpu.memory_space<hbm>> -> memref<100000x32xf32, #tpu.memory_space<hbm>>
      tpu.enqueue_indirect_dma source(%dma_start3A_305 : memref<100000x32xf32, #tpu.memory_space<hbm>>) target(%dma_start3A_296 : memref<64x32xf32, #tpu.memory_space<vmem>>) offsets(%dma_start3A_298 : memref<64xi32, #tpu.memory_space<vmem>>) semaphore(%arg14 : memref<!tpu.dma_semaphore, #tpu.memory_space<semaphore_mem>>)
      %dma_wait3A_306 = arith.constant 7 : i32
      %dma_wait3A_307 = arith.constant 7 : i32
      %dma_wait3A_308 = arith.constant 1 : i32
      %dma_wait3A_309 = arith.constant 0 : i32
      %dma_wait3A_310 = arith.constant 0 : i32
      %dma_wait3A_311 = tpu.memref_slice %arg10[%dma_wait3A_308, %dma_wait3A_309, %dma_wait3A_310] : memref<2x64x32xf32, #tpu.memory_space<vmem>> -> memref<1x64x32xf32, #tpu.memory_space<vmem>>
      %dma_wait3A_312 = tpu.memref_squeeze %dma_wait3A_311 : memref<1x64x32xf32, #tpu.memory_space<vmem>> -> memref<64x32xf32, #tpu.memory_space<vmem>>
      %dma_wait3A_313 = tpu.memref_slice %arg8[%dma_wait3A_307, %mul3A_16] : memref<20x512xi32, #tpu.memory_space<vmem>> -> memref<1x64xi32, #tpu.memory_space<vmem>>
      %dma_wait3A_314 = tpu.memref_squeeze %dma_wait3A_313 : memref<1x64xi32, #tpu.memory_space<vmem>> -> memref<64xi32, #tpu.memory_space<vmem>>
      %dma_wait3A_315 = arith.constant 0 : i32
      %dma_wait3A_316 = arith.constant 0 : i32
      %dma_wait3A_317 = tpu.memref_slice %arg4[%dma_wait3A_306, %dma_wait3A_315, %dma_wait3A_316] : memref<20x100000x32xf32, #tpu.memory_space<hbm>> -> memref<1x100000x32xf32, #tpu.memory_space<hbm>>
      %dma_wait3A_318 = tpu.memref_squeeze %dma_wait3A_317 : memref<1x100000x32xf32, #tpu.memory_space<hbm>> -> memref<100000x32xf32, #tpu.memory_space<hbm>>
      %dma_wait3A_319 = arith.constant 0 : i32
      %dma_wait3A_320 = arith.constant 0 : i32
      %dma_wait3A_321 = tpu.memref_slice %dma_wait3A_318[%dma_wait3A_319, %dma_wait3A_320] : memref<100000x32xf32, #tpu.memory_space<hbm>> -> memref<100000x32xf32, #tpu.memory_space<hbm>>
      tpu.wait_indirect_dma semaphore(%arg15 : memref<!tpu.dma_semaphore, #tpu.memory_space<semaphore_mem>>) src(%dma_wait3A_321 : memref<100000x32xf32, #tpu.memory_space<hbm>>) dst(%dma_wait3A_312 : memref<64x32xf32, #tpu.memory_space<vmem>>)
      %scan3A_322 = arith.constant 0 : i32
      %scan3A_323 = arith.constant 64 : i32
      %scan3A_324 = arith.addi %scan3A_322, %scan3A_323 : i32
      %scan3A_325 = arith.constant 1 : i32
      scf.for %scan3A_767 = %scan3A_322 to %scan3A_324 step %scan3A_325  : i32 {
        %mul3A_768 = arith.constant 832 : i32
        %mul3A_769 = arith.muli %scan3A_767, %mul3A_768 : i32
        %add3A_770 = arith.constant 7 : i32
        %add3A_771 = arith.addi %mul3A_769, %add3A_770 : i32
        %add3A_772 = vector.broadcast %add3A_771 : i32 to vector<16xi32>
        %add3A_773 = arith.addi %mul3A_3, %add3A_772 : vector<16xi32>
        %get3A = arith.constant 1 : i32
        %get3A_774 = arith.index_cast %get3A : i32 to index
        %get3A_775 = arith.index_cast %scan3A_767 : i32 to index
        %get3A_776 = arith.constant 0 : index
        %get3A_777 = tpu.vector_load %arg10[%get3A_774, %get3A_775, %get3A_776] {strides = array<i32>} : memref<2x64x32xf32, #tpu.memory_space<vmem>>, vector<16xf32>,
        tpu.vector_store_idx %arg11[%add3A_773], %get3A_777 : memref<53248xf32, #tpu.memory_space<vmem>>[vector<16xi32>], vector<16xf32>,
        %add3A_778 = vector.broadcast %add3A_771 : i32 to vector<16xi32>
        %add3A_779 = arith.addi %mul3A_9, %add3A_778 : vector<16xi32>
        %get3A_780 = arith.constant 1 : i32
        %get3A_781 = arith.index_cast %get3A_780 : i32 to index
        %get3A_782 = arith.index_cast %scan3A_767 : i32 to index
        %get3A_783 = arith.constant 16 : index
        %get3A_784 = tpu.vector_load %arg10[%get3A_781, %get3A_782, %get3A_783] {strides = array<i32>} : memref<2x64x32xf32, #tpu.memory_space<vmem>>, vector<16xf32>,
        tpu.vector_store_idx %arg11[%add3A_779], %get3A_784 : memref<53248xf32, #tpu.memory_space<vmem>>[vector<16xi32>], vector<16xf32>,
      }
      %scan3A_326 = arith.constant 64 : i32
      %dma_start3A_327 = arith.constant 9 : i32
      %dma_start3A_328 = arith.constant 9 : i32
      %dma_start3A_329 = arith.constant 1 : i32
      %dma_start3A_330 = arith.constant 0 : i32
      %dma_start3A_331 = arith.constant 0 : i32
      %dma_start3A_332 = tpu.memref_slice %arg10[%dma_start3A_329, %dma_start3A_330, %dma_start3A_331] : memref<2x64x32xf32, #tpu.memory_space<vmem>> -> memref<1x64x32xf32, #tpu.memory_space<vmem>>
      %dma_start3A_333 = tpu.memref_squeeze %dma_start3A_332 : memref<1x64x32xf32, #tpu.memory_space<vmem>> -> memref<64x32xf32, #tpu.memory_space<vmem>>
      %dma_start3A_334 = tpu.memref_slice %arg8[%dma_start3A_328, %mul3A_16] : memref<20x512xi32, #tpu.memory_space<vmem>> -> memref<1x64xi32, #tpu.memory_space<vmem>>
      %dma_start3A_335 = tpu.memref_squeeze %dma_start3A_334 : memref<1x64xi32, #tpu.memory_space<vmem>> -> memref<64xi32, #tpu.memory_space<vmem>>
      %dma_start3A_336 = arith.constant 0 : i32
      %dma_start3A_337 = arith.constant 0 : i32
      %dma_start3A_338 = tpu.memref_slice %arg4[%dma_start3A_327, %dma_start3A_336, %dma_start3A_337] : memref<20x100000x32xf32, #tpu.memory_space<hbm>> -> memref<1x100000x32xf32, #tpu.memory_space<hbm>>
      %dma_start3A_339 = tpu.memref_squeeze %dma_start3A_338 : memref<1x100000x32xf32, #tpu.memory_space<hbm>> -> memref<100000x32xf32, #tpu.memory_space<hbm>>
      %dma_start3A_340 = arith.constant 0 : i32
      %dma_start3A_341 = arith.constant 0 : i32
      %dma_start3A_342 = tpu.memref_slice %dma_start3A_339[%dma_start3A_340, %dma_start3A_341] : memref<100000x32xf32, #tpu.memory_space<hbm>> -> memref<100000x32xf32, #tpu.memory_space<hbm>>
      tpu.enqueue_indirect_dma source(%dma_start3A_342 : memref<100000x32xf32, #tpu.memory_space<hbm>>) target(%dma_start3A_333 : memref<64x32xf32, #tpu.memory_space<vmem>>) offsets(%dma_start3A_335 : memref<64xi32, #tpu.memory_space<vmem>>) semaphore(%arg15 : memref<!tpu.dma_semaphore, #tpu.memory_space<semaphore_mem>>)
      %dma_wait3A_343 = arith.constant 8 : i32
      %dma_wait3A_344 = arith.constant 8 : i32
      %dma_wait3A_345 = arith.constant 0 : i32
      %dma_wait3A_346 = arith.constant 0 : i32
      %dma_wait3A_347 = arith.constant 0 : i32
      %dma_wait3A_348 = tpu.memref_slice %arg10[%dma_wait3A_345, %dma_wait3A_346, %dma_wait3A_347] : memref<2x64x32xf32, #tpu.memory_space<vmem>> -> memref<1x64x32xf32, #tpu.memory_space<vmem>>
      %dma_wait3A_349 = tpu.memref_squeeze %dma_wait3A_348 : memref<1x64x32xf32, #tpu.memory_space<vmem>> -> memref<64x32xf32, #tpu.memory_space<vmem>>
      %dma_wait3A_350 = tpu.memref_slice %arg8[%dma_wait3A_344, %mul3A_16] : memref<20x512xi32, #tpu.memory_space<vmem>> -> memref<1x64xi32, #tpu.memory_space<vmem>>
      %dma_wait3A_351 = tpu.memref_squeeze %dma_wait3A_350 : memref<1x64xi32, #tpu.memory_space<vmem>> -> memref<64xi32, #tpu.memory_space<vmem>>
      %dma_wait3A_352 = arith.constant 0 : i32
      %dma_wait3A_353 = arith.constant 0 : i32
      %dma_wait3A_354 = tpu.memref_slice %arg4[%dma_wait3A_343, %dma_wait3A_352, %dma_wait3A_353] : memref<20x100000x32xf32, #tpu.memory_space<hbm>> -> memref<1x100000x32xf32, #tpu.memory_space<hbm>>
      %dma_wait3A_355 = tpu.memref_squeeze %dma_wait3A_354 : memref<1x100000x32xf32, #tpu.memory_space<hbm>> -> memref<100000x32xf32, #tpu.memory_space<hbm>>
      %dma_wait3A_356 = arith.constant 0 : i32
      %dma_wait3A_357 = arith.constant 0 : i32
      %dma_wait3A_358 = tpu.memref_slice %dma_wait3A_355[%dma_wait3A_356, %dma_wait3A_357] : memref<100000x32xf32, #tpu.memory_space<hbm>> -> memref<100000x32xf32, #tpu.memory_space<hbm>>
      tpu.wait_indirect_dma semaphore(%arg14 : memref<!tpu.dma_semaphore, #tpu.memory_space<semaphore_mem>>) src(%dma_wait3A_358 : memref<100000x32xf32, #tpu.memory_space<hbm>>) dst(%dma_wait3A_349 : memref<64x32xf32, #tpu.memory_space<vmem>>)
      %scan3A_359 = arith.constant 0 : i32
      %scan3A_360 = arith.constant 64 : i32
      %scan3A_361 = arith.addi %scan3A_359, %scan3A_360 : i32
      %scan3A_362 = arith.constant 1 : i32
      scf.for %scan3A_767 = %scan3A_359 to %scan3A_361 step %scan3A_362  : i32 {
        %mul3A_768 = arith.constant 832 : i32
        %mul3A_769 = arith.muli %scan3A_767, %mul3A_768 : i32
        %add3A_770 = arith.constant 8 : i32
        %add3A_771 = arith.addi %mul3A_769, %add3A_770 : i32
        %add3A_772 = vector.broadcast %add3A_771 : i32 to vector<16xi32>
        %add3A_773 = arith.addi %mul3A_3, %add3A_772 : vector<16xi32>
        %get3A = arith.constant 0 : i32
        %get3A_774 = arith.index_cast %get3A : i32 to index
        %get3A_775 = arith.index_cast %scan3A_767 : i32 to index
        %get3A_776 = arith.constant 0 : index
        %get3A_777 = tpu.vector_load %arg10[%get3A_774, %get3A_775, %get3A_776] {strides = array<i32>} : memref<2x64x32xf32, #tpu.memory_space<vmem>>, vector<16xf32>,
        tpu.vector_store_idx %arg11[%add3A_773], %get3A_777 : memref<53248xf32, #tpu.memory_space<vmem>>[vector<16xi32>], vector<16xf32>,
        %add3A_778 = vector.broadcast %add3A_771 : i32 to vector<16xi32>
        %add3A_779 = arith.addi %mul3A_9, %add3A_778 : vector<16xi32>
        %get3A_780 = arith.constant 0 : i32
        %get3A_781 = arith.index_cast %get3A_780 : i32 to index
        %get3A_782 = arith.index_cast %scan3A_767 : i32 to index
        %get3A_783 = arith.constant 16 : index
        %get3A_784 = tpu.vector_load %arg10[%get3A_781, %get3A_782, %get3A_783] {strides = array<i32>} : memref<2x64x32xf32, #tpu.memory_space<vmem>>, vector<16xf32>,
        tpu.vector_store_idx %arg11[%add3A_779], %get3A_784 : memref<53248xf32, #tpu.memory_space<vmem>>[vector<16xi32>], vector<16xf32>,
      }
      %scan3A_363 = arith.constant 64 : i32
      %dma_start3A_364 = arith.constant 10 : i32
      %dma_start3A_365 = arith.constant 10 : i32
      %dma_start3A_366 = arith.constant 0 : i32
      %dma_start3A_367 = arith.constant 0 : i32
      %dma_start3A_368 = arith.constant 0 : i32
      %dma_start3A_369 = tpu.memref_slice %arg10[%dma_start3A_366, %dma_start3A_367, %dma_start3A_368] : memref<2x64x32xf32, #tpu.memory_space<vmem>> -> memref<1x64x32xf32, #tpu.memory_space<vmem>>
      %dma_start3A_370 = tpu.memref_squeeze %dma_start3A_369 : memref<1x64x32xf32, #tpu.memory_space<vmem>> -> memref<64x32xf32, #tpu.memory_space<vmem>>
      %dma_start3A_371 = tpu.memref_slice %arg8[%dma_start3A_365, %mul3A_16] : memref<20x512xi32, #tpu.memory_space<vmem>> -> memref<1x64xi32, #tpu.memory_space<vmem>>
      %dma_start3A_372 = tpu.memref_squeeze %dma_start3A_371 : memref<1x64xi32, #tpu.memory_space<vmem>> -> memref<64xi32, #tpu.memory_space<vmem>>
      %dma_start3A_373 = arith.constant 0 : i32
      %dma_start3A_374 = arith.constant 0 : i32
      %dma_start3A_375 = tpu.memref_slice %arg4[%dma_start3A_364, %dma_start3A_373, %dma_start3A_374] : memref<20x100000x32xf32, #tpu.memory_space<hbm>> -> memref<1x100000x32xf32, #tpu.memory_space<hbm>>
      %dma_start3A_376 = tpu.memref_squeeze %dma_start3A_375 : memref<1x100000x32xf32, #tpu.memory_space<hbm>> -> memref<100000x32xf32, #tpu.memory_space<hbm>>
      %dma_start3A_377 = arith.constant 0 : i32
      %dma_start3A_378 = arith.constant 0 : i32
      %dma_start3A_379 = tpu.memref_slice %dma_start3A_376[%dma_start3A_377, %dma_start3A_378] : memref<100000x32xf32, #tpu.memory_space<hbm>> -> memref<100000x32xf32, #tpu.memory_space<hbm>>
      tpu.enqueue_indirect_dma source(%dma_start3A_379 : memref<100000x32xf32, #tpu.memory_space<hbm>>) target(%dma_start3A_370 : memref<64x32xf32, #tpu.memory_space<vmem>>) offsets(%dma_start3A_372 : memref<64xi32, #tpu.memory_space<vmem>>) semaphore(%arg14 : memref<!tpu.dma_semaphore, #tpu.memory_space<semaphore_mem>>)
      %dma_wait3A_380 = arith.constant 9 : i32
      %dma_wait3A_381 = arith.constant 9 : i32
      %dma_wait3A_382 = arith.constant 1 : i32
      %dma_wait3A_383 = arith.constant 0 : i32
      %dma_wait3A_384 = arith.constant 0 : i32
      %dma_wait3A_385 = tpu.memref_slice %arg10[%dma_wait3A_382, %dma_wait3A_383, %dma_wait3A_384] : memref<2x64x32xf32, #tpu.memory_space<vmem>> -> memref<1x64x32xf32, #tpu.memory_space<vmem>>
      %dma_wait3A_386 = tpu.memref_squeeze %dma_wait3A_385 : memref<1x64x32xf32, #tpu.memory_space<vmem>> -> memref<64x32xf32, #tpu.memory_space<vmem>>
      %dma_wait3A_387 = tpu.memref_slice %arg8[%dma_wait3A_381, %mul3A_16] : memref<20x512xi32, #tpu.memory_space<vmem>> -> memref<1x64xi32, #tpu.memory_space<vmem>>
      %dma_wait3A_388 = tpu.memref_squeeze %dma_wait3A_387 : memref<1x64xi32, #tpu.memory_space<vmem>> -> memref<64xi32, #tpu.memory_space<vmem>>
      %dma_wait3A_389 = arith.constant 0 : i32
      %dma_wait3A_390 = arith.constant 0 : i32
      %dma_wait3A_391 = tpu.memref_slice %arg4[%dma_wait3A_380, %dma_wait3A_389, %dma_wait3A_390] : memref<20x100000x32xf32, #tpu.memory_space<hbm>> -> memref<1x100000x32xf32, #tpu.memory_space<hbm>>
      %dma_wait3A_392 = tpu.memref_squeeze %dma_wait3A_391 : memref<1x100000x32xf32, #tpu.memory_space<hbm>> -> memref<100000x32xf32, #tpu.memory_space<hbm>>
      %dma_wait3A_393 = arith.constant 0 : i32
      %dma_wait3A_394 = arith.constant 0 : i32
      %dma_wait3A_395 = tpu.memref_slice %dma_wait3A_392[%dma_wait3A_393, %dma_wait3A_394] : memref<100000x32xf32, #tpu.memory_space<hbm>> -> memref<100000x32xf32, #tpu.memory_space<hbm>>
      tpu.wait_indirect_dma semaphore(%arg15 : memref<!tpu.dma_semaphore, #tpu.memory_space<semaphore_mem>>) src(%dma_wait3A_395 : memref<100000x32xf32, #tpu.memory_space<hbm>>) dst(%dma_wait3A_386 : memref<64x32xf32, #tpu.memory_space<vmem>>)
      %scan3A_396 = arith.constant 0 : i32
      %scan3A_397 = arith.constant 64 : i32
      %scan3A_398 = arith.addi %scan3A_396, %scan3A_397 : i32
      %scan3A_399 = arith.constant 1 : i32
      scf.for %scan3A_767 = %scan3A_396 to %scan3A_398 step %scan3A_399  : i32 {
        %mul3A_768 = arith.constant 832 : i32
        %mul3A_769 = arith.muli %scan3A_767, %mul3A_768 : i32
        %add3A_770 = arith.constant 9 : i32
        %add3A_771 = arith.addi %mul3A_769, %add3A_770 : i32
        %add3A_772 = vector.broadcast %add3A_771 : i32 to vector<16xi32>
        %add3A_773 = arith.addi %mul3A_3, %add3A_772 : vector<16xi32>
        %get3A = arith.constant 1 : i32
        %get3A_774 = arith.index_cast %get3A : i32 to index
        %get3A_775 = arith.index_cast %scan3A_767 : i32 to index
        %get3A_776 = arith.constant 0 : index
        %get3A_777 = tpu.vector_load %arg10[%get3A_774, %get3A_775, %get3A_776] {strides = array<i32>} : memref<2x64x32xf32, #tpu.memory_space<vmem>>, vector<16xf32>,
        tpu.vector_store_idx %arg11[%add3A_773], %get3A_777 : memref<53248xf32, #tpu.memory_space<vmem>>[vector<16xi32>], vector<16xf32>,
        %add3A_778 = vector.broadcast %add3A_771 : i32 to vector<16xi32>
        %add3A_779 = arith.addi %mul3A_9, %add3A_778 : vector<16xi32>
        %get3A_780 = arith.constant 1 : i32
        %get3A_781 = arith.index_cast %get3A_780 : i32 to index
        %get3A_782 = arith.index_cast %scan3A_767 : i32 to index
        %get3A_783 = arith.constant 16 : index
        %get3A_784 = tpu.vector_load %arg10[%get3A_781, %get3A_782, %get3A_783] {strides = array<i32>} : memref<2x64x32xf32, #tpu.memory_space<vmem>>, vector<16xf32>,
        tpu.vector_store_idx %arg11[%add3A_779], %get3A_784 : memref<53248xf32, #tpu.memory_space<vmem>>[vector<16xi32>], vector<16xf32>,
      }
      %scan3A_400 = arith.constant 64 : i32
      %dma_start3A_401 = arith.constant 11 : i32
      %dma_start3A_402 = arith.constant 11 : i32
      %dma_start3A_403 = arith.constant 1 : i32
      %dma_start3A_404 = arith.constant 0 : i32
      %dma_start3A_405 = arith.constant 0 : i32
      %dma_start3A_406 = tpu.memref_slice %arg10[%dma_start3A_403, %dma_start3A_404, %dma_start3A_405] : memref<2x64x32xf32, #tpu.memory_space<vmem>> -> memref<1x64x32xf32, #tpu.memory_space<vmem>>
      %dma_start3A_407 = tpu.memref_squeeze %dma_start3A_406 : memref<1x64x32xf32, #tpu.memory_space<vmem>> -> memref<64x32xf32, #tpu.memory_space<vmem>>
      %dma_start3A_408 = tpu.memref_slice %arg8[%dma_start3A_402, %mul3A_16] : memref<20x512xi32, #tpu.memory_space<vmem>> -> memref<1x64xi32, #tpu.memory_space<vmem>>
      %dma_start3A_409 = tpu.memref_squeeze %dma_start3A_408 : memref<1x64xi32, #tpu.memory_space<vmem>> -> memref<64xi32, #tpu.memory_space<vmem>>
      %dma_start3A_410 = arith.constant 0 : i32
      %dma_start3A_411 = arith.constant 0 : i32
      %dma_start3A_412 = tpu.memref_slice %arg4[%dma_start3A_401, %dma_start3A_410, %dma_start3A_411] : memref<20x100000x32xf32, #tpu.memory_space<hbm>> -> memref<1x100000x32xf32, #tpu.memory_space<hbm>>
      %dma_start3A_413 = tpu.memref_squeeze %dma_start3A_412 : memref<1x100000x32xf32, #tpu.memory_space<hbm>> -> memref<100000x32xf32, #tpu.memory_space<hbm>>
      %dma_start3A_414 = arith.constant 0 : i32
      %dma_start3A_415 = arith.constant 0 : i32
      %dma_start3A_416 = tpu.memref_slice %dma_start3A_413[%dma_start3A_414, %dma_start3A_415] : memref<100000x32xf32, #tpu.memory_space<hbm>> -> memref<100000x32xf32, #tpu.memory_space<hbm>>
      tpu.enqueue_indirect_dma source(%dma_start3A_416 : memref<100000x32xf32, #tpu.memory_space<hbm>>) target(%dma_start3A_407 : memref<64x32xf32, #tpu.memory_space<vmem>>) offsets(%dma_start3A_409 : memref<64xi32, #tpu.memory_space<vmem>>) semaphore(%arg15 : memref<!tpu.dma_semaphore, #tpu.memory_space<semaphore_mem>>)
      %dma_wait3A_417 = arith.constant 10 : i32
      %dma_wait3A_418 = arith.constant 10 : i32
      %dma_wait3A_419 = arith.constant 0 : i32
      %dma_wait3A_420 = arith.constant 0 : i32
      %dma_wait3A_421 = arith.constant 0 : i32
      %dma_wait3A_422 = tpu.memref_slice %arg10[%dma_wait3A_419, %dma_wait3A_420, %dma_wait3A_421] : memref<2x64x32xf32, #tpu.memory_space<vmem>> -> memref<1x64x32xf32, #tpu.memory_space<vmem>>
      %dma_wait3A_423 = tpu.memref_squeeze %dma_wait3A_422 : memref<1x64x32xf32, #tpu.memory_space<vmem>> -> memref<64x32xf32, #tpu.memory_space<vmem>>
      %dma_wait3A_424 = tpu.memref_slice %arg8[%dma_wait3A_418, %mul3A_16] : memref<20x512xi32, #tpu.memory_space<vmem>> -> memref<1x64xi32, #tpu.memory_space<vmem>>
      %dma_wait3A_425 = tpu.memref_squeeze %dma_wait3A_424 : memref<1x64xi32, #tpu.memory_space<vmem>> -> memref<64xi32, #tpu.memory_space<vmem>>
      %dma_wait3A_426 = arith.constant 0 : i32
      %dma_wait3A_427 = arith.constant 0 : i32
      %dma_wait3A_428 = tpu.memref_slice %arg4[%dma_wait3A_417, %dma_wait3A_426, %dma_wait3A_427] : memref<20x100000x32xf32, #tpu.memory_space<hbm>> -> memref<1x100000x32xf32, #tpu.memory_space<hbm>>
      %dma_wait3A_429 = tpu.memref_squeeze %dma_wait3A_428 : memref<1x100000x32xf32, #tpu.memory_space<hbm>> -> memref<100000x32xf32, #tpu.memory_space<hbm>>
      %dma_wait3A_430 = arith.constant 0 : i32
      %dma_wait3A_431 = arith.constant 0 : i32
      %dma_wait3A_432 = tpu.memref_slice %dma_wait3A_429[%dma_wait3A_430, %dma_wait3A_431] : memref<100000x32xf32, #tpu.memory_space<hbm>> -> memref<100000x32xf32, #tpu.memory_space<hbm>>
      tpu.wait_indirect_dma semaphore(%arg14 : memref<!tpu.dma_semaphore, #tpu.memory_space<semaphore_mem>>) src(%dma_wait3A_432 : memref<100000x32xf32, #tpu.memory_space<hbm>>) dst(%dma_wait3A_423 : memref<64x32xf32, #tpu.memory_space<vmem>>)
      %scan3A_433 = arith.constant 0 : i32
      %scan3A_434 = arith.constant 64 : i32
      %scan3A_435 = arith.addi %scan3A_433, %scan3A_434 : i32
      %scan3A_436 = arith.constant 1 : i32
      scf.for %scan3A_767 = %scan3A_433 to %scan3A_435 step %scan3A_436  : i32 {
        %mul3A_768 = arith.constant 832 : i32
        %mul3A_769 = arith.muli %scan3A_767, %mul3A_768 : i32
        %add3A_770 = arith.constant 10 : i32
        %add3A_771 = arith.addi %mul3A_769, %add3A_770 : i32
        %add3A_772 = vector.broadcast %add3A_771 : i32 to vector<16xi32>
        %add3A_773 = arith.addi %mul3A_3, %add3A_772 : vector<16xi32>
        %get3A = arith.constant 0 : i32
        %get3A_774 = arith.index_cast %get3A : i32 to index
        %get3A_775 = arith.index_cast %scan3A_767 : i32 to index
        %get3A_776 = arith.constant 0 : index
        %get3A_777 = tpu.vector_load %arg10[%get3A_774, %get3A_775, %get3A_776] {strides = array<i32>} : memref<2x64x32xf32, #tpu.memory_space<vmem>>, vector<16xf32>,
        tpu.vector_store_idx %arg11[%add3A_773], %get3A_777 : memref<53248xf32, #tpu.memory_space<vmem>>[vector<16xi32>], vector<16xf32>,
        %add3A_778 = vector.broadcast %add3A_771 : i32 to vector<16xi32>
        %add3A_779 = arith.addi %mul3A_9, %add3A_778 : vector<16xi32>
        %get3A_780 = arith.constant 0 : i32
        %get3A_781 = arith.index_cast %get3A_780 : i32 to index
        %get3A_782 = arith.index_cast %scan3A_767 : i32 to index
        %get3A_783 = arith.constant 16 : index
        %get3A_784 = tpu.vector_load %arg10[%get3A_781, %get3A_782, %get3A_783] {strides = array<i32>} : memref<2x64x32xf32, #tpu.memory_space<vmem>>, vector<16xf32>,
        tpu.vector_store_idx %arg11[%add3A_779], %get3A_784 : memref<53248xf32, #tpu.memory_space<vmem>>[vector<16xi32>], vector<16xf32>,
      }
      %scan3A_437 = arith.constant 64 : i32
      %dma_start3A_438 = arith.constant 12 : i32
      %dma_start3A_439 = arith.constant 12 : i32
      %dma_start3A_440 = arith.constant 0 : i32
      %dma_start3A_441 = arith.constant 0 : i32
      %dma_start3A_442 = arith.constant 0 : i32
      %dma_start3A_443 = tpu.memref_slice %arg10[%dma_start3A_440, %dma_start3A_441, %dma_start3A_442] : memref<2x64x32xf32, #tpu.memory_space<vmem>> -> memref<1x64x32xf32, #tpu.memory_space<vmem>>
      %dma_start3A_444 = tpu.memref_squeeze %dma_start3A_443 : memref<1x64x32xf32, #tpu.memory_space<vmem>> -> memref<64x32xf32, #tpu.memory_space<vmem>>
      %dma_start3A_445 = tpu.memref_slice %arg8[%dma_start3A_439, %mul3A_16] : memref<20x512xi32, #tpu.memory_space<vmem>> -> memref<1x64xi32, #tpu.memory_space<vmem>>
      %dma_start3A_446 = tpu.memref_squeeze %dma_start3A_445 : memref<1x64xi32, #tpu.memory_space<vmem>> -> memref<64xi32, #tpu.memory_space<vmem>>
      %dma_start3A_447 = arith.constant 0 : i32
      %dma_start3A_448 = arith.constant 0 : i32
      %dma_start3A_449 = tpu.memref_slice %arg4[%dma_start3A_438, %dma_start3A_447, %dma_start3A_448] : memref<20x100000x32xf32, #tpu.memory_space<hbm>> -> memref<1x100000x32xf32, #tpu.memory_space<hbm>>
      %dma_start3A_450 = tpu.memref_squeeze %dma_start3A_449 : memref<1x100000x32xf32, #tpu.memory_space<hbm>> -> memref<100000x32xf32, #tpu.memory_space<hbm>>
      %dma_start3A_451 = arith.constant 0 : i32
      %dma_start3A_452 = arith.constant 0 : i32
      %dma_start3A_453 = tpu.memref_slice %dma_start3A_450[%dma_start3A_451, %dma_start3A_452] : memref<100000x32xf32, #tpu.memory_space<hbm>> -> memref<100000x32xf32, #tpu.memory_space<hbm>>
      tpu.enqueue_indirect_dma source(%dma_start3A_453 : memref<100000x32xf32, #tpu.memory_space<hbm>>) target(%dma_start3A_444 : memref<64x32xf32, #tpu.memory_space<vmem>>) offsets(%dma_start3A_446 : memref<64xi32, #tpu.memory_space<vmem>>) semaphore(%arg14 : memref<!tpu.dma_semaphore, #tpu.memory_space<semaphore_mem>>)
      %dma_wait3A_454 = arith.constant 11 : i32
      %dma_wait3A_455 = arith.constant 11 : i32
      %dma_wait3A_456 = arith.constant 1 : i32
      %dma_wait3A_457 = arith.constant 0 : i32
      %dma_wait3A_458 = arith.constant 0 : i32
      %dma_wait3A_459 = tpu.memref_slice %arg10[%dma_wait3A_456, %dma_wait3A_457, %dma_wait3A_458] : memref<2x64x32xf32, #tpu.memory_space<vmem>> -> memref<1x64x32xf32, #tpu.memory_space<vmem>>
      %dma_wait3A_460 = tpu.memref_squeeze %dma_wait3A_459 : memref<1x64x32xf32, #tpu.memory_space<vmem>> -> memref<64x32xf32, #tpu.memory_space<vmem>>
      %dma_wait3A_461 = tpu.memref_slice %arg8[%dma_wait3A_455, %mul3A_16] : memref<20x512xi32, #tpu.memory_space<vmem>> -> memref<1x64xi32, #tpu.memory_space<vmem>>
      %dma_wait3A_462 = tpu.memref_squeeze %dma_wait3A_461 : memref<1x64xi32, #tpu.memory_space<vmem>> -> memref<64xi32, #tpu.memory_space<vmem>>
      %dma_wait3A_463 = arith.constant 0 : i32
      %dma_wait3A_464 = arith.constant 0 : i32
      %dma_wait3A_465 = tpu.memref_slice %arg4[%dma_wait3A_454, %dma_wait3A_463, %dma_wait3A_464] : memref<20x100000x32xf32, #tpu.memory_space<hbm>> -> memref<1x100000x32xf32, #tpu.memory_space<hbm>>
      %dma_wait3A_466 = tpu.memref_squeeze %dma_wait3A_465 : memref<1x100000x32xf32, #tpu.memory_space<hbm>> -> memref<100000x32xf32, #tpu.memory_space<hbm>>
      %dma_wait3A_467 = arith.constant 0 : i32
      %dma_wait3A_468 = arith.constant 0 : i32
      %dma_wait3A_469 = tpu.memref_slice %dma_wait3A_466[%dma_wait3A_467, %dma_wait3A_468] : memref<100000x32xf32, #tpu.memory_space<hbm>> -> memref<100000x32xf32, #tpu.memory_space<hbm>>
      tpu.wait_indirect_dma semaphore(%arg15 : memref<!tpu.dma_semaphore, #tpu.memory_space<semaphore_mem>>) src(%dma_wait3A_469 : memref<100000x32xf32, #tpu.memory_space<hbm>>) dst(%dma_wait3A_460 : memref<64x32xf32, #tpu.memory_space<vmem>>)
      %scan3A_470 = arith.constant 0 : i32
      %scan3A_471 = arith.constant 64 : i32
      %scan3A_472 = arith.addi %scan3A_470, %scan3A_471 : i32
      %scan3A_473 = arith.constant 1 : i32
      scf.for %scan3A_767 = %scan3A_470 to %scan3A_472 step %scan3A_473  : i32 {
        %mul3A_768 = arith.constant 832 : i32
        %mul3A_769 = arith.muli %scan3A_767, %mul3A_768 : i32
        %add3A_770 = arith.constant 11 : i32
        %add3A_771 = arith.addi %mul3A_769, %add3A_770 : i32
        %add3A_772 = vector.broadcast %add3A_771 : i32 to vector<16xi32>
        %add3A_773 = arith.addi %mul3A_3, %add3A_772 : vector<16xi32>
        %get3A = arith.constant 1 : i32
        %get3A_774 = arith.index_cast %get3A : i32 to index
        %get3A_775 = arith.index_cast %scan3A_767 : i32 to index
        %get3A_776 = arith.constant 0 : index
        %get3A_777 = tpu.vector_load %arg10[%get3A_774, %get3A_775, %get3A_776] {strides = array<i32>} : memref<2x64x32xf32, #tpu.memory_space<vmem>>, vector<16xf32>,
        tpu.vector_store_idx %arg11[%add3A_773], %get3A_777 : memref<53248xf32, #tpu.memory_space<vmem>>[vector<16xi32>], vector<16xf32>,
        %add3A_778 = vector.broadcast %add3A_771 : i32 to vector<16xi32>
        %add3A_779 = arith.addi %mul3A_9, %add3A_778 : vector<16xi32>
        %get3A_780 = arith.constant 1 : i32
        %get3A_781 = arith.index_cast %get3A_780 : i32 to index
        %get3A_782 = arith.index_cast %scan3A_767 : i32 to index
        %get3A_783 = arith.constant 16 : index
        %get3A_784 = tpu.vector_load %arg10[%get3A_781, %get3A_782, %get3A_783] {strides = array<i32>} : memref<2x64x32xf32, #tpu.memory_space<vmem>>, vector<16xf32>,
        tpu.vector_store_idx %arg11[%add3A_779], %get3A_784 : memref<53248xf32, #tpu.memory_space<vmem>>[vector<16xi32>], vector<16xf32>,
      }
      %scan3A_474 = arith.constant 64 : i32
      %dma_start3A_475 = arith.constant 13 : i32
      %dma_start3A_476 = arith.constant 13 : i32
      %dma_start3A_477 = arith.constant 1 : i32
      %dma_start3A_478 = arith.constant 0 : i32
      %dma_start3A_479 = arith.constant 0 : i32
      %dma_start3A_480 = tpu.memref_slice %arg10[%dma_start3A_477, %dma_start3A_478, %dma_start3A_479] : memref<2x64x32xf32, #tpu.memory_space<vmem>> -> memref<1x64x32xf32, #tpu.memory_space<vmem>>
      %dma_start3A_481 = tpu.memref_squeeze %dma_start3A_480 : memref<1x64x32xf32, #tpu.memory_space<vmem>> -> memref<64x32xf32, #tpu.memory_space<vmem>>
      %dma_start3A_482 = tpu.memref_slice %arg8[%dma_start3A_476, %mul3A_16] : memref<20x512xi32, #tpu.memory_space<vmem>> -> memref<1x64xi32, #tpu.memory_space<vmem>>
      %dma_start3A_483 = tpu.memref_squeeze %dma_start3A_482 : memref<1x64xi32, #tpu.memory_space<vmem>> -> memref<64xi32, #tpu.memory_space<vmem>>
      %dma_start3A_484 = arith.constant 0 : i32
      %dma_start3A_485 = arith.constant 0 : i32
      %dma_start3A_486 = tpu.memref_slice %arg4[%dma_start3A_475, %dma_start3A_484, %dma_start3A_485] : memref<20x100000x32xf32, #tpu.memory_space<hbm>> -> memref<1x100000x32xf32, #tpu.memory_space<hbm>>
      %dma_start3A_487 = tpu.memref_squeeze %dma_start3A_486 : memref<1x100000x32xf32, #tpu.memory_space<hbm>> -> memref<100000x32xf32, #tpu.memory_space<hbm>>
      %dma_start3A_488 = arith.constant 0 : i32
      %dma_start3A_489 = arith.constant 0 : i32
      %dma_start3A_490 = tpu.memref_slice %dma_start3A_487[%dma_start3A_488, %dma_start3A_489] : memref<100000x32xf32, #tpu.memory_space<hbm>> -> memref<100000x32xf32, #tpu.memory_space<hbm>>
      tpu.enqueue_indirect_dma source(%dma_start3A_490 : memref<100000x32xf32, #tpu.memory_space<hbm>>) target(%dma_start3A_481 : memref<64x32xf32, #tpu.memory_space<vmem>>) offsets(%dma_start3A_483 : memref<64xi32, #tpu.memory_space<vmem>>) semaphore(%arg15 : memref<!tpu.dma_semaphore, #tpu.memory_space<semaphore_mem>>)
      %dma_wait3A_491 = arith.constant 12 : i32
      %dma_wait3A_492 = arith.constant 12 : i32
      %dma_wait3A_493 = arith.constant 0 : i32
      %dma_wait3A_494 = arith.constant 0 : i32
      %dma_wait3A_495 = arith.constant 0 : i32
      %dma_wait3A_496 = tpu.memref_slice %arg10[%dma_wait3A_493, %dma_wait3A_494, %dma_wait3A_495] : memref<2x64x32xf32, #tpu.memory_space<vmem>> -> memref<1x64x32xf32, #tpu.memory_space<vmem>>
      %dma_wait3A_497 = tpu.memref_squeeze %dma_wait3A_496 : memref<1x64x32xf32, #tpu.memory_space<vmem>> -> memref<64x32xf32, #tpu.memory_space<vmem>>
      %dma_wait3A_498 = tpu.memref_slice %arg8[%dma_wait3A_492, %mul3A_16] : memref<20x512xi32, #tpu.memory_space<vmem>> -> memref<1x64xi32, #tpu.memory_space<vmem>>
      %dma_wait3A_499 = tpu.memref_squeeze %dma_wait3A_498 : memref<1x64xi32, #tpu.memory_space<vmem>> -> memref<64xi32, #tpu.memory_space<vmem>>
      %dma_wait3A_500 = arith.constant 0 : i32
      %dma_wait3A_501 = arith.constant 0 : i32
      %dma_wait3A_502 = tpu.memref_slice %arg4[%dma_wait3A_491, %dma_wait3A_500, %dma_wait3A_501] : memref<20x100000x32xf32, #tpu.memory_space<hbm>> -> memref<1x100000x32xf32, #tpu.memory_space<hbm>>
      %dma_wait3A_503 = tpu.memref_squeeze %dma_wait3A_502 : memref<1x100000x32xf32, #tpu.memory_space<hbm>> -> memref<100000x32xf32, #tpu.memory_space<hbm>>
      %dma_wait3A_504 = arith.constant 0 : i32
      %dma_wait3A_505 = arith.constant 0 : i32
      %dma_wait3A_506 = tpu.memref_slice %dma_wait3A_503[%dma_wait3A_504, %dma_wait3A_505] : memref<100000x32xf32, #tpu.memory_space<hbm>> -> memref<100000x32xf32, #tpu.memory_space<hbm>>
      tpu.wait_indirect_dma semaphore(%arg14 : memref<!tpu.dma_semaphore, #tpu.memory_space<semaphore_mem>>) src(%dma_wait3A_506 : memref<100000x32xf32, #tpu.memory_space<hbm>>) dst(%dma_wait3A_497 : memref<64x32xf32, #tpu.memory_space<vmem>>)
      %scan3A_507 = arith.constant 0 : i32
      %scan3A_508 = arith.constant 64 : i32
      %scan3A_509 = arith.addi %scan3A_507, %scan3A_508 : i32
      %scan3A_510 = arith.constant 1 : i32
      scf.for %scan3A_767 = %scan3A_507 to %scan3A_509 step %scan3A_510  : i32 {
        %mul3A_768 = arith.constant 832 : i32
        %mul3A_769 = arith.muli %scan3A_767, %mul3A_768 : i32
        %add3A_770 = arith.constant 12 : i32
        %add3A_771 = arith.addi %mul3A_769, %add3A_770 : i32
        %add3A_772 = vector.broadcast %add3A_771 : i32 to vector<16xi32>
        %add3A_773 = arith.addi %mul3A_3, %add3A_772 : vector<16xi32>
        %get3A = arith.constant 0 : i32
        %get3A_774 = arith.index_cast %get3A : i32 to index
        %get3A_775 = arith.index_cast %scan3A_767 : i32 to index
        %get3A_776 = arith.constant 0 : index
        %get3A_777 = tpu.vector_load %arg10[%get3A_774, %get3A_775, %get3A_776] {strides = array<i32>} : memref<2x64x32xf32, #tpu.memory_space<vmem>>, vector<16xf32>,
        tpu.vector_store_idx %arg11[%add3A_773], %get3A_777 : memref<53248xf32, #tpu.memory_space<vmem>>[vector<16xi32>], vector<16xf32>,
        %add3A_778 = vector.broadcast %add3A_771 : i32 to vector<16xi32>
        %add3A_779 = arith.addi %mul3A_9, %add3A_778 : vector<16xi32>
        %get3A_780 = arith.constant 0 : i32
        %get3A_781 = arith.index_cast %get3A_780 : i32 to index
        %get3A_782 = arith.index_cast %scan3A_767 : i32 to index
        %get3A_783 = arith.constant 16 : index
        %get3A_784 = tpu.vector_load %arg10[%get3A_781, %get3A_782, %get3A_783] {strides = array<i32>} : memref<2x64x32xf32, #tpu.memory_space<vmem>>, vector<16xf32>,
        tpu.vector_store_idx %arg11[%add3A_779], %get3A_784 : memref<53248xf32, #tpu.memory_space<vmem>>[vector<16xi32>], vector<16xf32>,
      }
      %scan3A_511 = arith.constant 64 : i32
      %dma_start3A_512 = arith.constant 14 : i32
      %dma_start3A_513 = arith.constant 14 : i32
      %dma_start3A_514 = arith.constant 0 : i32
      %dma_start3A_515 = arith.constant 0 : i32
      %dma_start3A_516 = arith.constant 0 : i32
      %dma_start3A_517 = tpu.memref_slice %arg10[%dma_start3A_514, %dma_start3A_515, %dma_start3A_516] : memref<2x64x32xf32, #tpu.memory_space<vmem>> -> memref<1x64x32xf32, #tpu.memory_space<vmem>>
      %dma_start3A_518 = tpu.memref_squeeze %dma_start3A_517 : memref<1x64x32xf32, #tpu.memory_space<vmem>> -> memref<64x32xf32, #tpu.memory_space<vmem>>
      %dma_start3A_519 = tpu.memref_slice %arg8[%dma_start3A_513, %mul3A_16] : memref<20x512xi32, #tpu.memory_space<vmem>> -> memref<1x64xi32, #tpu.memory_space<vmem>>
      %dma_start3A_520 = tpu.memref_squeeze %dma_start3A_519 : memref<1x64xi32, #tpu.memory_space<vmem>> -> memref<64xi32, #tpu.memory_space<vmem>>
      %dma_start3A_521 = arith.constant 0 : i32
      %dma_start3A_522 = arith.constant 0 : i32
      %dma_start3A_523 = tpu.memref_slice %arg4[%dma_start3A_512, %dma_start3A_521, %dma_start3A_522] : memref<20x100000x32xf32, #tpu.memory_space<hbm>> -> memref<1x100000x32xf32, #tpu.memory_space<hbm>>
      %dma_start3A_524 = tpu.memref_squeeze %dma_start3A_523 : memref<1x100000x32xf32, #tpu.memory_space<hbm>> -> memref<100000x32xf32, #tpu.memory_space<hbm>>
      %dma_start3A_525 = arith.constant 0 : i32
      %dma_start3A_526 = arith.constant 0 : i32
      %dma_start3A_527 = tpu.memref_slice %dma_start3A_524[%dma_start3A_525, %dma_start3A_526] : memref<100000x32xf32, #tpu.memory_space<hbm>> -> memref<100000x32xf32, #tpu.memory_space<hbm>>
      tpu.enqueue_indirect_dma source(%dma_start3A_527 : memref<100000x32xf32, #tpu.memory_space<hbm>>) target(%dma_start3A_518 : memref<64x32xf32, #tpu.memory_space<vmem>>) offsets(%dma_start3A_520 : memref<64xi32, #tpu.memory_space<vmem>>) semaphore(%arg14 : memref<!tpu.dma_semaphore, #tpu.memory_space<semaphore_mem>>)
      %dma_wait3A_528 = arith.constant 13 : i32
      %dma_wait3A_529 = arith.constant 13 : i32
      %dma_wait3A_530 = arith.constant 1 : i32
      %dma_wait3A_531 = arith.constant 0 : i32
      %dma_wait3A_532 = arith.constant 0 : i32
      %dma_wait3A_533 = tpu.memref_slice %arg10[%dma_wait3A_530, %dma_wait3A_531, %dma_wait3A_532] : memref<2x64x32xf32, #tpu.memory_space<vmem>> -> memref<1x64x32xf32, #tpu.memory_space<vmem>>
      %dma_wait3A_534 = tpu.memref_squeeze %dma_wait3A_533 : memref<1x64x32xf32, #tpu.memory_space<vmem>> -> memref<64x32xf32, #tpu.memory_space<vmem>>
      %dma_wait3A_535 = tpu.memref_slice %arg8[%dma_wait3A_529, %mul3A_16] : memref<20x512xi32, #tpu.memory_space<vmem>> -> memref<1x64xi32, #tpu.memory_space<vmem>>
      %dma_wait3A_536 = tpu.memref_squeeze %dma_wait3A_535 : memref<1x64xi32, #tpu.memory_space<vmem>> -> memref<64xi32, #tpu.memory_space<vmem>>
      %dma_wait3A_537 = arith.constant 0 : i32
      %dma_wait3A_538 = arith.constant 0 : i32
      %dma_wait3A_539 = tpu.memref_slice %arg4[%dma_wait3A_528, %dma_wait3A_537, %dma_wait3A_538] : memref<20x100000x32xf32, #tpu.memory_space<hbm>> -> memref<1x100000x32xf32, #tpu.memory_space<hbm>>
      %dma_wait3A_540 = tpu.memref_squeeze %dma_wait3A_539 : memref<1x100000x32xf32, #tpu.memory_space<hbm>> -> memref<100000x32xf32, #tpu.memory_space<hbm>>
      %dma_wait3A_541 = arith.constant 0 : i32
      %dma_wait3A_542 = arith.constant 0 : i32
      %dma_wait3A_543 = tpu.memref_slice %dma_wait3A_540[%dma_wait3A_541, %dma_wait3A_542] : memref<100000x32xf32, #tpu.memory_space<hbm>> -> memref<100000x32xf32, #tpu.memory_space<hbm>>
      tpu.wait_indirect_dma semaphore(%arg15 : memref<!tpu.dma_semaphore, #tpu.memory_space<semaphore_mem>>) src(%dma_wait3A_543 : memref<100000x32xf32, #tpu.memory_space<hbm>>) dst(%dma_wait3A_534 : memref<64x32xf32, #tpu.memory_space<vmem>>)
      %scan3A_544 = arith.constant 0 : i32
      %scan3A_545 = arith.constant 64 : i32
      %scan3A_546 = arith.addi %scan3A_544, %scan3A_545 : i32
      %scan3A_547 = arith.constant 1 : i32
      scf.for %scan3A_767 = %scan3A_544 to %scan3A_546 step %scan3A_547  : i32 {
        %mul3A_768 = arith.constant 832 : i32
        %mul3A_769 = arith.muli %scan3A_767, %mul3A_768 : i32
        %add3A_770 = arith.constant 13 : i32
        %add3A_771 = arith.addi %mul3A_769, %add3A_770 : i32
        %add3A_772 = vector.broadcast %add3A_771 : i32 to vector<16xi32>
        %add3A_773 = arith.addi %mul3A_3, %add3A_772 : vector<16xi32>
        %get3A = arith.constant 1 : i32
        %get3A_774 = arith.index_cast %get3A : i32 to index
        %get3A_775 = arith.index_cast %scan3A_767 : i32 to index
        %get3A_776 = arith.constant 0 : index
        %get3A_777 = tpu.vector_load %arg10[%get3A_774, %get3A_775, %get3A_776] {strides = array<i32>} : memref<2x64x32xf32, #tpu.memory_space<vmem>>, vector<16xf32>,
        tpu.vector_store_idx %arg11[%add3A_773], %get3A_777 : memref<53248xf32, #tpu.memory_space<vmem>>[vector<16xi32>], vector<16xf32>,
        %add3A_778 = vector.broadcast %add3A_771 : i32 to vector<16xi32>
        %add3A_779 = arith.addi %mul3A_9, %add3A_778 : vector<16xi32>
        %get3A_780 = arith.constant 1 : i32
        %get3A_781 = arith.index_cast %get3A_780 : i32 to index
        %get3A_782 = arith.index_cast %scan3A_767 : i32 to index
        %get3A_783 = arith.constant 16 : index
        %get3A_784 = tpu.vector_load %arg10[%get3A_781, %get3A_782, %get3A_783] {strides = array<i32>} : memref<2x64x32xf32, #tpu.memory_space<vmem>>, vector<16xf32>,
        tpu.vector_store_idx %arg11[%add3A_779], %get3A_784 : memref<53248xf32, #tpu.memory_space<vmem>>[vector<16xi32>], vector<16xf32>,
      }
      %scan3A_548 = arith.constant 64 : i32
      %dma_start3A_549 = arith.constant 15 : i32
      %dma_start3A_550 = arith.constant 15 : i32
      %dma_start3A_551 = arith.constant 1 : i32
      %dma_start3A_552 = arith.constant 0 : i32
      %dma_start3A_553 = arith.constant 0 : i32
      %dma_start3A_554 = tpu.memref_slice %arg10[%dma_start3A_551, %dma_start3A_552, %dma_start3A_553] : memref<2x64x32xf32, #tpu.memory_space<vmem>> -> memref<1x64x32xf32, #tpu.memory_space<vmem>>
      %dma_start3A_555 = tpu.memref_squeeze %dma_start3A_554 : memref<1x64x32xf32, #tpu.memory_space<vmem>> -> memref<64x32xf32, #tpu.memory_space<vmem>>
      %dma_start3A_556 = tpu.memref_slice %arg8[%dma_start3A_550, %mul3A_16] : memref<20x512xi32, #tpu.memory_space<vmem>> -> memref<1x64xi32, #tpu.memory_space<vmem>>
      %dma_start3A_557 = tpu.memref_squeeze %dma_start3A_556 : memref<1x64xi32, #tpu.memory_space<vmem>> -> memref<64xi32, #tpu.memory_space<vmem>>
      %dma_start3A_558 = arith.constant 0 : i32
      %dma_start3A_559 = arith.constant 0 : i32
      %dma_start3A_560 = tpu.memref_slice %arg4[%dma_start3A_549, %dma_start3A_558, %dma_start3A_559] : memref<20x100000x32xf32, #tpu.memory_space<hbm>> -> memref<1x100000x32xf32, #tpu.memory_space<hbm>>
      %dma_start3A_561 = tpu.memref_squeeze %dma_start3A_560 : memref<1x100000x32xf32, #tpu.memory_space<hbm>> -> memref<100000x32xf32, #tpu.memory_space<hbm>>
      %dma_start3A_562 = arith.constant 0 : i32
      %dma_start3A_563 = arith.constant 0 : i32
      %dma_start3A_564 = tpu.memref_slice %dma_start3A_561[%dma_start3A_562, %dma_start3A_563] : memref<100000x32xf32, #tpu.memory_space<hbm>> -> memref<100000x32xf32, #tpu.memory_space<hbm>>
      tpu.enqueue_indirect_dma source(%dma_start3A_564 : memref<100000x32xf32, #tpu.memory_space<hbm>>) target(%dma_start3A_555 : memref<64x32xf32, #tpu.memory_space<vmem>>) offsets(%dma_start3A_557 : memref<64xi32, #tpu.memory_space<vmem>>) semaphore(%arg15 : memref<!tpu.dma_semaphore, #tpu.memory_space<semaphore_mem>>)
      %dma_wait3A_565 = arith.constant 14 : i32
      %dma_wait3A_566 = arith.constant 14 : i32
      %dma_wait3A_567 = arith.constant 0 : i32
      %dma_wait3A_568 = arith.constant 0 : i32
      %dma_wait3A_569 = arith.constant 0 : i32
      %dma_wait3A_570 = tpu.memref_slice %arg10[%dma_wait3A_567, %dma_wait3A_568, %dma_wait3A_569] : memref<2x64x32xf32, #tpu.memory_space<vmem>> -> memref<1x64x32xf32, #tpu.memory_space<vmem>>
      %dma_wait3A_571 = tpu.memref_squeeze %dma_wait3A_570 : memref<1x64x32xf32, #tpu.memory_space<vmem>> -> memref<64x32xf32, #tpu.memory_space<vmem>>
      %dma_wait3A_572 = tpu.memref_slice %arg8[%dma_wait3A_566, %mul3A_16] : memref<20x512xi32, #tpu.memory_space<vmem>> -> memref<1x64xi32, #tpu.memory_space<vmem>>
      %dma_wait3A_573 = tpu.memref_squeeze %dma_wait3A_572 : memref<1x64xi32, #tpu.memory_space<vmem>> -> memref<64xi32, #tpu.memory_space<vmem>>
      %dma_wait3A_574 = arith.constant 0 : i32
      %dma_wait3A_575 = arith.constant 0 : i32
      %dma_wait3A_576 = tpu.memref_slice %arg4[%dma_wait3A_565, %dma_wait3A_574, %dma_wait3A_575] : memref<20x100000x32xf32, #tpu.memory_space<hbm>> -> memref<1x100000x32xf32, #tpu.memory_space<hbm>>
      %dma_wait3A_577 = tpu.memref_squeeze %dma_wait3A_576 : memref<1x100000x32xf32, #tpu.memory_space<hbm>> -> memref<100000x32xf32, #tpu.memory_space<hbm>>
      %dma_wait3A_578 = arith.constant 0 : i32
      %dma_wait3A_579 = arith.constant 0 : i32
      %dma_wait3A_580 = tpu.memref_slice %dma_wait3A_577[%dma_wait3A_578, %dma_wait3A_579] : memref<100000x32xf32, #tpu.memory_space<hbm>> -> memref<100000x32xf32, #tpu.memory_space<hbm>>
      tpu.wait_indirect_dma semaphore(%arg14 : memref<!tpu.dma_semaphore, #tpu.memory_space<semaphore_mem>>) src(%dma_wait3A_580 : memref<100000x32xf32, #tpu.memory_space<hbm>>) dst(%dma_wait3A_571 : memref<64x32xf32, #tpu.memory_space<vmem>>)
      %scan3A_581 = arith.constant 0 : i32
      %scan3A_582 = arith.constant 64 : i32
      %scan3A_583 = arith.addi %scan3A_581, %scan3A_582 : i32
      %scan3A_584 = arith.constant 1 : i32
      scf.for %scan3A_767 = %scan3A_581 to %scan3A_583 step %scan3A_584  : i32 {
        %mul3A_768 = arith.constant 832 : i32
        %mul3A_769 = arith.muli %scan3A_767, %mul3A_768 : i32
        %add3A_770 = arith.constant 14 : i32
        %add3A_771 = arith.addi %mul3A_769, %add3A_770 : i32
        %add3A_772 = vector.broadcast %add3A_771 : i32 to vector<16xi32>
        %add3A_773 = arith.addi %mul3A_3, %add3A_772 : vector<16xi32>
        %get3A = arith.constant 0 : i32
        %get3A_774 = arith.index_cast %get3A : i32 to index
        %get3A_775 = arith.index_cast %scan3A_767 : i32 to index
        %get3A_776 = arith.constant 0 : index
        %get3A_777 = tpu.vector_load %arg10[%get3A_774, %get3A_775, %get3A_776] {strides = array<i32>} : memref<2x64x32xf32, #tpu.memory_space<vmem>>, vector<16xf32>,
        tpu.vector_store_idx %arg11[%add3A_773], %get3A_777 : memref<53248xf32, #tpu.memory_space<vmem>>[vector<16xi32>], vector<16xf32>,
        %add3A_778 = vector.broadcast %add3A_771 : i32 to vector<16xi32>
        %add3A_779 = arith.addi %mul3A_9, %add3A_778 : vector<16xi32>
        %get3A_780 = arith.constant 0 : i32
        %get3A_781 = arith.index_cast %get3A_780 : i32 to index
        %get3A_782 = arith.index_cast %scan3A_767 : i32 to index
        %get3A_783 = arith.constant 16 : index
        %get3A_784 = tpu.vector_load %arg10[%get3A_781, %get3A_782, %get3A_783] {strides = array<i32>} : memref<2x64x32xf32, #tpu.memory_space<vmem>>, vector<16xf32>,
        tpu.vector_store_idx %arg11[%add3A_779], %get3A_784 : memref<53248xf32, #tpu.memory_space<vmem>>[vector<16xi32>], vector<16xf32>,
      }
      %scan3A_585 = arith.constant 64 : i32
      %dma_start3A_586 = arith.constant 16 : i32
      %dma_start3A_587 = arith.constant 16 : i32
      %dma_start3A_588 = arith.constant 0 : i32
      %dma_start3A_589 = arith.constant 0 : i32
      %dma_start3A_590 = arith.constant 0 : i32
      %dma_start3A_591 = tpu.memref_slice %arg10[%dma_start3A_588, %dma_start3A_589, %dma_start3A_590] : memref<2x64x32xf32, #tpu.memory_space<vmem>> -> memref<1x64x32xf32, #tpu.memory_space<vmem>>
      %dma_start3A_592 = tpu.memref_squeeze %dma_start3A_591 : memref<1x64x32xf32, #tpu.memory_space<vmem>> -> memref<64x32xf32, #tpu.memory_space<vmem>>
      %dma_start3A_593 = tpu.memref_slice %arg8[%dma_start3A_587, %mul3A_16] : memref<20x512xi32, #tpu.memory_space<vmem>> -> memref<1x64xi32, #tpu.memory_space<vmem>>
      %dma_start3A_594 = tpu.memref_squeeze %dma_start3A_593 : memref<1x64xi32, #tpu.memory_space<vmem>> -> memref<64xi32, #tpu.memory_space<vmem>>
      %dma_start3A_595 = arith.constant 0 : i32
      %dma_start3A_596 = arith.constant 0 : i32
      %dma_start3A_597 = tpu.memref_slice %arg4[%dma_start3A_586, %dma_start3A_595, %dma_start3A_596] : memref<20x100000x32xf32, #tpu.memory_space<hbm>> -> memref<1x100000x32xf32, #tpu.memory_space<hbm>>
      %dma_start3A_598 = tpu.memref_squeeze %dma_start3A_597 : memref<1x100000x32xf32, #tpu.memory_space<hbm>> -> memref<100000x32xf32, #tpu.memory_space<hbm>>
      %dma_start3A_599 = arith.constant 0 : i32
      %dma_start3A_600 = arith.constant 0 : i32
      %dma_start3A_601 = tpu.memref_slice %dma_start3A_598[%dma_start3A_599, %dma_start3A_600] : memref<100000x32xf32, #tpu.memory_space<hbm>> -> memref<100000x32xf32, #tpu.memory_space<hbm>>
      tpu.enqueue_indirect_dma source(%dma_start3A_601 : memref<100000x32xf32, #tpu.memory_space<hbm>>) target(%dma_start3A_592 : memref<64x32xf32, #tpu.memory_space<vmem>>) offsets(%dma_start3A_594 : memref<64xi32, #tpu.memory_space<vmem>>) semaphore(%arg14 : memref<!tpu.dma_semaphore, #tpu.memory_space<semaphore_mem>>)
      %dma_wait3A_602 = arith.constant 15 : i32
      %dma_wait3A_603 = arith.constant 15 : i32
      %dma_wait3A_604 = arith.constant 1 : i32
      %dma_wait3A_605 = arith.constant 0 : i32
      %dma_wait3A_606 = arith.constant 0 : i32
      %dma_wait3A_607 = tpu.memref_slice %arg10[%dma_wait3A_604, %dma_wait3A_605, %dma_wait3A_606] : memref<2x64x32xf32, #tpu.memory_space<vmem>> -> memref<1x64x32xf32, #tpu.memory_space<vmem>>
      %dma_wait3A_608 = tpu.memref_squeeze %dma_wait3A_607 : memref<1x64x32xf32, #tpu.memory_space<vmem>> -> memref<64x32xf32, #tpu.memory_space<vmem>>
      %dma_wait3A_609 = tpu.memref_slice %arg8[%dma_wait3A_603, %mul3A_16] : memref<20x512xi32, #tpu.memory_space<vmem>> -> memref<1x64xi32, #tpu.memory_space<vmem>>
      %dma_wait3A_610 = tpu.memref_squeeze %dma_wait3A_609 : memref<1x64xi32, #tpu.memory_space<vmem>> -> memref<64xi32, #tpu.memory_space<vmem>>
      %dma_wait3A_611 = arith.constant 0 : i32
      %dma_wait3A_612 = arith.constant 0 : i32
      %dma_wait3A_613 = tpu.memref_slice %arg4[%dma_wait3A_602, %dma_wait3A_611, %dma_wait3A_612] : memref<20x100000x32xf32, #tpu.memory_space<hbm>> -> memref<1x100000x32xf32, #tpu.memory_space<hbm>>
      %dma_wait3A_614 = tpu.memref_squeeze %dma_wait3A_613 : memref<1x100000x32xf32, #tpu.memory_space<hbm>> -> memref<100000x32xf32, #tpu.memory_space<hbm>>
      %dma_wait3A_615 = arith.constant 0 : i32
      %dma_wait3A_616 = arith.constant 0 : i32
      %dma_wait3A_617 = tpu.memref_slice %dma_wait3A_614[%dma_wait3A_615, %dma_wait3A_616] : memref<100000x32xf32, #tpu.memory_space<hbm>> -> memref<100000x32xf32, #tpu.memory_space<hbm>>
      tpu.wait_indirect_dma semaphore(%arg15 : memref<!tpu.dma_semaphore, #tpu.memory_space<semaphore_mem>>) src(%dma_wait3A_617 : memref<100000x32xf32, #tpu.memory_space<hbm>>) dst(%dma_wait3A_608 : memref<64x32xf32, #tpu.memory_space<vmem>>)
      %scan3A_618 = arith.constant 0 : i32
      %scan3A_619 = arith.constant 64 : i32
      %scan3A_620 = arith.addi %scan3A_618, %scan3A_619 : i32
      %scan3A_621 = arith.constant 1 : i32
      scf.for %scan3A_767 = %scan3A_618 to %scan3A_620 step %scan3A_621  : i32 {
        %mul3A_768 = arith.constant 832 : i32
        %mul3A_769 = arith.muli %scan3A_767, %mul3A_768 : i32
        %add3A_770 = arith.constant 15 : i32
        %add3A_771 = arith.addi %mul3A_769, %add3A_770 : i32
        %add3A_772 = vector.broadcast %add3A_771 : i32 to vector<16xi32>
        %add3A_773 = arith.addi %mul3A_3, %add3A_772 : vector<16xi32>
        %get3A = arith.constant 1 : i32
        %get3A_774 = arith.index_cast %get3A : i32 to index
        %get3A_775 = arith.index_cast %scan3A_767 : i32 to index
        %get3A_776 = arith.constant 0 : index
        %get3A_777 = tpu.vector_load %arg10[%get3A_774, %get3A_775, %get3A_776] {strides = array<i32>} : memref<2x64x32xf32, #tpu.memory_space<vmem>>, vector<16xf32>,
        tpu.vector_store_idx %arg11[%add3A_773], %get3A_777 : memref<53248xf32, #tpu.memory_space<vmem>>[vector<16xi32>], vector<16xf32>,
        %add3A_778 = vector.broadcast %add3A_771 : i32 to vector<16xi32>
        %add3A_779 = arith.addi %mul3A_9, %add3A_778 : vector<16xi32>
        %get3A_780 = arith.constant 1 : i32
        %get3A_781 = arith.index_cast %get3A_780 : i32 to index
        %get3A_782 = arith.index_cast %scan3A_767 : i32 to index
        %get3A_783 = arith.constant 16 : index
        %get3A_784 = tpu.vector_load %arg10[%get3A_781, %get3A_782, %get3A_783] {strides = array<i32>} : memref<2x64x32xf32, #tpu.memory_space<vmem>>, vector<16xf32>,
        tpu.vector_store_idx %arg11[%add3A_779], %get3A_784 : memref<53248xf32, #tpu.memory_space<vmem>>[vector<16xi32>], vector<16xf32>,
      }
      %scan3A_622 = arith.constant 64 : i32
      %dma_start3A_623 = arith.constant 17 : i32
      %dma_start3A_624 = arith.constant 17 : i32
      %dma_start3A_625 = arith.constant 1 : i32
      %dma_start3A_626 = arith.constant 0 : i32
      %dma_start3A_627 = arith.constant 0 : i32
      %dma_start3A_628 = tpu.memref_slice %arg10[%dma_start3A_625, %dma_start3A_626, %dma_start3A_627] : memref<2x64x32xf32, #tpu.memory_space<vmem>> -> memref<1x64x32xf32, #tpu.memory_space<vmem>>
      %dma_start3A_629 = tpu.memref_squeeze %dma_start3A_628 : memref<1x64x32xf32, #tpu.memory_space<vmem>> -> memref<64x32xf32, #tpu.memory_space<vmem>>
      %dma_start3A_630 = tpu.memref_slice %arg8[%dma_start3A_624, %mul3A_16] : memref<20x512xi32, #tpu.memory_space<vmem>> -> memref<1x64xi32, #tpu.memory_space<vmem>>
      %dma_start3A_631 = tpu.memref_squeeze %dma_start3A_630 : memref<1x64xi32, #tpu.memory_space<vmem>> -> memref<64xi32, #tpu.memory_space<vmem>>
      %dma_start3A_632 = arith.constant 0 : i32
      %dma_start3A_633 = arith.constant 0 : i32
      %dma_start3A_634 = tpu.memref_slice %arg4[%dma_start3A_623, %dma_start3A_632, %dma_start3A_633] : memref<20x100000x32xf32, #tpu.memory_space<hbm>> -> memref<1x100000x32xf32, #tpu.memory_space<hbm>>
      %dma_start3A_635 = tpu.memref_squeeze %dma_start3A_634 : memref<1x100000x32xf32, #tpu.memory_space<hbm>> -> memref<100000x32xf32, #tpu.memory_space<hbm>>
      %dma_start3A_636 = arith.constant 0 : i32
      %dma_start3A_637 = arith.constant 0 : i32
      %dma_start3A_638 = tpu.memref_slice %dma_start3A_635[%dma_start3A_636, %dma_start3A_637] : memref<100000x32xf32, #tpu.memory_space<hbm>> -> memref<100000x32xf32, #tpu.memory_space<hbm>>
      tpu.enqueue_indirect_dma source(%dma_start3A_638 : memref<100000x32xf32, #tpu.memory_space<hbm>>) target(%dma_start3A_629 : memref<64x32xf32, #tpu.memory_space<vmem>>) offsets(%dma_start3A_631 : memref<64xi32, #tpu.memory_space<vmem>>) semaphore(%arg15 : memref<!tpu.dma_semaphore, #tpu.memory_space<semaphore_mem>>)
      %dma_wait3A_639 = arith.constant 16 : i32
      %dma_wait3A_640 = arith.constant 16 : i32
      %dma_wait3A_641 = arith.constant 0 : i32
      %dma_wait3A_642 = arith.constant 0 : i32
      %dma_wait3A_643 = arith.constant 0 : i32
      %dma_wait3A_644 = tpu.memref_slice %arg10[%dma_wait3A_641, %dma_wait3A_642, %dma_wait3A_643] : memref<2x64x32xf32, #tpu.memory_space<vmem>> -> memref<1x64x32xf32, #tpu.memory_space<vmem>>
      %dma_wait3A_645 = tpu.memref_squeeze %dma_wait3A_644 : memref<1x64x32xf32, #tpu.memory_space<vmem>> -> memref<64x32xf32, #tpu.memory_space<vmem>>
      %dma_wait3A_646 = tpu.memref_slice %arg8[%dma_wait3A_640, %mul3A_16] : memref<20x512xi32, #tpu.memory_space<vmem>> -> memref<1x64xi32, #tpu.memory_space<vmem>>
      %dma_wait3A_647 = tpu.memref_squeeze %dma_wait3A_646 : memref<1x64xi32, #tpu.memory_space<vmem>> -> memref<64xi32, #tpu.memory_space<vmem>>
      %dma_wait3A_648 = arith.constant 0 : i32
      %dma_wait3A_649 = arith.constant 0 : i32
      %dma_wait3A_650 = tpu.memref_slice %arg4[%dma_wait3A_639, %dma_wait3A_648, %dma_wait3A_649] : memref<20x100000x32xf32, #tpu.memory_space<hbm>> -> memref<1x100000x32xf32, #tpu.memory_space<hbm>>
      %dma_wait3A_651 = tpu.memref_squeeze %dma_wait3A_650 : memref<1x100000x32xf32, #tpu.memory_space<hbm>> -> memref<100000x32xf32, #tpu.memory_space<hbm>>
      %dma_wait3A_652 = arith.constant 0 : i32
      %dma_wait3A_653 = arith.constant 0 : i32
      %dma_wait3A_654 = tpu.memref_slice %dma_wait3A_651[%dma_wait3A_652, %dma_wait3A_653] : memref<100000x32xf32, #tpu.memory_space<hbm>> -> memref<100000x32xf32, #tpu.memory_space<hbm>>
      tpu.wait_indirect_dma semaphore(%arg14 : memref<!tpu.dma_semaphore, #tpu.memory_space<semaphore_mem>>) src(%dma_wait3A_654 : memref<100000x32xf32, #tpu.memory_space<hbm>>) dst(%dma_wait3A_645 : memref<64x32xf32, #tpu.memory_space<vmem>>)
      %scan3A_655 = arith.constant 0 : i32
      %scan3A_656 = arith.constant 64 : i32
      %scan3A_657 = arith.addi %scan3A_655, %scan3A_656 : i32
      %scan3A_658 = arith.constant 1 : i32
      scf.for %scan3A_767 = %scan3A_655 to %scan3A_657 step %scan3A_658  : i32 {
        %mul3A_768 = arith.constant 832 : i32
        %mul3A_769 = arith.muli %scan3A_767, %mul3A_768 : i32
        %add3A_770 = arith.constant 16 : i32
        %add3A_771 = arith.addi %mul3A_769, %add3A_770 : i32
        %add3A_772 = vector.broadcast %add3A_771 : i32 to vector<16xi32>
        %add3A_773 = arith.addi %mul3A_3, %add3A_772 : vector<16xi32>
        %get3A = arith.constant 0 : i32
        %get3A_774 = arith.index_cast %get3A : i32 to index
        %get3A_775 = arith.index_cast %scan3A_767 : i32 to index
        %get3A_776 = arith.constant 0 : index
        %get3A_777 = tpu.vector_load %arg10[%get3A_774, %get3A_775, %get3A_776] {strides = array<i32>} : memref<2x64x32xf32, #tpu.memory_space<vmem>>, vector<16xf32>,
        tpu.vector_store_idx %arg11[%add3A_773], %get3A_777 : memref<53248xf32, #tpu.memory_space<vmem>>[vector<16xi32>], vector<16xf32>,
        %add3A_778 = vector.broadcast %add3A_771 : i32 to vector<16xi32>
        %add3A_779 = arith.addi %mul3A_9, %add3A_778 : vector<16xi32>
        %get3A_780 = arith.constant 0 : i32
        %get3A_781 = arith.index_cast %get3A_780 : i32 to index
        %get3A_782 = arith.index_cast %scan3A_767 : i32 to index
        %get3A_783 = arith.constant 16 : index
        %get3A_784 = tpu.vector_load %arg10[%get3A_781, %get3A_782, %get3A_783] {strides = array<i32>} : memref<2x64x32xf32, #tpu.memory_space<vmem>>, vector<16xf32>,
        tpu.vector_store_idx %arg11[%add3A_779], %get3A_784 : memref<53248xf32, #tpu.memory_space<vmem>>[vector<16xi32>], vector<16xf32>,
      }
      %scan3A_659 = arith.constant 64 : i32
      %dma_start3A_660 = arith.constant 18 : i32
      %dma_start3A_661 = arith.constant 18 : i32
      %dma_start3A_662 = arith.constant 0 : i32
      %dma_start3A_663 = arith.constant 0 : i32
      %dma_start3A_664 = arith.constant 0 : i32
      %dma_start3A_665 = tpu.memref_slice %arg10[%dma_start3A_662, %dma_start3A_663, %dma_start3A_664] : memref<2x64x32xf32, #tpu.memory_space<vmem>> -> memref<1x64x32xf32, #tpu.memory_space<vmem>>
      %dma_start3A_666 = tpu.memref_squeeze %dma_start3A_665 : memref<1x64x32xf32, #tpu.memory_space<vmem>> -> memref<64x32xf32, #tpu.memory_space<vmem>>
      %dma_start3A_667 = tpu.memref_slice %arg8[%dma_start3A_661, %mul3A_16] : memref<20x512xi32, #tpu.memory_space<vmem>> -> memref<1x64xi32, #tpu.memory_space<vmem>>
      %dma_start3A_668 = tpu.memref_squeeze %dma_start3A_667 : memref<1x64xi32, #tpu.memory_space<vmem>> -> memref<64xi32, #tpu.memory_space<vmem>>
      %dma_start3A_669 = arith.constant 0 : i32
      %dma_start3A_670 = arith.constant 0 : i32
      %dma_start3A_671 = tpu.memref_slice %arg4[%dma_start3A_660, %dma_start3A_669, %dma_start3A_670] : memref<20x100000x32xf32, #tpu.memory_space<hbm>> -> memref<1x100000x32xf32, #tpu.memory_space<hbm>>
      %dma_start3A_672 = tpu.memref_squeeze %dma_start3A_671 : memref<1x100000x32xf32, #tpu.memory_space<hbm>> -> memref<100000x32xf32, #tpu.memory_space<hbm>>
      %dma_start3A_673 = arith.constant 0 : i32
      %dma_start3A_674 = arith.constant 0 : i32
      %dma_start3A_675 = tpu.memref_slice %dma_start3A_672[%dma_start3A_673, %dma_start3A_674] : memref<100000x32xf32, #tpu.memory_space<hbm>> -> memref<100000x32xf32, #tpu.memory_space<hbm>>
      tpu.enqueue_indirect_dma source(%dma_start3A_675 : memref<100000x32xf32, #tpu.memory_space<hbm>>) target(%dma_start3A_666 : memref<64x32xf32, #tpu.memory_space<vmem>>) offsets(%dma_start3A_668 : memref<64xi32, #tpu.memory_space<vmem>>) semaphore(%arg14 : memref<!tpu.dma_semaphore, #tpu.memory_space<semaphore_mem>>)
      %dma_wait3A_676 = arith.constant 17 : i32
      %dma_wait3A_677 = arith.constant 17 : i32
      %dma_wait3A_678 = arith.constant 1 : i32
      %dma_wait3A_679 = arith.constant 0 : i32
      %dma_wait3A_680 = arith.constant 0 : i32
      %dma_wait3A_681 = tpu.memref_slice %arg10[%dma_wait3A_678, %dma_wait3A_679, %dma_wait3A_680] : memref<2x64x32xf32, #tpu.memory_space<vmem>> -> memref<1x64x32xf32, #tpu.memory_space<vmem>>
      %dma_wait3A_682 = tpu.memref_squeeze %dma_wait3A_681 : memref<1x64x32xf32, #tpu.memory_space<vmem>> -> memref<64x32xf32, #tpu.memory_space<vmem>>
      %dma_wait3A_683 = tpu.memref_slice %arg8[%dma_wait3A_677, %mul3A_16] : memref<20x512xi32, #tpu.memory_space<vmem>> -> memref<1x64xi32, #tpu.memory_space<vmem>>
      %dma_wait3A_684 = tpu.memref_squeeze %dma_wait3A_683 : memref<1x64xi32, #tpu.memory_space<vmem>> -> memref<64xi32, #tpu.memory_space<vmem>>
      %dma_wait3A_685 = arith.constant 0 : i32
      %dma_wait3A_686 = arith.constant 0 : i32
      %dma_wait3A_687 = tpu.memref_slice %arg4[%dma_wait3A_676, %dma_wait3A_685, %dma_wait3A_686] : memref<20x100000x32xf32, #tpu.memory_space<hbm>> -> memref<1x100000x32xf32, #tpu.memory_space<hbm>>
      %dma_wait3A_688 = tpu.memref_squeeze %dma_wait3A_687 : memref<1x100000x32xf32, #tpu.memory_space<hbm>> -> memref<100000x32xf32, #tpu.memory_space<hbm>>
      %dma_wait3A_689 = arith.constant 0 : i32
      %dma_wait3A_690 = arith.constant 0 : i32
      %dma_wait3A_691 = tpu.memref_slice %dma_wait3A_688[%dma_wait3A_689, %dma_wait3A_690] : memref<100000x32xf32, #tpu.memory_space<hbm>> -> memref<100000x32xf32, #tpu.memory_space<hbm>>
      tpu.wait_indirect_dma semaphore(%arg15 : memref<!tpu.dma_semaphore, #tpu.memory_space<semaphore_mem>>) src(%dma_wait3A_691 : memref<100000x32xf32, #tpu.memory_space<hbm>>) dst(%dma_wait3A_682 : memref<64x32xf32, #tpu.memory_space<vmem>>)
      %scan3A_692 = arith.constant 0 : i32
      %scan3A_693 = arith.constant 64 : i32
      %scan3A_694 = arith.addi %scan3A_692, %scan3A_693 : i32
      %scan3A_695 = arith.constant 1 : i32
      scf.for %scan3A_767 = %scan3A_692 to %scan3A_694 step %scan3A_695  : i32 {
        %mul3A_768 = arith.constant 832 : i32
        %mul3A_769 = arith.muli %scan3A_767, %mul3A_768 : i32
        %add3A_770 = arith.constant 17 : i32
        %add3A_771 = arith.addi %mul3A_769, %add3A_770 : i32
        %add3A_772 = vector.broadcast %add3A_771 : i32 to vector<16xi32>
        %add3A_773 = arith.addi %mul3A_3, %add3A_772 : vector<16xi32>
        %get3A = arith.constant 1 : i32
        %get3A_774 = arith.index_cast %get3A : i32 to index
        %get3A_775 = arith.index_cast %scan3A_767 : i32 to index
        %get3A_776 = arith.constant 0 : index
        %get3A_777 = tpu.vector_load %arg10[%get3A_774, %get3A_775, %get3A_776] {strides = array<i32>} : memref<2x64x32xf32, #tpu.memory_space<vmem>>, vector<16xf32>,
        tpu.vector_store_idx %arg11[%add3A_773], %get3A_777 : memref<53248xf32, #tpu.memory_space<vmem>>[vector<16xi32>], vector<16xf32>,
        %add3A_778 = vector.broadcast %add3A_771 : i32 to vector<16xi32>
        %add3A_779 = arith.addi %mul3A_9, %add3A_778 : vector<16xi32>
        %get3A_780 = arith.constant 1 : i32
        %get3A_781 = arith.index_cast %get3A_780 : i32 to index
        %get3A_782 = arith.index_cast %scan3A_767 : i32 to index
        %get3A_783 = arith.constant 16 : index
        %get3A_784 = tpu.vector_load %arg10[%get3A_781, %get3A_782, %get3A_783] {strides = array<i32>} : memref<2x64x32xf32, #tpu.memory_space<vmem>>, vector<16xf32>,
        tpu.vector_store_idx %arg11[%add3A_779], %get3A_784 : memref<53248xf32, #tpu.memory_space<vmem>>[vector<16xi32>], vector<16xf32>,
      }
      %scan3A_696 = arith.constant 64 : i32
      %dma_start3A_697 = arith.constant 19 : i32
      %dma_start3A_698 = arith.constant 19 : i32
      %dma_start3A_699 = arith.constant 1 : i32
      %dma_start3A_700 = arith.constant 0 : i32
      %dma_start3A_701 = arith.constant 0 : i32
      %dma_start3A_702 = tpu.memref_slice %arg10[%dma_start3A_699, %dma_start3A_700, %dma_start3A_701] : memref<2x64x32xf32, #tpu.memory_space<vmem>> -> memref<1x64x32xf32, #tpu.memory_space<vmem>>
      %dma_start3A_703 = tpu.memref_squeeze %dma_start3A_702 : memref<1x64x32xf32, #tpu.memory_space<vmem>> -> memref<64x32xf32, #tpu.memory_space<vmem>>
      %dma_start3A_704 = tpu.memref_slice %arg8[%dma_start3A_698, %mul3A_16] : memref<20x512xi32, #tpu.memory_space<vmem>> -> memref<1x64xi32, #tpu.memory_space<vmem>>
      %dma_start3A_705 = tpu.memref_squeeze %dma_start3A_704 : memref<1x64xi32, #tpu.memory_space<vmem>> -> memref<64xi32, #tpu.memory_space<vmem>>
      %dma_start3A_706 = arith.constant 0 : i32
      %dma_start3A_707 = arith.constant 0 : i32
      %dma_start3A_708 = tpu.memref_slice %arg4[%dma_start3A_697, %dma_start3A_706, %dma_start3A_707] : memref<20x100000x32xf32, #tpu.memory_space<hbm>> -> memref<1x100000x32xf32, #tpu.memory_space<hbm>>
      %dma_start3A_709 = tpu.memref_squeeze %dma_start3A_708 : memref<1x100000x32xf32, #tpu.memory_space<hbm>> -> memref<100000x32xf32, #tpu.memory_space<hbm>>
      %dma_start3A_710 = arith.constant 0 : i32
      %dma_start3A_711 = arith.constant 0 : i32
      %dma_start3A_712 = tpu.memref_slice %dma_start3A_709[%dma_start3A_710, %dma_start3A_711] : memref<100000x32xf32, #tpu.memory_space<hbm>> -> memref<100000x32xf32, #tpu.memory_space<hbm>>
      tpu.enqueue_indirect_dma source(%dma_start3A_712 : memref<100000x32xf32, #tpu.memory_space<hbm>>) target(%dma_start3A_703 : memref<64x32xf32, #tpu.memory_space<vmem>>) offsets(%dma_start3A_705 : memref<64xi32, #tpu.memory_space<vmem>>) semaphore(%arg15 : memref<!tpu.dma_semaphore, #tpu.memory_space<semaphore_mem>>)
      %dma_wait3A_713 = arith.constant 18 : i32
      %dma_wait3A_714 = arith.constant 18 : i32
      %dma_wait3A_715 = arith.constant 0 : i32
      %dma_wait3A_716 = arith.constant 0 : i32
      %dma_wait3A_717 = arith.constant 0 : i32
      %dma_wait3A_718 = tpu.memref_slice %arg10[%dma_wait3A_715, %dma_wait3A_716, %dma_wait3A_717] : memref<2x64x32xf32, #tpu.memory_space<vmem>> -> memref<1x64x32xf32, #tpu.memory_space<vmem>>
      %dma_wait3A_719 = tpu.memref_squeeze %dma_wait3A_718 : memref<1x64x32xf32, #tpu.memory_space<vmem>> -> memref<64x32xf32, #tpu.memory_space<vmem>>
      %dma_wait3A_720 = tpu.memref_slice %arg8[%dma_wait3A_714, %mul3A_16] : memref<20x512xi32, #tpu.memory_space<vmem>> -> memref<1x64xi32, #tpu.memory_space<vmem>>
      %dma_wait3A_721 = tpu.memref_squeeze %dma_wait3A_720 : memref<1x64xi32, #tpu.memory_space<vmem>> -> memref<64xi32, #tpu.memory_space<vmem>>
      %dma_wait3A_722 = arith.constant 0 : i32
      %dma_wait3A_723 = arith.constant 0 : i32
      %dma_wait3A_724 = tpu.memref_slice %arg4[%dma_wait3A_713, %dma_wait3A_722, %dma_wait3A_723] : memref<20x100000x32xf32, #tpu.memory_space<hbm>> -> memref<1x100000x32xf32, #tpu.memory_space<hbm>>
      %dma_wait3A_725 = tpu.memref_squeeze %dma_wait3A_724 : memref<1x100000x32xf32, #tpu.memory_space<hbm>> -> memref<100000x32xf32, #tpu.memory_space<hbm>>
      %dma_wait3A_726 = arith.constant 0 : i32
      %dma_wait3A_727 = arith.constant 0 : i32
      %dma_wait3A_728 = tpu.memref_slice %dma_wait3A_725[%dma_wait3A_726, %dma_wait3A_727] : memref<100000x32xf32, #tpu.memory_space<hbm>> -> memref<100000x32xf32, #tpu.memory_space<hbm>>
      tpu.wait_indirect_dma semaphore(%arg14 : memref<!tpu.dma_semaphore, #tpu.memory_space<semaphore_mem>>) src(%dma_wait3A_728 : memref<100000x32xf32, #tpu.memory_space<hbm>>) dst(%dma_wait3A_719 : memref<64x32xf32, #tpu.memory_space<vmem>>)
      %scan3A_729 = arith.constant 0 : i32
      %scan3A_730 = arith.constant 64 : i32
      %scan3A_731 = arith.addi %scan3A_729, %scan3A_730 : i32
      %scan3A_732 = arith.constant 1 : i32
      scf.for %scan3A_767 = %scan3A_729 to %scan3A_731 step %scan3A_732  : i32 {
        %mul3A_768 = arith.constant 832 : i32
        %mul3A_769 = arith.muli %scan3A_767, %mul3A_768 : i32
        %add3A_770 = arith.constant 18 : i32
        %add3A_771 = arith.addi %mul3A_769, %add3A_770 : i32
        %add3A_772 = vector.broadcast %add3A_771 : i32 to vector<16xi32>
        %add3A_773 = arith.addi %mul3A_3, %add3A_772 : vector<16xi32>
        %get3A = arith.constant 0 : i32
        %get3A_774 = arith.index_cast %get3A : i32 to index
        %get3A_775 = arith.index_cast %scan3A_767 : i32 to index
        %get3A_776 = arith.constant 0 : index
        %get3A_777 = tpu.vector_load %arg10[%get3A_774, %get3A_775, %get3A_776] {strides = array<i32>} : memref<2x64x32xf32, #tpu.memory_space<vmem>>, vector<16xf32>,
        tpu.vector_store_idx %arg11[%add3A_773], %get3A_777 : memref<53248xf32, #tpu.memory_space<vmem>>[vector<16xi32>], vector<16xf32>,
        %add3A_778 = vector.broadcast %add3A_771 : i32 to vector<16xi32>
        %add3A_779 = arith.addi %mul3A_9, %add3A_778 : vector<16xi32>
        %get3A_780 = arith.constant 0 : i32
        %get3A_781 = arith.index_cast %get3A_780 : i32 to index
        %get3A_782 = arith.index_cast %scan3A_767 : i32 to index
        %get3A_783 = arith.constant 16 : index
        %get3A_784 = tpu.vector_load %arg10[%get3A_781, %get3A_782, %get3A_783] {strides = array<i32>} : memref<2x64x32xf32, #tpu.memory_space<vmem>>, vector<16xf32>,
        tpu.vector_store_idx %arg11[%add3A_779], %get3A_784 : memref<53248xf32, #tpu.memory_space<vmem>>[vector<16xi32>], vector<16xf32>,
      }
      %scan3A_733 = arith.constant 64 : i32
      %dma_wait3A_734 = arith.constant 19 : i32
      %dma_wait3A_735 = arith.constant 19 : i32
      %dma_wait3A_736 = arith.constant 1 : i32
      %dma_wait3A_737 = arith.constant 0 : i32
      %dma_wait3A_738 = arith.constant 0 : i32
      %dma_wait3A_739 = tpu.memref_slice %arg10[%dma_wait3A_736, %dma_wait3A_737, %dma_wait3A_738] : memref<2x64x32xf32, #tpu.memory_space<vmem>> -> memref<1x64x32xf32, #tpu.memory_space<vmem>>
      %dma_wait3A_740 = tpu.memref_squeeze %dma_wait3A_739 : memref<1x64x32xf32, #tpu.memory_space<vmem>> -> memref<64x32xf32, #tpu.memory_space<vmem>>
      %dma_wait3A_741 = tpu.memref_slice %arg8[%dma_wait3A_735, %mul3A_16] : memref<20x512xi32, #tpu.memory_space<vmem>> -> memref<1x64xi32, #tpu.memory_space<vmem>>
      %dma_wait3A_742 = tpu.memref_squeeze %dma_wait3A_741 : memref<1x64xi32, #tpu.memory_space<vmem>> -> memref<64xi32, #tpu.memory_space<vmem>>
      %dma_wait3A_743 = arith.constant 0 : i32
      %dma_wait3A_744 = arith.constant 0 : i32
      %dma_wait3A_745 = tpu.memref_slice %arg4[%dma_wait3A_734, %dma_wait3A_743, %dma_wait3A_744] : memref<20x100000x32xf32, #tpu.memory_space<hbm>> -> memref<1x100000x32xf32, #tpu.memory_space<hbm>>
      %dma_wait3A_746 = tpu.memref_squeeze %dma_wait3A_745 : memref<1x100000x32xf32, #tpu.memory_space<hbm>> -> memref<100000x32xf32, #tpu.memory_space<hbm>>
      %dma_wait3A_747 = arith.constant 0 : i32
      %dma_wait3A_748 = arith.constant 0 : i32
      %dma_wait3A_749 = tpu.memref_slice %dma_wait3A_746[%dma_wait3A_747, %dma_wait3A_748] : memref<100000x32xf32, #tpu.memory_space<hbm>> -> memref<100000x32xf32, #tpu.memory_space<hbm>>
      tpu.wait_indirect_dma semaphore(%arg15 : memref<!tpu.dma_semaphore, #tpu.memory_space<semaphore_mem>>) src(%dma_wait3A_749 : memref<100000x32xf32, #tpu.memory_space<hbm>>) dst(%dma_wait3A_740 : memref<64x32xf32, #tpu.memory_space<vmem>>)
      %scan3A_750 = arith.constant 0 : i32
      %scan3A_751 = arith.constant 64 : i32
      %scan3A_752 = arith.addi %scan3A_750, %scan3A_751 : i32
      %scan3A_753 = arith.constant 1 : i32
      scf.for %scan3A_767 = %scan3A_750 to %scan3A_752 step %scan3A_753  : i32 {
        %mul3A_768 = arith.constant 832 : i32
        %mul3A_769 = arith.muli %scan3A_767, %mul3A_768 : i32
        %add3A_770 = arith.constant 19 : i32
        %add3A_771 = arith.addi %mul3A_769, %add3A_770 : i32
        %add3A_772 = vector.broadcast %add3A_771 : i32 to vector<16xi32>
        %add3A_773 = arith.addi %mul3A_3, %add3A_772 : vector<16xi32>
        %get3A = arith.constant 1 : i32
        %get3A_774 = arith.index_cast %get3A : i32 to index
        %get3A_775 = arith.index_cast %scan3A_767 : i32 to index
        %get3A_776 = arith.constant 0 : index
        %get3A_777 = tpu.vector_load %arg10[%get3A_774, %get3A_775, %get3A_776] {strides = array<i32>} : memref<2x64x32xf32, #tpu.memory_space<vmem>>, vector<16xf32>,
        tpu.vector_store_idx %arg11[%add3A_773], %get3A_777 : memref<53248xf32, #tpu.memory_space<vmem>>[vector<16xi32>], vector<16xf32>,
        %add3A_778 = vector.broadcast %add3A_771 : i32 to vector<16xi32>
        %add3A_779 = arith.addi %mul3A_9, %add3A_778 : vector<16xi32>
        %get3A_780 = arith.constant 1 : i32
        %get3A_781 = arith.index_cast %get3A_780 : i32 to index
        %get3A_782 = arith.index_cast %scan3A_767 : i32 to index
        %get3A_783 = arith.constant 16 : index
        %get3A_784 = tpu.vector_load %arg10[%get3A_781, %get3A_782, %get3A_783] {strides = array<i32>} : memref<2x64x32xf32, #tpu.memory_space<vmem>>, vector<16xf32>,
        tpu.vector_store_idx %arg11[%add3A_779], %get3A_784 : memref<53248xf32, #tpu.memory_space<vmem>>[vector<16xi32>], vector<16xf32>,
      }
      %scan3A_754 = arith.constant 64 : i32
      %scan3A_755 = arith.constant 0 : i32
      %scan3A_756 = arith.constant 64 : i32
      %scan3A_757 = arith.addi %scan3A_755, %scan3A_756 : i32
      %scan3A_758 = arith.constant 1 : i32
      scf.for %scan3A_767 = %scan3A_755 to %scan3A_757 step %scan3A_758  : i32 {
        %add3A_768 = arith.addi %mul3A_16, %scan3A_767 : i32
        %broadcast_in_dim3A = vector.broadcast %add3A_768 : i32 to vector<16xi32>
        %add3A_769 = arith.constant 0 : i32
        %add3A_770 = vector.broadcast %add3A_769 : i32 to vector<16xi32>
        %add3A_771 = arith.addi %broadcast_in_dim3A, %add3A_770 : vector<16xi32>
        %gather3A = tpu.vector_load_idx %arg9[%add3A_771] : memref<3072xf32, #tpu.memory_space<vmem>>[vector<16xi32>], vector<16xf32>,
        %mul3A_772 = arith.constant 832 : i32
        %mul3A_773 = arith.muli %scan3A_767, %mul3A_772 : i32
        %add3A_774 = arith.constant 20 : i32
        %add3A_775 = arith.addi %mul3A_773, %add3A_774 : i32
        %add3A_776 = arith.constant 0 : i32
        %add3A_777 = arith.addi %add3A_775, %add3A_776 : i32
        %get3A = arith.constant 0 : i32
        %get3A_778 = arith.index_cast %get3A : i32 to index
        %get3A_779 = arith.constant 0 : index
        %get3A_780 = tpu.vector_load %arg12[%get3A_778, %get3A_779] {strides = array<i32>} : memref<6x32xf32, #tpu.memory_space<vmem>>, vector<16xf32>,
        %mul3A_781 = arith.mulf %gather3A, %get3A_780 : vector<16xf32>
        %get3A_782 = arith.constant 0 : i32
        %get3A_783 = arith.index_cast %get3A_782 : i32 to index
        %get3A_784 = arith.constant 0 : index
        %get3A_785 = tpu.vector_load %arg13[%get3A_783, %get3A_784] {strides = array<i32>} : memref<6x32xf32, #tpu.memory_space<vmem>>, vector<16xf32>,
        %add3A_786 = arith.addf %mul3A_781, %get3A_785 : vector<16xf32>
        %get3A_787 = arith.constant 0 : i32
        %get3A_788 = arith.index_cast %get3A_787 : i32 to index
        %get3A_789 = arith.constant 16 : index
        %get3A_790 = tpu.vector_load %arg12[%get3A_788, %get3A_789] {strides = array<i32>} : memref<6x32xf32, #tpu.memory_space<vmem>>, vector<16xf32>,
        %mul3A_791 = arith.mulf %gather3A, %get3A_790 : vector<16xf32>
        %get3A_792 = arith.constant 0 : i32
        %get3A_793 = arith.index_cast %get3A_792 : i32 to index
        %get3A_794 = arith.constant 16 : index
        %get3A_795 = tpu.vector_load %arg13[%get3A_793, %get3A_794] {strides = array<i32>} : memref<6x32xf32, #tpu.memory_space<vmem>>, vector<16xf32>,
        %add3A_796 = arith.addf %mul3A_791, %get3A_795 : vector<16xf32>
        %add3A_797 = vector.broadcast %add3A_777 : i32 to vector<16xi32>
        %add3A_798 = arith.addi %mul3A_3, %add3A_797 : vector<16xi32>
        tpu.vector_store_idx %arg11[%add3A_798], %add3A_786 : memref<53248xf32, #tpu.memory_space<vmem>>[vector<16xi32>], vector<16xf32>,
        %add3A_799 = vector.broadcast %add3A_777 : i32 to vector<16xi32>
        %add3A_800 = arith.addi %mul3A_9, %add3A_799 : vector<16xi32>
        tpu.vector_store_idx %arg11[%add3A_800], %add3A_796 : memref<53248xf32, #tpu.memory_space<vmem>>[vector<16xi32>], vector<16xf32>,
        %add3A_801 = arith.constant 512 : i32
        %add3A_802 = vector.broadcast %add3A_801 : i32 to vector<16xi32>
        %add3A_803 = arith.addi %broadcast_in_dim3A, %add3A_802 : vector<16xi32>
        %gather3A_804 = tpu.vector_load_idx %arg9[%add3A_803] : memref<3072xf32, #tpu.memory_space<vmem>>[vector<16xi32>], vector<16xf32>,
        %mul3A_805 = arith.constant 832 : i32
        %mul3A_806 = arith.muli %scan3A_767, %mul3A_805 : i32
        %add3A_807 = arith.constant 20 : i32
        %add3A_808 = arith.addi %mul3A_806, %add3A_807 : i32
        %add3A_809 = arith.constant 1 : i32
        %add3A_810 = arith.addi %add3A_808, %add3A_809 : i32
        %get3A_811 = arith.constant 1 : i32
        %get3A_812 = arith.index_cast %get3A_811 : i32 to index
        %get3A_813 = arith.constant 0 : index
        %get3A_814 = tpu.vector_load %arg12[%get3A_812, %get3A_813] {strides = array<i32>} : memref<6x32xf32, #tpu.memory_space<vmem>>, vector<16xf32>,
        %mul3A_815 = arith.mulf %gather3A_804, %get3A_814 : vector<16xf32>
        %get3A_816 = arith.constant 1 : i32
        %get3A_817 = arith.index_cast %get3A_816 : i32 to index
        %get3A_818 = arith.constant 0 : index
        %get3A_819 = tpu.vector_load %arg13[%get3A_817, %get3A_818] {strides = array<i32>} : memref<6x32xf32, #tpu.memory_space<vmem>>, vector<16xf32>,
        %add3A_820 = arith.addf %mul3A_815, %get3A_819 : vector<16xf32>
        %get3A_821 = arith.constant 1 : i32
        %get3A_822 = arith.index_cast %get3A_821 : i32 to index
        %get3A_823 = arith.constant 16 : index
        %get3A_824 = tpu.vector_load %arg12[%get3A_822, %get3A_823] {strides = array<i32>} : memref<6x32xf32, #tpu.memory_space<vmem>>, vector<16xf32>,
        %mul3A_825 = arith.mulf %gather3A_804, %get3A_824 : vector<16xf32>
        %get3A_826 = arith.constant 1 : i32
        %get3A_827 = arith.index_cast %get3A_826 : i32 to index
        %get3A_828 = arith.constant 16 : index
        %get3A_829 = tpu.vector_load %arg13[%get3A_827, %get3A_828] {strides = array<i32>} : memref<6x32xf32, #tpu.memory_space<vmem>>, vector<16xf32>,
        %add3A_830 = arith.addf %mul3A_825, %get3A_829 : vector<16xf32>
        %add3A_831 = vector.broadcast %add3A_810 : i32 to vector<16xi32>
        %add3A_832 = arith.addi %mul3A_3, %add3A_831 : vector<16xi32>
        tpu.vector_store_idx %arg11[%add3A_832], %add3A_820 : memref<53248xf32, #tpu.memory_space<vmem>>[vector<16xi32>], vector<16xf32>,
        %add3A_833 = vector.broadcast %add3A_810 : i32 to vector<16xi32>
        %add3A_834 = arith.addi %mul3A_9, %add3A_833 : vector<16xi32>
        tpu.vector_store_idx %arg11[%add3A_834], %add3A_830 : memref<53248xf32, #tpu.memory_space<vmem>>[vector<16xi32>], vector<16xf32>,
        %add3A_835 = arith.constant 1024 : i32
        %add3A_836 = vector.broadcast %add3A_835 : i32 to vector<16xi32>
        %add3A_837 = arith.addi %broadcast_in_dim3A, %add3A_836 : vector<16xi32>
        %gather3A_838 = tpu.vector_load_idx %arg9[%add3A_837] : memref<3072xf32, #tpu.memory_space<vmem>>[vector<16xi32>], vector<16xf32>,
        %mul3A_839 = arith.constant 832 : i32
        %mul3A_840 = arith.muli %scan3A_767, %mul3A_839 : i32
        %add3A_841 = arith.constant 20 : i32
        %add3A_842 = arith.addi %mul3A_840, %add3A_841 : i32
        %add3A_843 = arith.constant 2 : i32
        %add3A_844 = arith.addi %add3A_842, %add3A_843 : i32
        %get3A_845 = arith.constant 2 : i32
        %get3A_846 = arith.index_cast %get3A_845 : i32 to index
        %get3A_847 = arith.constant 0 : index
        %get3A_848 = tpu.vector_load %arg12[%get3A_846, %get3A_847] {strides = array<i32>} : memref<6x32xf32, #tpu.memory_space<vmem>>, vector<16xf32>,
        %mul3A_849 = arith.mulf %gather3A_838, %get3A_848 : vector<16xf32>
        %get3A_850 = arith.constant 2 : i32
        %get3A_851 = arith.index_cast %get3A_850 : i32 to index
        %get3A_852 = arith.constant 0 : index
        %get3A_853 = tpu.vector_load %arg13[%get3A_851, %get3A_852] {strides = array<i32>} : memref<6x32xf32, #tpu.memory_space<vmem>>, vector<16xf32>,
        %add3A_854 = arith.addf %mul3A_849, %get3A_853 : vector<16xf32>
        %get3A_855 = arith.constant 2 : i32
        %get3A_856 = arith.index_cast %get3A_855 : i32 to index
        %get3A_857 = arith.constant 16 : index
        %get3A_858 = tpu.vector_load %arg12[%get3A_856, %get3A_857] {strides = array<i32>} : memref<6x32xf32, #tpu.memory_space<vmem>>, vector<16xf32>,
        %mul3A_859 = arith.mulf %gather3A_838, %get3A_858 : vector<16xf32>
        %get3A_860 = arith.constant 2 : i32
        %get3A_861 = arith.index_cast %get3A_860 : i32 to index
        %get3A_862 = arith.constant 16 : index
        %get3A_863 = tpu.vector_load %arg13[%get3A_861, %get3A_862] {strides = array<i32>} : memref<6x32xf32, #tpu.memory_space<vmem>>, vector<16xf32>,
        %add3A_864 = arith.addf %mul3A_859, %get3A_863 : vector<16xf32>
        %add3A_865 = vector.broadcast %add3A_844 : i32 to vector<16xi32>
        %add3A_866 = arith.addi %mul3A_3, %add3A_865 : vector<16xi32>
        tpu.vector_store_idx %arg11[%add3A_866], %add3A_854 : memref<53248xf32, #tpu.memory_space<vmem>>[vector<16xi32>], vector<16xf32>,
        %add3A_867 = vector.broadcast %add3A_844 : i32 to vector<16xi32>
        %add3A_868 = arith.addi %mul3A_9, %add3A_867 : vector<16xi32>
        tpu.vector_store_idx %arg11[%add3A_868], %add3A_864 : memref<53248xf32, #tpu.memory_space<vmem>>[vector<16xi32>], vector<16xf32>,
        %add3A_869 = arith.constant 1536 : i32
        %add3A_870 = vector.broadcast %add3A_869 : i32 to vector<16xi32>
        %add3A_871 = arith.addi %broadcast_in_dim3A, %add3A_870 : vector<16xi32>
        %gather3A_872 = tpu.vector_load_idx %arg9[%add3A_871] : memref<3072xf32, #tpu.memory_space<vmem>>[vector<16xi32>], vector<16xf32>,
        %mul3A_873 = arith.constant 832 : i32
        %mul3A_874 = arith.muli %scan3A_767, %mul3A_873 : i32
        %add3A_875 = arith.constant 20 : i32
        %add3A_876 = arith.addi %mul3A_874, %add3A_875 : i32
        %add3A_877 = arith.constant 3 : i32
        %add3A_878 = arith.addi %add3A_876, %add3A_877 : i32
        %get3A_879 = arith.constant 3 : i32
        %get3A_880 = arith.index_cast %get3A_879 : i32 to index
        %get3A_881 = arith.constant 0 : index
        %get3A_882 = tpu.vector_load %arg12[%get3A_880, %get3A_881] {strides = array<i32>} : memref<6x32xf32, #tpu.memory_space<vmem>>, vector<16xf32>,
        %mul3A_883 = arith.mulf %gather3A_872, %get3A_882 : vector<16xf32>
        %get3A_884 = arith.constant 3 : i32
        %get3A_885 = arith.index_cast %get3A_884 : i32 to index
        %get3A_886 = arith.constant 0 : index
        %get3A_887 = tpu.vector_load %arg13[%get3A_885, %get3A_886] {strides = array<i32>} : memref<6x32xf32, #tpu.memory_space<vmem>>, vector<16xf32>,
        %add3A_888 = arith.addf %mul3A_883, %get3A_887 : vector<16xf32>
        %get3A_889 = arith.constant 3 : i32
        %get3A_890 = arith.index_cast %get3A_889 : i32 to index
        %get3A_891 = arith.constant 16 : index
        %get3A_892 = tpu.vector_load %arg12[%get3A_890, %get3A_891] {strides = array<i32>} : memref<6x32xf32, #tpu.memory_space<vmem>>, vector<16xf32>,
        %mul3A_893 = arith.mulf %gather3A_872, %get3A_892 : vector<16xf32>
        %get3A_894 = arith.constant 3 : i32
        %get3A_895 = arith.index_cast %get3A_894 : i32 to index
        %get3A_896 = arith.constant 16 : index
        %get3A_897 = tpu.vector_load %arg13[%get3A_895, %get3A_896] {strides = array<i32>} : memref<6x32xf32, #tpu.memory_space<vmem>>, vector<16xf32>,
        %add3A_898 = arith.addf %mul3A_893, %get3A_897 : vector<16xf32>
        %add3A_899 = vector.broadcast %add3A_878 : i32 to vector<16xi32>
        %add3A_900 = arith.addi %mul3A_3, %add3A_899 : vector<16xi32>
        tpu.vector_store_idx %arg11[%add3A_900], %add3A_888 : memref<53248xf32, #tpu.memory_space<vmem>>[vector<16xi32>], vector<16xf32>,
        %add3A_901 = vector.broadcast %add3A_878 : i32 to vector<16xi32>
        %add3A_902 = arith.addi %mul3A_9, %add3A_901 : vector<16xi32>
        tpu.vector_store_idx %arg11[%add3A_902], %add3A_898 : memref<53248xf32, #tpu.memory_space<vmem>>[vector<16xi32>], vector<16xf32>,
        %add3A_903 = arith.constant 2048 : i32
        %add3A_904 = vector.broadcast %add3A_903 : i32 to vector<16xi32>
        %add3A_905 = arith.addi %broadcast_in_dim3A, %add3A_904 : vector<16xi32>
        %gather3A_906 = tpu.vector_load_idx %arg9[%add3A_905] : memref<3072xf32, #tpu.memory_space<vmem>>[vector<16xi32>], vector<16xf32>,
        %mul3A_907 = arith.constant 832 : i32
        %mul3A_908 = arith.muli %scan3A_767, %mul3A_907 : i32
        %add3A_909 = arith.constant 20 : i32
        %add3A_910 = arith.addi %mul3A_908, %add3A_909 : i32
        %add3A_911 = arith.constant 4 : i32
        %add3A_912 = arith.addi %add3A_910, %add3A_911 : i32
        %get3A_913 = arith.constant 4 : i32
        %get3A_914 = arith.index_cast %get3A_913 : i32 to index
        %get3A_915 = arith.constant 0 : index
        %get3A_916 = tpu.vector_load %arg12[%get3A_914, %get3A_915] {strides = array<i32>} : memref<6x32xf32, #tpu.memory_space<vmem>>, vector<16xf32>,
        %mul3A_917 = arith.mulf %gather3A_906, %get3A_916 : vector<16xf32>
        %get3A_918 = arith.constant 4 : i32
        %get3A_919 = arith.index_cast %get3A_918 : i32 to index
        %get3A_920 = arith.constant 0 : index
        %get3A_921 = tpu.vector_load %arg13[%get3A_919, %get3A_920] {strides = array<i32>} : memref<6x32xf32, #tpu.memory_space<vmem>>, vector<16xf32>,
        %add3A_922 = arith.addf %mul3A_917, %get3A_921 : vector<16xf32>
        %get3A_923 = arith.constant 4 : i32
        %get3A_924 = arith.index_cast %get3A_923 : i32 to index
        %get3A_925 = arith.constant 16 : index
        %get3A_926 = tpu.vector_load %arg12[%get3A_924, %get3A_925] {strides = array<i32>} : memref<6x32xf32, #tpu.memory_space<vmem>>, vector<16xf32>,
        %mul3A_927 = arith.mulf %gather3A_906, %get3A_926 : vector<16xf32>
        %get3A_928 = arith.constant 4 : i32
        %get3A_929 = arith.index_cast %get3A_928 : i32 to index
        %get3A_930 = arith.constant 16 : index
        %get3A_931 = tpu.vector_load %arg13[%get3A_929, %get3A_930] {strides = array<i32>} : memref<6x32xf32, #tpu.memory_space<vmem>>, vector<16xf32>,
        %add3A_932 = arith.addf %mul3A_927, %get3A_931 : vector<16xf32>
        %add3A_933 = vector.broadcast %add3A_912 : i32 to vector<16xi32>
        %add3A_934 = arith.addi %mul3A_3, %add3A_933 : vector<16xi32>
        tpu.vector_store_idx %arg11[%add3A_934], %add3A_922 : memref<53248xf32, #tpu.memory_space<vmem>>[vector<16xi32>], vector<16xf32>,
        %add3A_935 = vector.broadcast %add3A_912 : i32 to vector<16xi32>
        %add3A_936 = arith.addi %mul3A_9, %add3A_935 : vector<16xi32>
        tpu.vector_store_idx %arg11[%add3A_936], %add3A_932 : memref<53248xf32, #tpu.memory_space<vmem>>[vector<16xi32>], vector<16xf32>,
        %add3A_937 = arith.constant 2560 : i32
        %add3A_938 = vector.broadcast %add3A_937 : i32 to vector<16xi32>
        %add3A_939 = arith.addi %broadcast_in_dim3A, %add3A_938 : vector<16xi32>
        %gather3A_940 = tpu.vector_load_idx %arg9[%add3A_939] : memref<3072xf32, #tpu.memory_space<vmem>>[vector<16xi32>], vector<16xf32>,
        %mul3A_941 = arith.constant 832 : i32
        %mul3A_942 = arith.muli %scan3A_767, %mul3A_941 : i32
        %add3A_943 = arith.constant 20 : i32
        %add3A_944 = arith.addi %mul3A_942, %add3A_943 : i32
        %add3A_945 = arith.constant 5 : i32
        %add3A_946 = arith.addi %add3A_944, %add3A_945 : i32
        %get3A_947 = arith.constant 5 : i32
        %get3A_948 = arith.index_cast %get3A_947 : i32 to index
        %get3A_949 = arith.constant 0 : index
        %get3A_950 = tpu.vector_load %arg12[%get3A_948, %get3A_949] {strides = array<i32>} : memref<6x32xf32, #tpu.memory_space<vmem>>, vector<16xf32>,
        %mul3A_951 = arith.mulf %gather3A_940, %get3A_950 : vector<16xf32>
        %get3A_952 = arith.constant 5 : i32
        %get3A_953 = arith.index_cast %get3A_952 : i32 to index
        %get3A_954 = arith.constant 0 : index
        %get3A_955 = tpu.vector_load %arg13[%get3A_953, %get3A_954] {strides = array<i32>} : memref<6x32xf32, #tpu.memory_space<vmem>>, vector<16xf32>,
        %add3A_956 = arith.addf %mul3A_951, %get3A_955 : vector<16xf32>
        %get3A_957 = arith.constant 5 : i32
        %get3A_958 = arith.index_cast %get3A_957 : i32 to index
        %get3A_959 = arith.constant 16 : index
        %get3A_960 = tpu.vector_load %arg12[%get3A_958, %get3A_959] {strides = array<i32>} : memref<6x32xf32, #tpu.memory_space<vmem>>, vector<16xf32>,
        %mul3A_961 = arith.mulf %gather3A_940, %get3A_960 : vector<16xf32>
        %get3A_962 = arith.constant 5 : i32
        %get3A_963 = arith.index_cast %get3A_962 : i32 to index
        %get3A_964 = arith.constant 16 : index
        %get3A_965 = tpu.vector_load %arg13[%get3A_963, %get3A_964] {strides = array<i32>} : memref<6x32xf32, #tpu.memory_space<vmem>>, vector<16xf32>,
        %add3A_966 = arith.addf %mul3A_961, %get3A_965 : vector<16xf32>
        %add3A_967 = vector.broadcast %add3A_946 : i32 to vector<16xi32>
        %add3A_968 = arith.addi %mul3A_3, %add3A_967 : vector<16xi32>
        tpu.vector_store_idx %arg11[%add3A_968], %add3A_956 : memref<53248xf32, #tpu.memory_space<vmem>>[vector<16xi32>], vector<16xf32>,
        %add3A_969 = vector.broadcast %add3A_946 : i32 to vector<16xi32>
        %add3A_970 = arith.addi %mul3A_9, %add3A_969 : vector<16xi32>
        tpu.vector_store_idx %arg11[%add3A_970], %add3A_966 : memref<53248xf32, #tpu.memory_space<vmem>>[vector<16xi32>], vector<16xf32>,
      }
      %scan3A_759 = arith.constant 64 : i32
      %mul3A_760 = arith.constant 512 : i32
      %mul3A_761 = arith.muli %add3A, %mul3A_760 : i32
      %add3A_762 = arith.addi %mul3A_761, %mul3A_16 : i32
      %mul3A_763 = arith.constant 32 : i32
      %mul3A_764 = arith.muli %add3A_762, %mul3A_763 : i32
      %mul3A_765 = arith.constant 26 : i32
      %mul3A_766 = arith.muli %mul3A_764, %mul3A_765 : i32
      "tpu.region"() ({
        %run_scoped3A = tpu.sem_alloc : memref<!tpu.dma_semaphore, #tpu.memory_space<semaphore_mem>>
        %dma_start3A_767 = tpu.memref_slice %arg7[%mul3A_766] : memref<13631488xf32, #tpu.memory_space<hbm>> -> memref<53248xf32, #tpu.memory_space<hbm>>
        %dma_start3A_768 = tpu.memref_slice %arg7[%mul3A_766] : memref<13631488xf32, #tpu.memory_space<hbm>> -> memref<53248xf32, #tpu.memory_space<hbm>>
        tpu.enqueue_dma source(%arg11 : memref<53248xf32, #tpu.memory_space<vmem>>) target(%dma_start3A_768 : memref<53248xf32, #tpu.memory_space<hbm>>) target_semaphore(%run_scoped3A : memref<!tpu.dma_semaphore, #tpu.memory_space<semaphore_mem>>)
        %dma_wait3A_769 = tpu.memref_slice %arg7[%mul3A_766] : memref<13631488xf32, #tpu.memory_space<hbm>> -> memref<53248xf32, #tpu.memory_space<hbm>>
        %dma_wait3A_770 = tpu.memref_slice %arg7[%mul3A_766] : memref<13631488xf32, #tpu.memory_space<hbm>> -> memref<53248xf32, #tpu.memory_space<hbm>>
        tpu.wait_dma2 semaphore(%run_scoped3A : memref<!tpu.dma_semaphore, #tpu.memory_space<semaphore_mem>>) src(%arg11 : memref<53248xf32, #tpu.memory_space<vmem>>) dst(%dma_wait3A_770 : memref<53248xf32, #tpu.memory_space<hbm>>)
        tpu.yield
      }) : () -> ()
    }
    %scan3A_13 = arith.constant 8 : i32
    return
  }
}

</mosaic_0001>

<sc_bundles>
// kernel: kernel.3.cloned.1.call-start
scs
__scs_entry_jumppad:
0x0: {  	(pc) =	sbr.rel $0x88, $3  }
0x1: {  	(tag) =	ssettag $0x0;
	lr =	simm.s32 $0x1  }
0x2: {  	[smem:$0x3F9D] =	sst lr;
	_ =	strace $0xD0000000  }
0x3: {  	_ = 	snop  }
0x4: {  	_ = 	snop  }
0x5: {  	_ = 	snop  }
0x6: {  	_ = 	snop  }
0x7: {  	_ = 	snop  }
__scs_overlays_trampoline_lowered:
0x8: {  	[smem:$0x3FAC] =	sst s0  }
0x9: {  	[smem:$0x3FAD] =	sst s1  }
0xa: {  	[smem:$0x3FAE] =	sst s2  }
0xb: {  	[smem:$0x3FAF] =	sst s3  }
0xc: {  	[smem:$0x3FB0] =	sst s4  }
0xd: {  	[smem:$0x3FB1] =	sst s5  }
0xe: {  	[smem:$0x3FB2] =	sst s6  }
0xf: {  	[smem:$0x3FB3] =	sst s7  }
0x10: {  	[smem:$0x3FB4] =	sst s8  }
0x11: {  	[smem:$0x3FB5] =	sst s9;
	s0 =	simm.s32 @!p0 $0x0  }
0x12: {  	s1 =	sld [smem:$0x3F9B];
	s0 =	simm.s32 @p0 $0x1  }
0x13: {  	[smem:$0x3FB6] =	sst s0;
	s0 =	simm.s32 @!p1 $0x0  }
0x14: {  	s2 =	sld [smem:$0x3F9A];
	s0 =	simm.s32 @p1 $0x1  }
0x15: {  	[smem:$0x3FB7] =	sst s0;
	s0 =	simm.s32 @!p2 $0x0  }
0x16: {  	s3 =	sld [smem:$0x3FDB];
	s0 =	simm.s32 @p2 $0x1  }
0x17: {  	s4 =	simm.s32 $0x1BF5;
	[smem:$0x3FB9] =	sst s0  }
0x18: {  	s0 =	sld [smem:$0x3F9C];
	_ =	swait.ge [sflag:s4], $0x0  }
0x19: {  	s7 =	sld [smem:$0x3F9D]  }
0x1a: {  	s8 =	sadd.s32 $0xFFFFE003, lr  }
0x1b: {  	s9 =	sadd.s32 $0xFFFFFEF7, lr;
	s5 =	simm.s32 $0xFFFFFFFF;
	p2 =	slt.u32 s8, $0xFFFFF086  }
0x1c: {  	p1 =	slt.u32 s9, $0xF7A;
	s5 =	simm.s32 @!p2 $0x0  }
0x1d: {  	s5 =	simm.s32 @p1 $0x1;
	p0 =	seq.s32 s7, s2  }
0x1e: {  	s7 =	smul.u32 @!p0 $0xF7A, s2;
	p2 =	seq.s32 @!p0 s5, $0x0  }
0x1f: {  	s9 =	smul.u32 $0xF7A, s1;
	s8 =	simm.s32 @!p0 $0x1BF5;
	p2 =	por !p2, p0  }
0x20: {  	[sflag:s8] =	ssyncset.s32 @!p0 $0xFFFFF086;
	s6 =	sadd.s32 @!p0 s3, s7;
	s7 =	simm.s32 @!p0 $0x108  }
0x21: {  	s3 =	sadd.s32 s3, s9;
	s6 =	sadd.s32 @!p0 $0x88, s6;
	s7 =	simm.s32 @p2 $0x1082  }
0x22: {  	[simem:s7], [sflag:s8] =	dma.local @!p0 [hbm:s6], $0xF7A  }
0x23: {  	s9 =	sor.u32 $0xD0000000, s2;
	s6 =	simm.s32 $0x108;
	_ =	swait.ge @!p0 [sflag:s8], $0x0  }
0x24: {  	s3 =	sadd.s32 $0x88, s3;
	s6 =	simm.s32 @!p1 $0x1082;
	[sflag:s4] =	ssyncset.s32 $0xFFFFF086  }
0x25: {  	[simem:s6], [sflag:s4] =	dma.local [hbm:s3], $0xF7A  }
0x26: {  	[smem:$0x3F9D] =	sst s1;
	(tag) =	ssettag s2;
	_ =	strace s9  }
0x27: {  	s1 =	sld [smem:$0x3FAD]  }
0x28: {  	s2 =	sld [smem:$0x3FAE]  }
0x29: {  	s4 =	sld [smem:$0x3FB0]  }
0x2a: {  	p0 =	seq.s32 s5, $0x0;
	s5 =	sld [smem:$0x3FB1]  }
0x2b: {  	s6 =	sld [smem:$0x3FB2]  }
0x2c: {  	s7 =	sld [smem:$0x3FB3]  }
0x2d: {  	s3 =	simm.s32 $0x108;
	s8 =	sld [smem:$0x3FB4]  }
0x2e: {  	s3 =	simm.s32 @!p0 $0x1082;
	s9 =	sld [smem:$0x3FB5]  }
0x2f: {  	lr =	sadd.s32 s0, s3;
	s0 =	sld [smem:$0x3FAC]  }
0x30: {  	s3 =	sld [smem:$0x3FAF]  }
0x31: {  	[smem:$0x3FB8] =	sst s10  }
0x32: {  	s10 =	sld [smem:$0x3FB6];
	_ =	sdelay $0x3  }
0x33: {  	p0 =	seq.s32 s10, $0x1;
	s10 =	sld [smem:$0x3FB8];
	_ =	sdelay $0x3  }
0x34: {  	[smem:$0x3FB8] =	sst s10  }
0x35: {  	s10 =	sld [smem:$0x3FB7];
	_ =	sdelay $0x3  }
0x36: {  	p1 =	seq.s32 s10, $0x1;
	s10 =	sld [smem:$0x3FB8];
	_ =	sdelay $0x3  }
0x37: {  	[smem:$0x3FB8] =	sst s10  }
0x38: {  	s10 =	sld [smem:$0x3FB9]  }
0x39: {  	_ = 	snop;
	(pc) =	sbr.ind lr, $3  }
0x3a: {  	_ = 	snop  }
0x3b: {  	_ = 	snop  }
0x3c: {  	p2 =	seq.s32 s10, $0x1;
	s10 =	sld [smem:$0x3FB8]  }
0x3d: {  	_ =	shalt  }
0x3e: {  	_ =	shalt  }
0x3f: {  	_ =	shalt  }
0x40: {  	_ =	shalt  }
0x41: {  	_ =	shalt  }
0x42: {  	_ =	shalt  }
0x43: {  	_ =	shalt  }
0x44: {  	_ =	shalt  }
0x45: {  	_ =	shalt  }
0x46: {  	_ =	shalt  }
0x47: {  	_ =	shalt  }
0x48: {  	_ =	shalt  }
0x49: {  	_ =	shalt  }
0x4a: {  	_ =	shalt  }
0x4b: {  	_ =	shalt  }
0x4c: {  	_ =	shalt  }
0x4d: {  	_ =	shalt  }
0x4e: {  	_ =	shalt  }
0x4f: {  	_ =	shalt  }
0x50: {  	_ =	shalt  }
0x51: {  	_ =	shalt  }
0x52: {  	_ =	shalt  }
0x53: {  	_ =	shalt  }
0x54: {  	_ =	shalt  }
0x55: {  	_ =	shalt  }
0x56: {  	_ =	shalt  }
0x57: {  	_ =	shalt  }
0x58: {  	_ =	shalt  }
0x59: {  	_ =	shalt  }
0x5a: {  	_ =	shalt  }
0x5b: {  	_ =	shalt  }
0x5c: {  	_ =	shalt  }
0x5d: {  	_ =	shalt  }
0x5e: {  	_ =	shalt  }
0x5f: {  	_ =	shalt  }
0x60: {  	_ =	shalt  }
0x61: {  	_ =	shalt  }
0x62: {  	_ =	shalt  }
0x63: {  	_ =	shalt  }
0x64: {  	_ =	shalt  }
0x65: {  	_ =	shalt  }
0x66: {  	_ =	shalt  }
0x67: {  	_ =	shalt  }
0x68: {  	_ =	shalt  }
0x69: {  	_ =	shalt  }
0x6a: {  	_ =	shalt  }
0x6b: {  	_ =	shalt  }
0x6c: {  	_ =	shalt  }
0x6d: {  	_ =	shalt  }
0x6e: {  	_ =	shalt  }
0x6f: {  	_ =	shalt  }
0x70: {  	_ =	shalt  }
0x71: {  	_ =	shalt  }
0x72: {  	_ =	shalt  }
0x73: {  	_ =	shalt  }
0x74: {  	_ =	shalt  }
0x75: {  	_ =	shalt  }
0x76: {  	_ =	shalt  }
0x77: {  	_ =	shalt  }
0x78: {  	_ =	shalt  }
0x79: {  	_ =	shalt  }
0x7a: {  	_ =	shalt  }
0x7b: {  	_ =	shalt  }
0x7c: {  	_ =	shalt  }
0x7d: {  	_ =	shalt  }
0x7e: {  	_ =	shalt  }
0x7f: {  	_ =	shalt  }
0x80: {  	_ =	shalt  }
0x81: {  	_ =	shalt  }
0x82: {  	_ =	shalt  }
0x83: {  	_ =	shalt  }
0x84: {  	_ =	shalt  }
0x85: {  	_ =	shalt  }
0x86: {  	_ =	shalt  }
0x87: {  	_ =	shalt  }
.Lfunc_end0:
.L_simem_size_0:
called_computation.1_lowered:
.L_overlay_start_0:
0x88: {  	s2 =	sld [smem:$0x3FD9]  }
0x89: {  	s3 =	sld [smem:$0x3FFE];
	_ =	sdelay $0x1  }
0x8a: {  	s1 =	srdreg.scid  }
0x8b: {  	s0 =	sand.u32 $0x1, s1  }
0x8c: {  	s17 =	sshll.u32 s0, $0xA;
	s2 =	sadd.s32 s3, s2  }
0x8d: {  	s2 =	sadd.s32 s2, s17  }
0x8e: {  	[smem:$0x3FC4] =	sst s2  }
0x8f: {  	_ = 	snop  }
0x90: {  	s2 =	sld [smem:$0x3FD0];
	(tm) =	ssettm $0x1  }
0x91: {  	s18 =	sld [smem:$0x3FFB];
	_ =	sdelay $0x3  }
0x92: {  	_ =	strace s18  }
0x93: {  	s3 =	sld [smem:$0x3FFC];
	_ =	sdelay $0x3  }
0x94: {  	_ =	strace s3  }
0x95: {  	s3 =	sld [smem:$0x3FFD];
	_ =	sdelay $0x3  }
0x96: {  	_ =	strace s3  }
0x97: {  	_ =	strace $0x8FFFFFFF  }
0x98: {  	s19 =	sld [smem:$0x3FDB];
	_ =	sdelay $0x1  }
0x99: {  	s4 =	simm.s32 $_scs_section_size  }
0x9a: {  	s5 =	simm.s32 $_size__tile_overlayer_lowered;
	s6 =	simm.s32 $_tile_overlayer_lowered  }
0x9b: {  	s22 =	simm.s32 $0x1BFF;
	s21 =	sshll.u32 s6, $0x1;
	s3 =	sadd.s32 s4, s19  }
0x9c: {  	s7 =	simm.s32 $0x0;
	s20 =	sshll.u32 s5, $0x1;
	s5 =	sadd.s32 s21, s3  }
0x9d: {  	[timem:s7], [sflag:s22] =	dma.local [hbm:s5], s20  }
0x9e: {  	_ =	swait.ge [sflag:s22], s20  }
0x9f: {  	s4 =	ssub.s32 $0x0, s20;
	[sflag:s22] =	ssyncset.done $0x0  }
0xa0: {  	[sflag:s22] =	ssyncadd.s32 s4;
	_ =	sdelay $0x1  }
0xa1: {  	s23 =	simm.s32 $0x1B8B  }
0xa2: {  	_ =	swait.ge [sflag:s23], $0x1  }
0xa3: {  	[sflag:s23] =	ssyncset.done $0x0  }
0xa4: {  	s25 =	simm.s32 $0x1B8E;
	s24 =	sld [smem:$0x3FFE];
	[sflag:s23] =	ssyncadd.s32 $0xFFFFFFFF  }
0xa5: {  	s26 =	simm.s32 $execute0_lowered;
	[smem:$0x3FD2] =	sst s25  }
0xa6: {  	s5 =	sshll.u32 s26, $0x1;
	_ =	strace $0x80000046;
	[dreg:$0x1] =	wrdreg $0xFFFFFFFF  }
0xa7: {  	s28 =	simm.s32 $_size_execute0_lowered;
	s3 =	sadd.s32 s3, s5;
	[dreg:$0x0] =	wrdreg $0x0  }
0xa8: {  	s5 =	sshll.u32 s28, $0x1;
	[dreg:$0x2] =	wrdreg s3  }
0xa9: {  	[dreg:$0x3] =	wrdreg s5  }
0xaa: {  	[dreg:$0x4] =	wrdreg $0xC0  }
0xab: {  	_ =	task [dreg:s7], $0x5FFFF  }
0xac: {  	[dreg:$0x1] =	wrdreg $0xFFFFFFFF  }
0xad: {  	[dreg:$0x0] =	wrdreg $0x60  }
0xae: {  	[dreg:$0x2] =	wrdreg s24  }
0xaf: {  	[dreg:$0x3] =	wrdreg s2  }
0xb0: {  	[dreg:$0x4] =	wrdreg $0x9  }
0xb1: {  	_ =	task.clear_ibuf [dreg:s7], $0x5FFFF;
	_ =	strace $0x90000046  }
0xb2: {  	s29 =	simm.s32 $0x9;
	_ =	strace $0x80000048  }
0xb3: {  	_ =	swait.ge [sflag:s29], $0x1  }
0xb4: {  	[sflag:s29] =	ssyncadd.s32 $0xFFFFFFFF  }
0xb5: {  	_ =	strace $0x90000048  }
0xb6: {  	_ =	sfence  }
0xb7: {  	s30 =	sld [smem:$0x0];
	_ =	sdelay $0x2  }
0xb8: {  	s31 =	sshll.u32 s1, $0xD;
	s1 =	sshrl.u32 s1, $0x2  }
0xb9: {  	s3 =	sand.u32 $0x4000, s31;
	s1 =	sadd.s32 s1, s30  }
0xba: {  	s0 =	sor.u32 s3, s0;
	s1 =	sshll.u32 s1, $0x11  }
0xbb: {  	s0 =	sor.u32 s1, s0  }
0xbc: {  	s0 =	sadd.s32 $0x8F2B, s0  }
0xbd: {  	[sflag:s0] =	ssyncadd.remote.s32 $0x1  }
0xbe: {  	_ =	sfence.sel $0xFFFF  }
0xbf: {  	[dreg:$0x0] =	wrdreg $0xFFFFFFFF;
	(pc) =	sbr.abs _section_cstart, $3  }
0xc0: {  	[dreg:$0x1] =	wrdreg $0xFFFFFFFF  }
0xc1: {  	_ =	task.clear_ibuf [dreg:s7], $0x2FFFF;
	_ =	strace $0x9FFFFFFF  }
0xc2: {  	(tm) =	ssettm $0x7FFFFFFF  }
0xc3: {  	_ =	shalt  }
tec
execute0_lowered:
.L_overlay_start_1:
0x0: {  	(tag) =	ssettag $0x1  }
0x1: {  	s0 =	srdreg.scid;
	s1 =	stileid.u32  }
0x2: {  	s2 =	rddreg [dreg:$0x0];
	s5 =	simm.s32 $0x0;
	s31 =	simm.s32 $0x2800  }
0x3: {  	s6 =	simm.s32 $0x3C00;
	s7 =	simm.s32 $0x1;
	s8 =	simm.s32 $0x4400  }
0x4: {  	s30 =	simm.s32 $0x2;
	s0 =	sand.u32 $0x1, s0;
	[smem:$0x7FF] =	sst s5  }
0x5: {  	s17 =	sadd.s32 $0x1E89800, s2;
	s18 =	sadd.s32 $0x4200, s2;
	s19 =	sadd.s32 $0x4000, s2  }
0x6: {  	s1 =	sshll.u32 s1, $0x1;
	s21 =	sadd.s32 $0x1EEB280, s2;
	s22 =	sadd.s32 $0x1F4CD00, s2  }
0x7: {  	s23 =	sadd.s32 $0x1FAE780, s2;
	_ =	strace $0x80000047;
	[dreg:$0x3] =	wrdreg s17  }
0x8: {  	s24 =	sadd.s32 $0x2010200, s2;
	s25 =	sadd.s32 $0x2071C80, s2;
	[dreg:$0x4] =	wrdreg s18  }
0x9: {  	s14 =	sadd.s32 $0x20D3700, s2;
	s15 =	sadd.s32 $0x2135180, s2;
	[dreg:$0x5] =	wrdreg s19  }
0xa: {  	s16 =	sadd.s32 $0x2196C00, s2;
	s28 =	sadd.s32 $0x25C8F80, s2;
	[dreg:$0x8] =	wrdreg s21  }
0xb: {  	s5 =	simm.s32 $0x3400;
	s1 =	sor.u32 s0, s1;
	[dreg:$0x9] =	wrdreg s22  }
0xc: {  	[dreg:$0xa] =	wrdreg s23;
	s17 =	sadd.s32 $0x21F8680, s2;
	s18 =	sadd.s32 $0x225A100, s2  }
0xd: {  	[dreg:$0xb] =	wrdreg s24;
	s19 =	sadd.s32 $0x22BBB80, s2;
	s21 =	sadd.s32 $0x237F080, s2  }
0xe: {  	[dreg:$0xc] =	wrdreg s25;
	s22 =	sadd.s32 $0x23E0B00, s2;
	s23 =	sadd.s32 $0x2442580, s2  }
0xf: {  	s0 =	ssub.s32 $0x2, s0;
	s24 =	sadd.s32 $0x2505A80, s2;
	s3 =	smul.u32 $0x500, s1  }
0x10: {  	s25 =	sadd.s32 $0x2567500, s2;
	s4 =	smul.u32 $0x180, s1;
	s26 =	sshrl.u32 s0, $0x1  }
0x11: {  	s29 =	sshll.u32 s1, $0x9;
	s1 =	simm.s32 $0x3;
	s0 =	ssub.s32 s0, s26  }
0x12: {  	v1 =	vlaneseq.u32;
	s26 =	sadd.s32 $0x24A4000, s2;
	s3 =	sadd.s32 s3, s2;
	s0 =	smax.u32 s0, $0x1  }
0x13: {  	v0 =	vmul.u32 $0x1A, v1;
	s4 =	sadd.s32 s4, s2;
	s3 =	sadd.s32 $0x5000, s3;
	[dreg:$0xd] =	wrdreg s0  }
0x14: {  	v1 =	vand.u32 $0x3, v1;
	s20 =	sadd.s32 $0x1000, s4;
	s0 =	simm.s32 $0x40;
	[dreg:$0x6] =	wrdreg s3  }
0x15: {  	v1 =	vmul.u32 $0x2, v1;
	v2 =	vadd.s32 $0x1A0, v0;
	[dreg:$0x7] =	wrdreg s20;
	s20 =	sadd.s32 $0x231D600, s2;
	s3 =	simm.s32 $0x0  }
.LBB2_1:
0x16: {  	[dreg:$0xe] =	wrdreg s3  }
0x17: {  	s2 =	simm.s32 $0x0;
	s9 =	rddreg [dreg:$0x4];
	s4 =	simm.s32 $0x11400  }
0x18: {  	[tilespmem:s4], [sflag:$0x3] =	stream.linear.gather [hbm4b:s9+s2], $0xC0, $0x38;
	[tilespmem:$0x11580] =	vst v63  }
0x19: {  	_ =	swait.ge [sflag:s1], $0xC0  }
0x1a: {  	[sflag:s1] =	ssyncset.done $0x0  }
0x1b: {  	s11 =	simm.s32 $0x114C0;
	s10 =	rddreg [dreg:$0x5];
	[sflag:s1] =	ssyncadd.s32 $0xFFFFFF40  }
0x1c: {  	[tilespmem:s11], [sflag:$0x3] =	stream.linear.gather [hbm4b:s10+s2], $0xC0, $0x38;
	[tilespmem:$0x11580] =	vst v63  }
0x1d: {  	_ =	swait.ge [sflag:s1], $0xC0  }
0x1e: {  	[sflag:s1] =	ssyncset.done $0x0  }
0x1f: {  	s12 =	rddreg [dreg:$0x6];
	[sflag:s1] =	ssyncadd.s32 $0xFFFFFF40  }
0x20: {  	[tilespmem:s2], [sflag:$0x3] =	stream.linear.gather [hbm4b:s12+s2], $0x2800, $0x38;
	[tilespmem:$0x11580] =	vst v63  }
0x21: {  	_ =	swait.ge [sflag:s1], $0x2800  }
0x22: {  	[sflag:s1] =	ssyncset.done $0x0  }
0x23: {  	s13 =	rddreg [dreg:$0x7];
	[sflag:s1] =	ssyncadd.s32 $0xFFFFD800  }
0x24: {  	[tilespmem:s31], [sflag:$0x3] =	stream.linear.gather [hbm4b:s13+s2], $0xC00, $0x38;
	[tilespmem:$0x11580] =	vst v63  }
0x25: {  	_ =	swait.ge [sflag:s1], $0xC00  }
0x26: {  	[sflag:s1] =	ssyncset.done $0x0  }
0x27: {  	s3 =	simm.s32 $0x0;
	s2 =	simm.s32 $0x0;
	[sflag:s1] =	ssyncadd.s32 $0xFFFFF400  }
.LBB2_2:
0x28: {  	s4 =	sshll.u32 s3, $0x6;
	s9 =	rddreg [dreg:$0x3]  }
0x29: {  	[tilespmem:s5], [sflag:$0x1] =	stream.indirect.gather [hbm4b:s9+s0], $0x20, s4, s0, $0xb8;
	[tilespmem:$0x11580] =	vst v63  }
0x2a: {  	s10 =	rddreg [dreg:$0x8];
	s12 =	sadd.s32 $0x200, s4  }
0x2b: {  	[tilespmem:s6], [sflag:$0x2] =	stream.indirect.gather [hbm4b:s10+s0], $0x20, s12, s0, $0xb8;
	[tilespmem:$0x11580] =	vst v63  }
0x2c: {  	s13 =	simm.s32 $0x0;
	_ =	swait.ge [sflag:s7], $0x800  }
0x2d: {  	v3 =	vadd.s32 s13, v0;
	[sflag:s7] =	ssyncset.done $0x0  }
0x2e: {  	s9 =	simm.s32 $0x3410;
	v3 =	vand.u32 $0x1FFF8, v3;
	[sflag:s7] =	ssyncadd.s32 $0xFFFFF800  }
0x2f: {  	v3 =	vor.u32 v1, v3;
	v4 =	vld [tilespmem:s9+$0xFFFFFFF0];
	_ =	sdelay $0x3  }
0x30: {  	v5 =	vadd.s32 s13, v2  }
0x31: {  	[tilespmem:v3+s8+$0x0] =	vst.idx.msk $0xffff, v4;
	v4 =	vand.u32 $0x1FFF8, v5  }
0x32: {  	v3 =	vld [tilespmem:s9+$0x0];
	v4 =	vor.u32 v1, v4;
	_ =	sdelay $0x2  }
0x33: {  	s10 =	simm.s32 $0x340  }
0x34: {  	s11 =	simm.s32 $0x680;
	v5 =	vadd.s32 s10, v0  }
.LBB2_3:
0x35: {  	p0 =	sne.s32 s11, $0xCCC0;
	v5 =	vand.u32 $0x1FFF8, v5;
	[tilespmem:v4+s8+$0x0] =	vst.idx.msk $0xffff, v3;
	s9 =	sadd.s32 $0x20, s9  }
0x36: {  	v3 =	vld [tilespmem:s9+$0xFFFFFFF0];
	v4 =	vor.u32 v1, v5;
	_ =	sdelay $0x3  }
0x37: {  	v5 =	vadd.s32 s10, v2;
	s10 =	smov.u32 s11  }
0x38: {  	[tilespmem:v4+s8+$0x0] =	vst.idx.msk $0xffff, v3;
	v4 =	vand.u32 $0x1FFF8, v5  }
.Ltmp0:
0x39: {  	v3 =	vld [tilespmem:s9+$0x0];
	v4 =	vor.u32 v1, v4;
	(pc) =	sbr.rel @p0 .LBB2_3-.Ltmp0, $2  }
0x3a: {  	_ =	sdelay $0x2  }
0x3b: {  	s11 =	sadd.s32 $0x340, s11;
	v5 =	vadd.s32 s10, v0  }
0x3c: {  	_ =	sdelay $0x3  }
0x3d: {  	v5 =	vand.u32 $0x1FFF8, v5;
	[tilespmem:v4+s8+$0x0] =	vst.idx.msk $0xffff, v3;
	s9 =	sadd.s32 $0x20, s9  }
0x3e: {  	v3 =	vld [tilespmem:s9+$0xFFFFFFF0];
	v4 =	vor.u32 v1, v5;
	_ =	sdelay $0x3  }
0x3f: {  	v5 =	vadd.s32 s10, v2  }
0x40: {  	[tilespmem:v4+s8+$0x0] =	vst.idx.msk $0xffff, v3;
	v3 =	vand.u32 $0x1FFF8, v5  }
0x41: {  	v4 =	vld [tilespmem:s9+$0x0];
	v3 =	vor.u32 v1, v3;
	_ =	sdelay $0x4  }
0x42: {  	s12 =	sadd.s32 $0x400, s4;
	s13 =	rddreg [dreg:$0x9];
	[tilespmem:v3+s8+$0x0] =	vst.idx.msk $0xffff, v4  }
0x43: {  	[tilespmem:s5], [sflag:$0x1] =	stream.indirect.gather [hbm4b:s13+s0], $0x20, s12, s0, $0xb8;
	[tilespmem:$0x11580] =	vst v63  }
0x44: {  	_ =	swait.ge [sflag:s30], $0x800  }
0x45: {  	[sflag:s30] =	ssyncset.done $0x0  }
0x46: {  	s10 =	simm.s32 $0x1;
	s9 =	simm.s32 $0x3C10;
	[sflag:s30] =	ssyncadd.s32 $0xFFFFF800  }
0x47: {  	s11 =	simm.s32 $0x341;
	v3 =	vadd.s32 s10, v0;
	v4 =	vld [tilespmem:s9+$0xFFFFFFF0]  }
.LBB2_5:
0x48: {  	p0 =	sne.s32 s11, $0xCCC1;
	_ =	sdelay $0x3  }
0x49: {  	[tilespmem:v3+s8+$0x0] =	vst.idx.msk $0xffff, v4  }
0x4a: {  	v3 =	vadd.s32 s10, v2;
	s10 =	smov.u32 s11;
	v4 =	vld [tilespmem:s9+$0x0];
	_ =	sdelay $0x1  }
.Ltmp1:
0x4b: {  	(pc) =	sbr.rel @p0 .LBB2_5-.Ltmp1, $3  }
0x4c: {  	_ =	sdelay $0x1  }
0x4d: {  	s9 =	sadd.s32 $0x20, s9;
	[tilespmem:v3+s8+$0x0] =	vst.idx.msk $0xffff, v4  }
0x4e: {  	s11 =	sadd.s32 $0x340, s11;
	v3 =	vadd.s32 s10, v0;
	v4 =	vld [tilespmem:s9+$0xFFFFFFF0]  }
0x4f: {  	_ =	sdelay $0x3  }
0x50: {  	[tilespmem:v3+s8+$0x0] =	vst.idx.msk $0xffff, v4  }
0x51: {  	v3 =	vadd.s32 s10, v2;
	v4 =	vld [tilespmem:s9+$0x0];
	_ =	sdelay $0x4  }
0x52: {  	s12 =	sadd.s32 $0x600, s4;
	s13 =	rddreg [dreg:$0xa];
	[tilespmem:v3+s8+$0x0] =	vst.idx.msk $0xffff, v4  }
0x53: {  	[tilespmem:s6], [sflag:$0x2] =	stream.indirect.gather [hbm4b:s13+s0], $0x20, s12, s0, $0xb8;
	[tilespmem:$0x11580] =	vst v63  }
0x54: {  	_ =	swait.ge [sflag:s7], $0x800  }
0x55: {  	[sflag:s7] =	ssyncset.done $0x0  }
0x56: {  	s10 =	simm.s32 $0x2;
	s9 =	simm.s32 $0x3410;
	[sflag:s7] =	ssyncadd.s32 $0xFFFFF800  }
0x57: {  	s11 =	simm.s32 $0x342;
	v3 =	vadd.s32 s10, v0;
	v4 =	vld [tilespmem:s9+$0xFFFFFFF0]  }
.LBB2_7:
0x58: {  	p0 =	sne.s32 s11, $0xCCC2;
	_ =	sdelay $0x3  }
0x59: {  	[tilespmem:v3+s8+$0x0] =	vst.idx.msk $0xffff, v4  }
0x5a: {  	v3 =	vadd.s32 s10, v2;
	s10 =	smov.u32 s11;
	v4 =	vld [tilespmem:s9+$0x0];
	_ =	sdelay $0x1  }
.Ltmp2:
0x5b: {  	(pc) =	sbr.rel @p0 .LBB2_7-.Ltmp2, $3  }
0x5c: {  	_ =	sdelay $0x1  }
0x5d: {  	s9 =	sadd.s32 $0x20, s9;
	[tilespmem:v3+s8+$0x0] =	vst.idx.msk $0xffff, v4  }
0x5e: {  	s11 =	sadd.s32 $0x340, s11;
	v3 =	vadd.s32 s10, v0;
	v4 =	vld [tilespmem:s9+$0xFFFFFFF0]  }
0x5f: {  	_ =	sdelay $0x3  }
0x60: {  	[tilespmem:v3+s8+$0x0] =	vst.idx.msk $0xffff, v4  }
0x61: {  	v3 =	vadd.s32 s10, v2;
	v4 =	vld [tilespmem:s9+$0x0];
	_ =	sdelay $0x4  }
0x62: {  	s12 =	sadd.s32 $0x800, s4;
	s13 =	rddreg [dreg:$0xb];
	[tilespmem:v3+s8+$0x0] =	vst.idx.msk $0xffff, v4  }
0x63: {  	[tilespmem:s5], [sflag:$0x1] =	stream.indirect.gather [hbm4b:s13+s0], $0x20, s12, s0, $0xb8;
	[tilespmem:$0x11580] =	vst v63  }
0x64: {  	_ =	swait.ge [sflag:s30], $0x800  }
0x65: {  	[sflag:s30] =	ssyncset.done $0x0  }
0x66: {  	s10 =	simm.s32 $0x3;
	s9 =	simm.s32 $0x3C10;
	[sflag:s30] =	ssyncadd.s32 $0xFFFFF800  }
0x67: {  	s11 =	simm.s32 $0x343;
	v3 =	vadd.s32 s10, v0;
	v4 =	vld [tilespmem:s9+$0xFFFFFFF0]  }
.LBB2_9:
0x68: {  	p0 =	sne.s32 s11, $0xCCC3;
	_ =	sdelay $0x3  }
0x69: {  	[tilespmem:v3+s8+$0x0] =	vst.idx.msk $0xffff, v4  }
0x6a: {  	v3 =	vadd.s32 s10, v2;
	s10 =	smov.u32 s11;
	v4 =	vld [tilespmem:s9+$0x0];
	_ =	sdelay $0x1  }
.Ltmp3:
0x6b: {  	(pc) =	sbr.rel @p0 .LBB2_9-.Ltmp3, $3  }
0x6c: {  	_ =	sdelay $0x1  }
0x6d: {  	s9 =	sadd.s32 $0x20, s9;
	[tilespmem:v3+s8+$0x0] =	vst.idx.msk $0xffff, v4  }
0x6e: {  	s11 =	sadd.s32 $0x340, s11;
	v3 =	vadd.s32 s10, v0;
	v4 =	vld [tilespmem:s9+$0xFFFFFFF0]  }
0x6f: {  	_ =	sdelay $0x3  }
0x70: {  	[tilespmem:v3+s8+$0x0] =	vst.idx.msk $0xffff, v4  }
0x71: {  	v3 =	vadd.s32 s10, v2;
	v4 =	vld [tilespmem:s9+$0x0];
	_ =	sdelay $0x4  }
0x72: {  	s12 =	sadd.s32 $0xA00, s4;
	s13 =	rddreg [dreg:$0xc];
	[tilespmem:v3+s8+$0x0] =	vst.idx.msk $0xffff, v4  }
0x73: {  	[tilespmem:s6], [sflag:$0x2] =	stream.indirect.gather [hbm4b:s13+s0], $0x20, s12, s0, $0xb8;
	[tilespmem:$0x11580] =	vst v63  }
0x74: {  	_ =	swait.ge [sflag:s7], $0x800  }
0x75: {  	[sflag:s7] =	ssyncset.done $0x0  }
0x76: {  	s10 =	simm.s32 $0x4;
	s9 =	simm.s32 $0x3410;
	[sflag:s7] =	ssyncadd.s32 $0xFFFFF800  }
0x77: {  	s11 =	simm.s32 $0x344;
	v3 =	vadd.s32 s10, v0;
	v4 =	vld [tilespmem:s9+$0xFFFFFFF0]  }
.LBB2_11:
0x78: {  	p0 =	sne.s32 s11, $0xCCC4;
	_ =	sdelay $0x3  }
0x79: {  	[tilespmem:v3+s8+$0x0] =	vst.idx.msk $0xffff, v4  }
0x7a: {  	v3 =	vadd.s32 s10, v2;
	s10 =	smov.u32 s11;
	v4 =	vld [tilespmem:s9+$0x0];
	_ =	sdelay $0x1  }
.Ltmp4:
0x7b: {  	(pc) =	sbr.rel @p0 .LBB2_11-.Ltmp4, $3  }
0x7c: {  	_ =	sdelay $0x1  }
0x7d: {  	s9 =	sadd.s32 $0x20, s9;
	[tilespmem:v3+s8+$0x0] =	vst.idx.msk $0xffff, v4  }
0x7e: {  	s11 =	sadd.s32 $0x340, s11;
	v3 =	vadd.s32 s10, v0;
	v4 =	vld [tilespmem:s9+$0xFFFFFFF0]  }
0x7f: {  	_ =	sdelay $0x3  }
0x80: {  	[tilespmem:v3+s8+$0x0] =	vst.idx.msk $0xffff, v4  }
0x81: {  	v3 =	vadd.s32 s10, v2;
	v4 =	vld [tilespmem:s9+$0x0];
	_ =	sdelay $0x4  }
0x82: {  	s13 =	sadd.s32 $0xC00, s4;
	[tilespmem:v3+s8+$0x0] =	vst.idx.msk $0xffff, v4  }
0x83: {  	[tilespmem:s5], [sflag:$0x1] =	stream.indirect.gather [hbm4b:s14+s0], $0x20, s13, s0, $0xb8;
	[tilespmem:$0x11580] =	vst v63  }
0x84: {  	_ =	swait.ge [sflag:s30], $0x800  }
0x85: {  	[sflag:s30] =	ssyncset.done $0x0  }
0x86: {  	s10 =	simm.s32 $0x5;
	s9 =	simm.s32 $0x3C10;
	[sflag:s30] =	ssyncadd.s32 $0xFFFFF800  }
0x87: {  	s11 =	simm.s32 $0x345;
	v3 =	vadd.s32 s10, v0;
	v4 =	vld [tilespmem:s9+$0xFFFFFFF0]  }
.LBB2_13:
0x88: {  	p0 =	sne.s32 s11, $0xCCC5;
	_ =	sdelay $0x3  }
0x89: {  	[tilespmem:v3+s8+$0x0] =	vst.idx.msk $0xffff, v4  }
0x8a: {  	v3 =	vadd.s32 s10, v2;
	s10 =	smov.u32 s11;
	v4 =	vld [tilespmem:s9+$0x0];
	_ =	sdelay $0x1  }
.Ltmp5:
0x8b: {  	(pc) =	sbr.rel @p0 .LBB2_13-.Ltmp5, $3  }
0x8c: {  	_ =	sdelay $0x1  }
0x8d: {  	s9 =	sadd.s32 $0x20, s9;
	[tilespmem:v3+s8+$0x0] =	vst.idx.msk $0xffff, v4  }
0x8e: {  	s11 =	sadd.s32 $0x340, s11;
	v3 =	vadd.s32 s10, v0;
	v4 =	vld [tilespmem:s9+$0xFFFFFFF0]  }
0x8f: {  	_ =	sdelay $0x3  }
0x90: {  	[tilespmem:v3+s8+$0x0] =	vst.idx.msk $0xffff, v4  }
0x91: {  	v3 =	vadd.s32 s10, v2;
	v4 =	vld [tilespmem:s9+$0x0];
	_ =	sdelay $0x4  }
0x92: {  	s13 =	sadd.s32 $0xE00, s4;
	[tilespmem:v3+s8+$0x0] =	vst.idx.msk $0xffff, v4  }
0x93: {  	[tilespmem:s6], [sflag:$0x2] =	stream.indirect.gather [hbm4b:s15+s0], $0x20, s13, s0, $0xb8;
	[tilespmem:$0x11580] =	vst v63  }
0x94: {  	_ =	swait.ge [sflag:s7], $0x800  }
0x95: {  	[sflag:s7] =	ssyncset.done $0x0  }
0x96: {  	s10 =	simm.s32 $0x6;
	s9 =	simm.s32 $0x3410;
	[sflag:s7] =	ssyncadd.s32 $0xFFFFF800  }
0x97: {  	s11 =	simm.s32 $0x346;
	v3 =	vadd.s32 s10, v0;
	v4 =	vld [tilespmem:s9+$0xFFFFFFF0]  }
.LBB2_15:
0x98: {  	p0 =	sne.s32 s11, $0xCCC6;
	_ =	sdelay $0x3  }
0x99: {  	[tilespmem:v3+s8+$0x0] =	vst.idx.msk $0xffff, v4  }
0x9a: {  	v3 =	vadd.s32 s10, v2;
	s10 =	smov.u32 s11;
	v4 =	vld [tilespmem:s9+$0x0];
	_ =	sdelay $0x1  }
.Ltmp6:
0x9b: {  	(pc) =	sbr.rel @p0 .LBB2_15-.Ltmp6, $3  }
0x9c: {  	_ =	sdelay $0x1  }
0x9d: {  	s9 =	sadd.s32 $0x20, s9;
	[tilespmem:v3+s8+$0x0] =	vst.idx.msk $0xffff, v4  }
0x9e: {  	s11 =	sadd.s32 $0x340, s11;
	v3 =	vadd.s32 s10, v0;
	v4 =	vld [tilespmem:s9+$0xFFFFFFF0]  }
0x9f: {  	_ =	sdelay $0x3  }
0xa0: {  	[tilespmem:v3+s8+$0x0] =	vst.idx.msk $0xffff, v4  }
0xa1: {  	v3 =	vadd.s32 s10, v2;
	v4 =	vld [tilespmem:s9+$0x0];
	_ =	sdelay $0x4  }
0xa2: {  	s13 =	sadd.s32 $0x1000, s4;
	[tilespmem:v3+s8+$0x0] =	vst.idx.msk $0xffff, v4  }
0xa3: {  	[tilespmem:s5], [sflag:$0x1] =	stream.indirect.gather [hbm4b:s16+s0], $0x20, s13, s0, $0xb8;
	[tilespmem:$0x11580] =	vst v63  }
0xa4: {  	_ =	swait.ge [sflag:s30], $0x800  }
0xa5: {  	[sflag:s30] =	ssyncset.done $0x0  }
0xa6: {  	s10 =	simm.s32 $0x7;
	s9 =	simm.s32 $0x3C10;
	[sflag:s30] =	ssyncadd.s32 $0xFFFFF800  }
0xa7: {  	s11 =	simm.s32 $0x347;
	v3 =	vadd.s32 s10, v0;
	v4 =	vld [tilespmem:s9+$0xFFFFFFF0]  }
.LBB2_17:
0xa8: {  	p0 =	sne.s32 s11, $0xCCC7;
	_ =	sdelay $0x3  }
0xa9: {  	[tilespmem:v3+s8+$0x0] =	vst.idx.msk $0xffff, v4  }
0xaa: {  	v3 =	vadd.s32 s10, v2;
	s10 =	smov.u32 s11;
	v4 =	vld [tilespmem:s9+$0x0];
	_ =	sdelay $0x1  }
.Ltmp7:
0xab: {  	(pc) =	sbr.rel @p0 .LBB2_17-.Ltmp7, $3  }
0xac: {  	_ =	sdelay $0x1  }
0xad: {  	s9 =	sadd.s32 $0x20, s9;
	[tilespmem:v3+s8+$0x0] =	vst.idx.msk $0xffff, v4  }
0xae: {  	s11 =	sadd.s32 $0x340, s11;
	v3 =	vadd.s32 s10, v0;
	v4 =	vld [tilespmem:s9+$0xFFFFFFF0]  }
0xaf: {  	_ =	sdelay $0x3  }
0xb0: {  	[tilespmem:v3+s8+$0x0] =	vst.idx.msk $0xffff, v4  }
0xb1: {  	v3 =	vadd.s32 s10, v2;
	v4 =	vld [tilespmem:s9+$0x0];
	_ =	sdelay $0x4  }
0xb2: {  	s12 =	sadd.s32 $0x1200, s4;
	[tilespmem:v3+s8+$0x0] =	vst.idx.msk $0xffff, v4  }
0xb3: {  	[tilespmem:s6], [sflag:$0x2] =	stream.indirect.gather [hbm4b:s17+s0], $0x20, s12, s0, $0xb8;
	[tilespmem:$0x11580] =	vst v63  }
0xb4: {  	s13 =	simm.s32 $0x8;
	_ =	swait.ge [sflag:s7], $0x800  }
0xb5: {  	v3 =	vadd.s32 s13, v0;
	[sflag:s7] =	ssyncset.done $0x0  }
0xb6: {  	s9 =	simm.s32 $0x3410;
	v3 =	vand.u32 $0x1FFF8, v3;
	[sflag:s7] =	ssyncadd.s32 $0xFFFFF800  }
0xb7: {  	v3 =	vor.u32 v1, v3;
	v4 =	vld [tilespmem:s9+$0xFFFFFFF0];
	_ =	sdelay $0x3  }
0xb8: {  	v5 =	vadd.s32 s13, v2  }
0xb9: {  	[tilespmem:v3+s8+$0x0] =	vst.idx.msk $0xffff, v4;
	v4 =	vand.u32 $0x1FFF8, v5  }
0xba: {  	v3 =	vld [tilespmem:s9+$0x0];
	v4 =	vor.u32 v1, v4;
	_ =	sdelay $0x2  }
0xbb: {  	s10 =	simm.s32 $0x348  }
0xbc: {  	s11 =	simm.s32 $0x688;
	v5 =	vadd.s32 s10, v0  }
.LBB2_19:
0xbd: {  	p0 =	sne.s32 s11, $0xCCC8;
	v5 =	vand.u32 $0x1FFF8, v5;
	[tilespmem:v4+s8+$0x0] =	vst.idx.msk $0xffff, v3;
	s9 =	sadd.s32 $0x20, s9  }
0xbe: {  	v3 =	vld [tilespmem:s9+$0xFFFFFFF0];
	v4 =	vor.u32 v1, v5;
	_ =	sdelay $0x3  }
0xbf: {  	v5 =	vadd.s32 s10, v2;
	s10 =	smov.u32 s11  }
0xc0: {  	[tilespmem:v4+s8+$0x0] =	vst.idx.msk $0xffff, v3;
	v4 =	vand.u32 $0x1FFF8, v5  }
.Ltmp8:
0xc1: {  	v3 =	vld [tilespmem:s9+$0x0];
	v4 =	vor.u32 v1, v4;
	(pc) =	sbr.rel @p0 .LBB2_19-.Ltmp8, $2  }
0xc2: {  	_ =	sdelay $0x2  }
0xc3: {  	s11 =	sadd.s32 $0x340, s11;
	v5 =	vadd.s32 s10, v0  }
0xc4: {  	_ =	sdelay $0x3  }
0xc5: {  	v5 =	vand.u32 $0x1FFF8, v5;
	[tilespmem:v4+s8+$0x0] =	vst.idx.msk $0xffff, v3;
	s9 =	sadd.s32 $0x20, s9  }
0xc6: {  	v3 =	vld [tilespmem:s9+$0xFFFFFFF0];
	v4 =	vor.u32 v1, v5;
	_ =	sdelay $0x3  }
0xc7: {  	v5 =	vadd.s32 s10, v2  }
0xc8: {  	[tilespmem:v4+s8+$0x0] =	vst.idx.msk $0xffff, v3;
	v3 =	vand.u32 $0x1FFF8, v5  }
0xc9: {  	v4 =	vld [tilespmem:s9+$0x0];
	v3 =	vor.u32 v1, v3;
	_ =	sdelay $0x4  }
0xca: {  	s13 =	sadd.s32 $0x1400, s4;
	[tilespmem:v3+s8+$0x0] =	vst.idx.msk $0xffff, v4  }
0xcb: {  	[tilespmem:s5], [sflag:$0x1] =	stream.indirect.gather [hbm4b:s18+s0], $0x20, s13, s0, $0xb8;
	[tilespmem:$0x11580] =	vst v63  }
0xcc: {  	_ =	swait.ge [sflag:s30], $0x800  }
0xcd: {  	[sflag:s30] =	ssyncset.done $0x0  }
0xce: {  	s10 =	simm.s32 $0x9;
	s9 =	simm.s32 $0x3C10;
	[sflag:s30] =	ssyncadd.s32 $0xFFFFF800  }
0xcf: {  	s11 =	simm.s32 $0x349;
	v3 =	vadd.s32 s10, v0;
	v4 =	vld [tilespmem:s9+$0xFFFFFFF0]  }
.LBB2_21:
0xd0: {  	p0 =	sne.s32 s11, $0xCCC9;
	_ =	sdelay $0x3  }
0xd1: {  	[tilespmem:v3+s8+$0x0] =	vst.idx.msk $0xffff, v4  }
0xd2: {  	v3 =	vadd.s32 s10, v2;
	s10 =	smov.u32 s11;
	v4 =	vld [tilespmem:s9+$0x0];
	_ =	sdelay $0x1  }
.Ltmp9:
0xd3: {  	(pc) =	sbr.rel @p0 .LBB2_21-.Ltmp9, $3  }
0xd4: {  	_ =	sdelay $0x1  }
0xd5: {  	s9 =	sadd.s32 $0x20, s9;
	[tilespmem:v3+s8+$0x0] =	vst.idx.msk $0xffff, v4  }
0xd6: {  	s11 =	sadd.s32 $0x340, s11;
	v3 =	vadd.s32 s10, v0;
	v4 =	vld [tilespmem:s9+$0xFFFFFFF0]  }
0xd7: {  	_ =	sdelay $0x3  }
0xd8: {  	[tilespmem:v3+s8+$0x0] =	vst.idx.msk $0xffff, v4  }
0xd9: {  	v3 =	vadd.s32 s10, v2;
	v4 =	vld [tilespmem:s9+$0x0];
	_ =	sdelay $0x4  }
0xda: {  	s13 =	sadd.s32 $0x1600, s4;
	[tilespmem:v3+s8+$0x0] =	vst.idx.msk $0xffff, v4  }
0xdb: {  	[tilespmem:s6], [sflag:$0x2] =	stream.indirect.gather [hbm4b:s19+s0], $0x20, s13, s0, $0xb8;
	[tilespmem:$0x11580] =	vst v63  }
0xdc: {  	_ =	swait.ge [sflag:s7], $0x800  }
0xdd: {  	[sflag:s7] =	ssyncset.done $0x0  }
0xde: {  	s10 =	simm.s32 $0xA;
	s9 =	simm.s32 $0x3410;
	[sflag:s7] =	ssyncadd.s32 $0xFFFFF800  }
0xdf: {  	s11 =	simm.s32 $0x34A;
	v3 =	vadd.s32 s10, v0;
	v4 =	vld [tilespmem:s9+$0xFFFFFFF0]  }
.LBB2_23:
0xe0: {  	p0 =	sne.s32 s11, $0xCCCA;
	_ =	sdelay $0x3  }
0xe1: {  	[tilespmem:v3+s8+$0x0] =	vst.idx.msk $0xffff, v4  }
0xe2: {  	v3 =	vadd.s32 s10, v2;
	s10 =	smov.u32 s11;
	v4 =	vld [tilespmem:s9+$0x0];
	_ =	sdelay $0x1  }
.Ltmp10:
0xe3: {  	(pc) =	sbr.rel @p0 .LBB2_23-.Ltmp10, $3  }
0xe4: {  	_ =	sdelay $0x1  }
0xe5: {  	s9 =	sadd.s32 $0x20, s9;
	[tilespmem:v3+s8+$0x0] =	vst.idx.msk $0xffff, v4  }
0xe6: {  	s11 =	sadd.s32 $0x340, s11;
	v3 =	vadd.s32 s10, v0;
	v4 =	vld [tilespmem:s9+$0xFFFFFFF0]  }
0xe7: {  	_ =	sdelay $0x3  }
0xe8: {  	[tilespmem:v3+s8+$0x0] =	vst.idx.msk $0xffff, v4  }
0xe9: {  	v3 =	vadd.s32 s10, v2;
	v4 =	vld [tilespmem:s9+$0x0];
	_ =	sdelay $0x4  }
0xea: {  	s13 =	sadd.s32 $0x1800, s4;
	[tilespmem:v3+s8+$0x0] =	vst.idx.msk $0xffff, v4  }
0xeb: {  	[tilespmem:s5], [sflag:$0x1] =	stream.indirect.gather [hbm4b:s20+s0], $0x20, s13, s0, $0xb8;
	[tilespmem:$0x11580] =	vst v63  }
0xec: {  	_ =	swait.ge [sflag:s30], $0x800  }
0xed: {  	[sflag:s30] =	ssyncset.done $0x0  }
0xee: {  	s10 =	simm.s32 $0xB;
	s9 =	simm.s32 $0x3C10;
	[sflag:s30] =	ssyncadd.s32 $0xFFFFF800  }
0xef: {  	s11 =	simm.s32 $0x34B;
	v3 =	vadd.s32 s10, v0;
	v4 =	vld [tilespmem:s9+$0xFFFFFFF0]  }
.LBB2_25:
0xf0: {  	p0 =	sne.s32 s11, $0xCCCB;
	_ =	sdelay $0x3  }
0xf1: {  	[tilespmem:v3+s8+$0x0] =	vst.idx.msk $0xffff, v4  }
0xf2: {  	v3 =	vadd.s32 s10, v2;
	s10 =	smov.u32 s11;
	v4 =	vld [tilespmem:s9+$0x0];
	_ =	sdelay $0x1  }
.Ltmp11:
0xf3: {  	(pc) =	sbr.rel @p0 .LBB2_25-.Ltmp11, $3  }
0xf4: {  	_ =	sdelay $0x1  }
0xf5: {  	s9 =	sadd.s32 $0x20, s9;
	[tilespmem:v3+s8+$0x0] =	vst.idx.msk $0xffff, v4  }
0xf6: {  	s11 =	sadd.s32 $0x340, s11;
	v3 =	vadd.s32 s10, v0;
	v4 =	vld [tilespmem:s9+$0xFFFFFFF0]  }
0xf7: {  	_ =	sdelay $0x3  }
0xf8: {  	[tilespmem:v3+s8+$0x0] =	vst.idx.msk $0xffff, v4  }
0xf9: {  	v3 =	vadd.s32 s10, v2;
	v4 =	vld [tilespmem:s9+$0x0];
	_ =	sdelay $0x4  }
0xfa: {  	s13 =	sadd.s32 $0x1A00, s4;
	[tilespmem:v3+s8+$0x0] =	vst.idx.msk $0xffff, v4  }
0xfb: {  	[tilespmem:s6], [sflag:$0x2] =	stream.indirect.gather [hbm4b:s21+s0], $0x20, s13, s0, $0xb8;
	[tilespmem:$0x11580] =	vst v63  }
0xfc: {  	_ =	swait.ge [sflag:s7], $0x800  }
0xfd: {  	[sflag:s7] =	ssyncset.done $0x0  }
0xfe: {  	s10 =	simm.s32 $0xC;
	s9 =	simm.s32 $0x3410;
	[sflag:s7] =	ssyncadd.s32 $0xFFFFF800  }
0xff: {  	s11 =	simm.s32 $0x34C;
	v3 =	vadd.s32 s10, v0;
	v4 =	vld [tilespmem:s9+$0xFFFFFFF0]  }
.LBB2_27:
0x100: {  	p0 =	sne.s32 s11, $0xCCCC;
	_ =	sdelay $0x3  }
0x101: {  	[tilespmem:v3+s8+$0x0] =	vst.idx.msk $0xffff, v4  }
0x102: {  	v3 =	vadd.s32 s10, v2;
	s10 =	smov.u32 s11;
	v4 =	vld [tilespmem:s9+$0x0];
	_ =	sdelay $0x1  }
.Ltmp12:
0x103: {  	(pc) =	sbr.rel @p0 .LBB2_27-.Ltmp12, $3  }
0x104: {  	_ =	sdelay $0x1  }
0x105: {  	s9 =	sadd.s32 $0x20, s9;
	[tilespmem:v3+s8+$0x0] =	vst.idx.msk $0xffff, v4  }
0x106: {  	s11 =	sadd.s32 $0x340, s11;
	v3 =	vadd.s32 s10, v0;
	v4 =	vld [tilespmem:s9+$0xFFFFFFF0]  }
0x107: {  	_ =	sdelay $0x3  }
0x108: {  	[tilespmem:v3+s8+$0x0] =	vst.idx.msk $0xffff, v4  }
0x109: {  	v3 =	vadd.s32 s10, v2;
	v4 =	vld [tilespmem:s9+$0x0];
	_ =	sdelay $0x4  }
0x10a: {  	s13 =	sadd.s32 $0x1C00, s4;
	[tilespmem:v3+s8+$0x0] =	vst.idx.msk $0xffff, v4  }
0x10b: {  	[tilespmem:s5], [sflag:$0x1] =	stream.indirect.gather [hbm4b:s22+s0], $0x20, s13, s0, $0xb8;
	[tilespmem:$0x11580] =	vst v63  }
0x10c: {  	_ =	swait.ge [sflag:s30], $0x800  }
0x10d: {  	[sflag:s30] =	ssyncset.done $0x0  }
0x10e: {  	s10 =	simm.s32 $0xD;
	s9 =	simm.s32 $0x3C10;
	[sflag:s30] =	ssyncadd.s32 $0xFFFFF800  }
0x10f: {  	s11 =	simm.s32 $0x34D;
	v3 =	vadd.s32 s10, v0;
	v4 =	vld [tilespmem:s9+$0xFFFFFFF0]  }
.LBB2_29:
0x110: {  	p0 =	sne.s32 s11, $0xCCCD;
	_ =	sdelay $0x3  }
0x111: {  	[tilespmem:v3+s8+$0x0] =	vst.idx.msk $0xffff, v4  }
0x112: {  	v3 =	vadd.s32 s10, v2;
	s10 =	smov.u32 s11;
	v4 =	vld [tilespmem:s9+$0x0];
	_ =	sdelay $0x1  }
.Ltmp13:
0x113: {  	(pc) =	sbr.rel @p0 .LBB2_29-.Ltmp13, $3  }
0x114: {  	_ =	sdelay $0x1  }
0x115: {  	s9 =	sadd.s32 $0x20, s9;
	[tilespmem:v3+s8+$0x0] =	vst.idx.msk $0xffff, v4  }
0x116: {  	s11 =	sadd.s32 $0x340, s11;
	v3 =	vadd.s32 s10, v0;
	v4 =	vld [tilespmem:s9+$0xFFFFFFF0]  }
0x117: {  	_ =	sdelay $0x3  }
0x118: {  	[tilespmem:v3+s8+$0x0] =	vst.idx.msk $0xffff, v4  }
0x119: {  	v3 =	vadd.s32 s10, v2;
	v4 =	vld [tilespmem:s9+$0x0];
	_ =	sdelay $0x4  }
0x11a: {  	s13 =	sadd.s32 $0x1E00, s4;
	[tilespmem:v3+s8+$0x0] =	vst.idx.msk $0xffff, v4  }
0x11b: {  	[tilespmem:s6], [sflag:$0x2] =	stream.indirect.gather [hbm4b:s23+s0], $0x20, s13, s0, $0xb8;
	[tilespmem:$0x11580] =	vst v63  }
0x11c: {  	_ =	swait.ge [sflag:s7], $0x800  }
0x11d: {  	[sflag:s7] =	ssyncset.done $0x0  }
0x11e: {  	s10 =	simm.s32 $0xE;
	s9 =	simm.s32 $0x3410;
	[sflag:s7] =	ssyncadd.s32 $0xFFFFF800  }
0x11f: {  	s11 =	simm.s32 $0x34E;
	v3 =	vadd.s32 s10, v0;
	v4 =	vld [tilespmem:s9+$0xFFFFFFF0]  }
.LBB2_31:
0x120: {  	p0 =	sne.s32 s11, $0xCCCE;
	_ =	sdelay $0x3  }
0x121: {  	[tilespmem:v3+s8+$0x0] =	vst.idx.msk $0xffff, v4  }
0x122: {  	v3 =	vadd.s32 s10, v2;
	s10 =	smov.u32 s11;
	v4 =	vld [tilespmem:s9+$0x0];
	_ =	sdelay $0x1  }
.Ltmp14:
0x123: {  	(pc) =	sbr.rel @p0 .LBB2_31-.Ltmp14, $3  }
0x124: {  	_ =	sdelay $0x1  }
0x125: {  	s9 =	sadd.s32 $0x20, s9;
	[tilespmem:v3+s8+$0x0] =	vst.idx.msk $0xffff, v4  }
0x126: {  	s11 =	sadd.s32 $0x340, s11;
	v3 =	vadd.s32 s10, v0;
	v4 =	vld [tilespmem:s9+$0xFFFFFFF0]  }
0x127: {  	_ =	sdelay $0x3  }
0x128: {  	[tilespmem:v3+s8+$0x0] =	vst.idx.msk $0xffff, v4  }
0x129: {  	v3 =	vadd.s32 s10, v2;
	v4 =	vld [tilespmem:s9+$0x0];
	_ =	sdelay $0x4  }
0x12a: {  	s13 =	sadd.s32 $0x2000, s4;
	[tilespmem:v3+s8+$0x0] =	vst.idx.msk $0xffff, v4  }
0x12b: {  	[tilespmem:s5], [sflag:$0x1] =	stream.indirect.gather [hbm4b:s26+s0], $0x20, s13, s0, $0xb8;
	[tilespmem:$0x11580] =	vst v63  }
0x12c: {  	_ =	swait.ge [sflag:s30], $0x800  }
0x12d: {  	[sflag:s30] =	ssyncset.done $0x0  }
0x12e: {  	s10 =	simm.s32 $0xF;
	s9 =	simm.s32 $0x3C10;
	[sflag:s30] =	ssyncadd.s32 $0xFFFFF800  }
0x12f: {  	s11 =	simm.s32 $0x34F;
	v3 =	vadd.s32 s10, v0;
	v4 =	vld [tilespmem:s9+$0xFFFFFFF0]  }
.LBB2_33:
0x130: {  	p0 =	sne.s32 s11, $0xCCCF;
	_ =	sdelay $0x3  }
0x131: {  	[tilespmem:v3+s8+$0x0] =	vst.idx.msk $0xffff, v4  }
0x132: {  	v3 =	vadd.s32 s10, v2;
	s10 =	smov.u32 s11;
	v4 =	vld [tilespmem:s9+$0x0];
	_ =	sdelay $0x1  }
.Ltmp15:
0x133: {  	(pc) =	sbr.rel @p0 .LBB2_33-.Ltmp15, $3  }
0x134: {  	_ =	sdelay $0x1  }
0x135: {  	s9 =	sadd.s32 $0x20, s9;
	[tilespmem:v3+s8+$0x0] =	vst.idx.msk $0xffff, v4  }
0x136: {  	s11 =	sadd.s32 $0x340, s11;
	v3 =	vadd.s32 s10, v0;
	v4 =	vld [tilespmem:s9+$0xFFFFFFF0]  }
0x137: {  	_ =	sdelay $0x3  }
0x138: {  	[tilespmem:v3+s8+$0x0] =	vst.idx.msk $0xffff, v4  }
0x139: {  	v3 =	vadd.s32 s10, v2;
	v4 =	vld [tilespmem:s9+$0x0];
	_ =	sdelay $0x4  }
0x13a: {  	s12 =	sadd.s32 $0x2200, s4;
	[tilespmem:v3+s8+$0x0] =	vst.idx.msk $0xffff, v4  }
0x13b: {  	[tilespmem:s6], [sflag:$0x2] =	stream.indirect.gather [hbm4b:s24+s0], $0x20, s12, s0, $0xb8;
	[tilespmem:$0x11580] =	vst v63  }
0x13c: {  	s13 =	simm.s32 $0x10;
	_ =	swait.ge [sflag:s7], $0x800  }
0x13d: {  	v3 =	vadd.s32 s13, v0;
	[sflag:s7] =	ssyncset.done $0x0  }
0x13e: {  	s9 =	simm.s32 $0x3410;
	v3 =	vand.u32 $0x1FFF8, v3;
	[sflag:s7] =	ssyncadd.s32 $0xFFFFF800  }
0x13f: {  	v3 =	vor.u32 v1, v3;
	v4 =	vld [tilespmem:s9+$0xFFFFFFF0];
	_ =	sdelay $0x3  }
0x140: {  	v5 =	vadd.s32 s13, v2  }
0x141: {  	[tilespmem:v3+s8+$0x0] =	vst.idx.msk $0xffff, v4;
	v4 =	vand.u32 $0x1FFF8, v5  }
0x142: {  	v3 =	vld [tilespmem:s9+$0x0];
	v4 =	vor.u32 v1, v4;
	_ =	sdelay $0x2  }
0x143: {  	s10 =	simm.s32 $0x350  }
0x144: {  	s11 =	simm.s32 $0x690;
	v5 =	vadd.s32 s10, v0  }
.LBB2_35:
0x145: {  	p0 =	sne.s32 s11, $0xCCD0;
	v5 =	vand.u32 $0x1FFF8, v5;
	[tilespmem:v4+s8+$0x0] =	vst.idx.msk $0xffff, v3;
	s9 =	sadd.s32 $0x20, s9  }
0x146: {  	v3 =	vld [tilespmem:s9+$0xFFFFFFF0];
	v4 =	vor.u32 v1, v5;
	_ =	sdelay $0x3  }
0x147: {  	v5 =	vadd.s32 s10, v2;
	s10 =	smov.u32 s11  }
0x148: {  	[tilespmem:v4+s8+$0x0] =	vst.idx.msk $0xffff, v3;
	v4 =	vand.u32 $0x1FFF8, v5  }
.Ltmp16:
0x149: {  	v3 =	vld [tilespmem:s9+$0x0];
	v4 =	vor.u32 v1, v4;
	(pc) =	sbr.rel @p0 .LBB2_35-.Ltmp16, $2  }
0x14a: {  	_ =	sdelay $0x2  }
0x14b: {  	s11 =	sadd.s32 $0x340, s11;
	v5 =	vadd.s32 s10, v0  }
0x14c: {  	_ =	sdelay $0x3  }
0x14d: {  	v5 =	vand.u32 $0x1FFF8, v5;
	[tilespmem:v4+s8+$0x0] =	vst.idx.msk $0xffff, v3;
	s9 =	sadd.s32 $0x20, s9  }
0x14e: {  	v3 =	vld [tilespmem:s9+$0xFFFFFFF0];
	v4 =	vor.u32 v1, v5;
	_ =	sdelay $0x3  }
0x14f: {  	v5 =	vadd.s32 s10, v2  }
0x150: {  	[tilespmem:v4+s8+$0x0] =	vst.idx.msk $0xffff, v3;
	v3 =	vand.u32 $0x1FFF8, v5  }
0x151: {  	v4 =	vld [tilespmem:s9+$0x0];
	v3 =	vor.u32 v1, v3;
	_ =	sdelay $0x4  }
0x152: {  	s13 =	sadd.s32 $0x2400, s4;
	[tilespmem:v3+s8+$0x0] =	vst.idx.msk $0xffff, v4  }
0x153: {  	[tilespmem:s5], [sflag:$0x1] =	stream.indirect.gather [hbm4b:s25+s0], $0x20, s13, s0, $0xb8;
	[tilespmem:$0x11580] =	vst v63  }
0x154: {  	_ =	swait.ge [sflag:s30], $0x800  }
0x155: {  	[sflag:s30] =	ssyncset.done $0x0  }
0x156: {  	s10 =	simm.s32 $0x11;
	s9 =	simm.s32 $0x3C10;
	[sflag:s30] =	ssyncadd.s32 $0xFFFFF800  }
0x157: {  	s11 =	simm.s32 $0x351;
	v3 =	vadd.s32 s10, v0;
	v4 =	vld [tilespmem:s9+$0xFFFFFFF0]  }
.LBB2_37:
0x158: {  	p0 =	sne.s32 s11, $0xCCD1;
	_ =	sdelay $0x3  }
0x159: {  	[tilespmem:v3+s8+$0x0] =	vst.idx.msk $0xffff, v4  }
0x15a: {  	v3 =	vadd.s32 s10, v2;
	s10 =	smov.u32 s11;
	v4 =	vld [tilespmem:s9+$0x0];
	_ =	sdelay $0x1  }
.Ltmp17:
0x15b: {  	(pc) =	sbr.rel @p0 .LBB2_37-.Ltmp17, $3  }
0x15c: {  	_ =	sdelay $0x1  }
0x15d: {  	s9 =	sadd.s32 $0x20, s9;
	[tilespmem:v3+s8+$0x0] =	vst.idx.msk $0xffff, v4  }
0x15e: {  	s11 =	sadd.s32 $0x340, s11;
	v3 =	vadd.s32 s10, v0;
	v4 =	vld [tilespmem:s9+$0xFFFFFFF0]  }
0x15f: {  	_ =	sdelay $0x3  }
0x160: {  	[tilespmem:v3+s8+$0x0] =	vst.idx.msk $0xffff, v4  }
0x161: {  	v3 =	vadd.s32 s10, v2;
	v4 =	vld [tilespmem:s9+$0x0];
	_ =	sdelay $0x4  }
0x162: {  	s13 =	sadd.s32 $0x2600, s4;
	[tilespmem:v3+s8+$0x0] =	vst.idx.msk $0xffff, v4  }
0x163: {  	[tilespmem:s6], [sflag:$0x2] =	stream.indirect.gather [hbm4b:s28+s0], $0x20, s13, s0, $0xb8;
	[tilespmem:$0x11580] =	vst v63  }
0x164: {  	_ =	swait.ge [sflag:s7], $0x800  }
0x165: {  	[sflag:s7] =	ssyncset.done $0x0  }
0x166: {  	s10 =	simm.s32 $0x12;
	s9 =	simm.s32 $0x3410;
	[sflag:s7] =	ssyncadd.s32 $0xFFFFF800  }
0x167: {  	s11 =	simm.s32 $0x352;
	v3 =	vadd.s32 s10, v0;
	v4 =	vld [tilespmem:s9+$0xFFFFFFF0]  }
.LBB2_39:
0x168: {  	p0 =	sne.s32 s11, $0xCCD2;
	_ =	sdelay $0x3  }
0x169: {  	[tilespmem:v3+s8+$0x0] =	vst.idx.msk $0xffff, v4  }
0x16a: {  	v3 =	vadd.s32 s10, v2;
	s10 =	smov.u32 s11;
	v4 =	vld [tilespmem:s9+$0x0];
	_ =	sdelay $0x1  }
.Ltmp18:
0x16b: {  	(pc) =	sbr.rel @p0 .LBB2_39-.Ltmp18, $3  }
0x16c: {  	_ =	sdelay $0x1  }
0x16d: {  	s9 =	sadd.s32 $0x20, s9;
	[tilespmem:v3+s8+$0x0] =	vst.idx.msk $0xffff, v4  }
0x16e: {  	s11 =	sadd.s32 $0x340, s11;
	v3 =	vadd.s32 s10, v0;
	v4 =	vld [tilespmem:s9+$0xFFFFFFF0]  }
0x16f: {  	_ =	sdelay $0x3  }
0x170: {  	[tilespmem:v3+s8+$0x0] =	vst.idx.msk $0xffff, v4  }
0x171: {  	v3 =	vadd.s32 s10, v2;
	v4 =	vld [tilespmem:s9+$0x0];
	_ =	sdelay $0x4  }
0x172: {  	[tilespmem:v3+s8+$0x0] =	vst.idx.msk $0xffff, v4  }
0x173: {  	_ =	swait.ge [sflag:s30], $0x800  }
0x174: {  	[sflag:s30] =	ssyncset.done $0x0  }
0x175: {  	s10 =	simm.s32 $0x13;
	s9 =	simm.s32 $0x3C10;
	[sflag:s30] =	ssyncadd.s32 $0xFFFFF800  }
0x176: {  	s11 =	simm.s32 $0x353;
	v3 =	vadd.s32 s10, v0;
	v4 =	vld [tilespmem:s9+$0xFFFFFFF0]  }
.LBB2_41:
0x177: {  	p0 =	sne.s32 s11, $0xCCD3;
	_ =	sdelay $0x3  }
0x178: {  	[tilespmem:v3+s8+$0x0] =	vst.idx.msk $0xffff, v4  }
0x179: {  	v3 =	vadd.s32 s10, v2;
	s10 =	smov.u32 s11;
	v4 =	vld [tilespmem:s9+$0x0];
	_ =	sdelay $0x1  }
.Ltmp19:
0x17a: {  	(pc) =	sbr.rel @p0 .LBB2_41-.Ltmp19, $3  }
0x17b: {  	_ =	sdelay $0x1  }
0x17c: {  	s9 =	sadd.s32 $0x20, s9;
	[tilespmem:v3+s8+$0x0] =	vst.idx.msk $0xffff, v4  }
0x17d: {  	s11 =	sadd.s32 $0x340, s11;
	v3 =	vadd.s32 s10, v0;
	v4 =	vld [tilespmem:s9+$0xFFFFFFF0]  }
0x17e: {  	_ =	sdelay $0x3  }
0x17f: {  	[tilespmem:v3+s8+$0x0] =	vst.idx.msk $0xffff, v4  }
0x180: {  	v3 =	vadd.s32 s10, v2;
	v4 =	vld [tilespmem:s9+$0x0];
	_ =	sdelay $0x1  }
0x181: {  	v5 =	vmov s2;
	_ =	sdelay $0x2  }
0x182: {  	[tilespmem:v3+s8+$0x0] =	vst.idx.msk $0xffff, v4  }
0x183: {  	v3 =	vld [tilespmem:$0x11400]  }
0x184: {  	v4 =	vld.idx.msk [tilespmem:v5+s31+$0x0], $0xffff  }
0x185: {  	v6 =	vld [tilespmem:$0x11410]  }
0x186: {  	v7 =	vld [tilespmem:$0x114C0]  }
0x187: {  	s13 =	simm.s32 $0x14;
	v8 =	vld [tilespmem:$0x114D0]  }
0x188: {  	v9 =	vadd.s32 s13, v0  }
0x189: {  	v10 =	vadd.s32 s13, v2;
	v3 =	vmul.f32 v3, v4  }
0x18a: {  	v4 =	vmul.f32 v6, v4  }
0x18b: {  	v6 =	vor.u32 $0x200, v5;
	v3 =	vadd.f32 v7, v3  }
0x18c: {  	v4 =	vadd.f32 v8, v4  }
0x18d: {  	[tilespmem:v9+s8+$0x0] =	vst.idx.msk $0xffff, v3  }
0x18e: {  	[tilespmem:v10+s8+$0x0] =	vst.idx.msk $0xffff, v4  }
0x18f: {  	v3 =	vld [tilespmem:$0x11420]  }
0x190: {  	v4 =	vld.idx.msk [tilespmem:v6+s31+$0x0], $0xffff  }
0x191: {  	v6 =	vld [tilespmem:$0x11430]  }
0x192: {  	v7 =	vld [tilespmem:$0x114E0]  }
0x193: {  	s10 =	simm.s32 $0x15;
	v8 =	vld [tilespmem:$0x114F0]  }
0x194: {  	v9 =	vadd.s32 s10, v0  }
0x195: {  	v10 =	vadd.s32 s10, v2;
	v3 =	vmul.f32 v3, v4  }
0x196: {  	v4 =	vmul.f32 v6, v4;
	v6 =	vor.u32 $0x400, v5  }
0x197: {  	v3 =	vadd.f32 v7, v3  }
0x198: {  	v4 =	vadd.f32 v8, v4  }
0x199: {  	[tilespmem:v9+s8+$0x0] =	vst.idx.msk $0xffff, v3  }
0x19a: {  	[tilespmem:v10+s8+$0x0] =	vst.idx.msk $0xffff, v4  }
0x19b: {  	v3 =	vld.idx.msk [tilespmem:v6+s31+$0x0], $0xffff  }
0x19c: {  	v4 =	vld [tilespmem:$0x11440]  }
0x19d: {  	v6 =	vld [tilespmem:$0x11450]  }
0x19e: {  	v7 =	vld [tilespmem:$0x11500]  }
0x19f: {  	s11 =	simm.s32 $0x16;
	v8 =	vld [tilespmem:$0x11510]  }
0x1a0: {  	v9 =	vadd.s32 s11, v0  }
0x1a1: {  	v10 =	vadd.s32 s11, v2;
	v4 =	vmul.f32 v4, v3  }
0x1a2: {  	v3 =	vmul.f32 v6, v3;
	v6 =	vor.u32 $0x600, v5  }
0x1a3: {  	v4 =	vadd.f32 v7, v4  }
0x1a4: {  	v3 =	vadd.f32 v8, v3  }
0x1a5: {  	[tilespmem:v9+s8+$0x0] =	vst.idx.msk $0xffff, v4  }
0x1a6: {  	[tilespmem:v10+s8+$0x0] =	vst.idx.msk $0xffff, v3  }
0x1a7: {  	v3 =	vld.idx.msk [tilespmem:v6+s31+$0x0], $0xffff  }
0x1a8: {  	v4 =	vld [tilespmem:$0x11460]  }
0x1a9: {  	v6 =	vld [tilespmem:$0x11470]  }
0x1aa: {  	v7 =	vld [tilespmem:$0x11520]  }
0x1ab: {  	s12 =	simm.s32 $0x17;
	v8 =	vld [tilespmem:$0x11530]  }
0x1ac: {  	v9 =	vadd.s32 s12, v0  }
0x1ad: {  	v10 =	vadd.s32 s12, v2;
	v4 =	vmul.f32 v4, v3  }
0x1ae: {  	v3 =	vmul.f32 v6, v3;
	v6 =	vor.u32 $0x800, v5  }
0x1af: {  	v4 =	vadd.f32 v7, v4  }
0x1b0: {  	v3 =	vadd.f32 v8, v3  }
0x1b1: {  	[tilespmem:v9+s8+$0x0] =	vst.idx.msk $0xffff, v4  }
0x1b2: {  	[tilespmem:v10+s8+$0x0] =	vst.idx.msk $0xffff, v3  }
0x1b3: {  	v3 =	vld.idx.msk [tilespmem:v6+s31+$0x0], $0xffff  }
0x1b4: {  	v4 =	vld [tilespmem:$0x11480]  }
0x1b5: {  	s13 =	simm.s32 $0x18;
	v6 =	vld [tilespmem:$0x11490]  }
0x1b6: {  	v8 =	vadd.s32 s13, v0;
	v7 =	vld [tilespmem:$0x11540]  }
0x1b7: {  	v8 =	vand.u32 $0x1FFF8, v8;
	v9 =	vadd.s32 s13, v2;
	v10 =	vld [tilespmem:$0x11550]  }
0x1b8: {  	v8 =	vor.u32 v1, v8;
	v9 =	vand.u32 $0x1FFF8, v9  }
0x1b9: {  	v9 =	vor.u32 v1, v9;
	v4 =	vmul.f32 v4, v3  }
0x1ba: {  	v5 =	vor.u32 $0xA00, v5;
	v3 =	vmul.f32 v6, v3  }
0x1bb: {  	v4 =	vadd.f32 v7, v4  }
0x1bc: {  	v3 =	vadd.f32 v10, v3  }
0x1bd: {  	[tilespmem:v8+s8+$0x0] =	vst.idx.msk $0xffff, v4  }
0x1be: {  	[tilespmem:v9+s8+$0x0] =	vst.idx.msk $0xffff, v3  }
0x1bf: {  	v6 =	vld.idx.msk [tilespmem:v5+s31+$0x0], $0xffff  }
0x1c0: {  	v9 =	vld [tilespmem:$0x114A0]  }
0x1c1: {  	v7 =	vld [tilespmem:$0x114B0]  }
0x1c2: {  	s9 =	simm.s32 $0x359;
	s10 =	simm.s32 $0x19;
	v8 =	vld [tilespmem:$0x11560]  }
0x1c3: {  	s11 =	sadd.s32 $0x1, s2;
	s12 =	simm.s32 $0x699;
	v4 =	vadd.s32 s10, v0;
	v3 =	vadd.s32 s9, v0;
	v10 =	vld [tilespmem:$0x11570]  }
.LBB2_43:
0x1c4: {  	v11 =	vadd.s32 s12, v0;
	p0 =	sne.s32 s12, $0xCCD9;
	v5 =	vmov s11;
	s13 =	smov.u32 s12;
	s12 =	sadd.s32 $0x340, s12  }
0x1c5: {  	v9 =	vmul.f32 v9, v6;
	v12 =	vadd.s32 s10, v2;
	s10 =	smov.u32 s9;
	s9 =	smov.u32 s13  }
0x1c6: {  	v6 =	vmul.f32 v7, v6  }
0x1c7: {  	v7 =	vadd.f32 v8, v9  }
0x1c8: {  	v6 =	vadd.f32 v10, v6  }
0x1c9: {  	[tilespmem:v4+s8+$0x0] =	vst.idx.msk $0xffff, v7;
	v4 =	vmov v3;
	v3 =	vmov v11  }
0x1ca: {  	[tilespmem:v12+s8+$0x0] =	vst.idx.msk $0xffff, v6  }
0x1cb: {  	v6 =	vld [tilespmem:$0x11400]  }
0x1cc: {  	v7 =	vld.idx.msk [tilespmem:v5+s31+$0x0], $0xffff  }
0x1cd: {  	v8 =	vld [tilespmem:$0x11410];
	_ =	sdelay $0x1  }
0x1ce: {  	v9 =	vld [tilespmem:$0x114C0]  }
0x1cf: {  	s13 =	sadd.s32 $0xFFFFFFFB, s10;
	v10 =	vld [tilespmem:$0x114D0]  }
0x1d0: {  	v11 =	vadd.s32 s13, v0  }
0x1d1: {  	v6 =	vmul.f32 v6, v7;
	v7 =	vmul.f32 v8, v7;
	v8 =	vadd.s32 s13, v2;
	_ =	sdelay $0x1  }
0x1d2: {  	v6 =	vadd.f32 v9, v6;
	v9 =	vor.u32 $0x200, v5  }
0x1d3: {  	v7 =	vadd.f32 v10, v7  }
0x1d4: {  	[tilespmem:v11+s8+$0x0] =	vst.idx.msk $0xffff, v6  }
0x1d5: {  	[tilespmem:v8+s8+$0x0] =	vst.idx.msk $0xffff, v7  }
0x1d6: {  	v6 =	vld [tilespmem:$0x11420]  }
0x1d7: {  	v7 =	vld.idx.msk [tilespmem:v9+s31+$0x0], $0xffff  }
0x1d8: {  	v8 =	vld [tilespmem:$0x11430]  }
0x1d9: {  	v9 =	vld [tilespmem:$0x114E0];
	_ =	sdelay $0x1  }
0x1da: {  	s13 =	sadd.s32 $0xFFFFFFFC, s10;
	v10 =	vld [tilespmem:$0x114F0]  }
0x1db: {  	v11 =	vadd.s32 s13, v0  }
0x1dc: {  	v6 =	vmul.f32 v6, v7;
	v7 =	vmul.f32 v8, v7;
	v8 =	vadd.s32 s13, v2  }
0x1dd: {  	v12 =	vor.u32 $0x400, v5  }
0x1de: {  	v6 =	vadd.f32 v9, v6  }
0x1df: {  	v7 =	vadd.f32 v10, v7  }
0x1e0: {  	[tilespmem:v11+s8+$0x0] =	vst.idx.msk $0xffff, v6  }
0x1e1: {  	[tilespmem:v8+s8+$0x0] =	vst.idx.msk $0xffff, v7  }
0x1e2: {  	v6 =	vld.idx.msk [tilespmem:v12+s31+$0x0], $0xffff  }
0x1e3: {  	v7 =	vld [tilespmem:$0x11440]  }
0x1e4: {  	v8 =	vld [tilespmem:$0x11500]  }
0x1e5: {  	v9 =	vld [tilespmem:$0x11450]  }
0x1e6: {  	s13 =	sadd.s32 $0xFFFFFFFD, s10  }
0x1e7: {  	v11 =	vadd.s32 s13, v0;
	v10 =	vld [tilespmem:$0x11510]  }
0x1e8: {  	v7 =	vmul.f32 v7, v6  }
0x1e9: {  	v12 =	vadd.s32 s13, v2  }
0x1ea: {  	v7 =	vadd.f32 v8, v7;
	v6 =	vmul.f32 v9, v6;
	v8 =	vor.u32 $0x600, v5;
	_ =	sdelay $0x1  }
0x1eb: {  	v6 =	vadd.f32 v10, v6;
	[tilespmem:v11+s8+$0x0] =	vst.idx.msk $0xffff, v7;
	_ =	sdelay $0x1  }
0x1ec: {  	[tilespmem:v12+s8+$0x0] =	vst.idx.msk $0xffff, v6  }
0x1ed: {  	v6 =	vld.idx.msk [tilespmem:v8+s31+$0x0], $0xffff  }
0x1ee: {  	v7 =	vld [tilespmem:$0x11460]  }
0x1ef: {  	v8 =	vld [tilespmem:$0x11470]  }
0x1f0: {  	v9 =	vld [tilespmem:$0x11520]  }
0x1f1: {  	s13 =	sadd.s32 $0xFFFFFFFE, s10;
	v10 =	vld [tilespmem:$0x11530]  }
0x1f2: {  	v11 =	vadd.s32 s13, v0  }
0x1f3: {  	v12 =	vadd.s32 s13, v2;
	v7 =	vmul.f32 v7, v6  }
0x1f4: {  	v6 =	vmul.f32 v8, v6;
	v8 =	vor.u32 $0x800, v5  }
0x1f5: {  	v7 =	vadd.f32 v9, v7  }
0x1f6: {  	v6 =	vadd.f32 v10, v6  }
0x1f7: {  	[tilespmem:v11+s8+$0x0] =	vst.idx.msk $0xffff, v7  }
0x1f8: {  	[tilespmem:v12+s8+$0x0] =	vst.idx.msk $0xffff, v6  }
0x1f9: {  	v6 =	vld.idx.msk [tilespmem:v8+s31+$0x0], $0xffff  }
0x1fa: {  	v7 =	vld [tilespmem:$0x11480]  }
0x1fb: {  	s13 =	sadd.s32 $0xFFFFFFFF, s10;
	v8 =	vld [tilespmem:$0x11490]  }
0x1fc: {  	v10 =	vadd.s32 s13, v0;
	v11 =	vadd.s32 s13, v2;
	v9 =	vld [tilespmem:$0x11540]  }
0x1fd: {  	v10 =	vand.u32 $0x1FFF8, v10;
	v11 =	vand.u32 $0x1FFF8, v11;
	v12 =	vld [tilespmem:$0x11550]  }
0x1fe: {  	v10 =	vor.u32 v1, v10  }
0x1ff: {  	v11 =	vor.u32 v1, v11;
	v7 =	vmul.f32 v7, v6  }
0x200: {  	v5 =	vor.u32 $0xA00, v5;
	v6 =	vmul.f32 v8, v6  }
0x201: {  	v7 =	vadd.f32 v9, v7  }
0x202: {  	v6 =	vadd.f32 v12, v6  }
0x203: {  	[tilespmem:v10+s8+$0x0] =	vst.idx.msk $0xffff, v7  }
0x204: {  	[tilespmem:v11+s8+$0x0] =	vst.idx.msk $0xffff, v6  }
0x205: {  	v6 =	vld.idx.msk [tilespmem:v5+s31+$0x0], $0xffff  }
.Ltmp20:
0x206: {  	v9 =	vld [tilespmem:$0x114A0];
	(pc) =	sbr.rel @p0 .LBB2_43-.Ltmp20, $4  }
0x207: {  	v7 =	vld [tilespmem:$0x114B0]  }
0x208: {  	v8 =	vld [tilespmem:$0x11560]  }
0x209: {  	v10 =	vld [tilespmem:$0x11570]  }
0x20a: {  	s11 =	sadd.s32 $0x1, s11  }
0x20b: {  	v5 =	vmul.f32 v9, v6;
	v31 =	vadd.s32 s10, v2  }
0x20c: {  	v32 =	vmul.f32 v7, v6  }
0x20d: {  	v33 =	vmov s11;
	v5 =	vadd.f32 v8, v5  }
0x20e: {  	v6 =	vadd.f32 v10, v32  }
0x20f: {  	[tilespmem:v4+s8+$0x0] =	vst.idx.msk $0xffff, v5  }
0x210: {  	[tilespmem:v31+s8+$0x0] =	vst.idx.msk $0xffff, v6  }
0x211: {  	v4 =	vld [tilespmem:$0x11400]  }
0x212: {  	v5 =	vld.idx.msk [tilespmem:v33+s31+$0x0], $0xffff  }
0x213: {  	v6 =	vld [tilespmem:$0x11410]  }
0x214: {  	v34 =	vld [tilespmem:$0x114C0]  }
0x215: {  	s13 =	sadd.s32 $0xFFFFFFFB, s9;
	v9 =	vld [tilespmem:$0x114D0]  }
0x216: {  	v35 =	vadd.s32 s13, v0  }
0x217: {  	v11 =	vadd.s32 s13, v2;
	v4 =	vmul.f32 v4, v5  }
0x218: {  	v5 =	vmul.f32 v6, v5  }
0x219: {  	v36 =	vor.u32 $0x200, v33;
	v4 =	vadd.f32 v34, v4  }
0x21a: {  	v5 =	vadd.f32 v9, v5  }
0x21b: {  	[tilespmem:v35+s8+$0x0] =	vst.idx.msk $0xffff, v4  }
0x21c: {  	[tilespmem:v11+s8+$0x0] =	vst.idx.msk $0xffff, v5  }
0x21d: {  	v4 =	vld [tilespmem:$0x11420]  }
0x21e: {  	v5 =	vld.idx.msk [tilespmem:v36+s31+$0x0], $0xffff  }
0x21f: {  	v37 =	vld [tilespmem:$0x11430]  }
0x220: {  	v38 =	vld [tilespmem:$0x114E0]  }
0x221: {  	s11 =	sadd.s32 $0xFFFFFFFC, s9;
	v39 =	vld [tilespmem:$0x114F0]  }
0x222: {  	v40 =	vadd.s32 s11, v0  }
0x223: {  	v41 =	vadd.s32 s11, v2;
	v4 =	vmul.f32 v4, v5  }
0x224: {  	v42 =	vor.u32 $0x400, v33;
	v5 =	vmul.f32 v37, v5  }
0x225: {  	v4 =	vadd.f32 v38, v4  }
0x226: {  	v5 =	vadd.f32 v39, v5  }
0x227: {  	[tilespmem:v40+s8+$0x0] =	vst.idx.msk $0xffff, v4  }
0x228: {  	[tilespmem:v41+s8+$0x0] =	vst.idx.msk $0xffff, v5  }
0x229: {  	v4 =	vld.idx.msk [tilespmem:v42+s31+$0x0], $0xffff  }
0x22a: {  	v5 =	vld [tilespmem:$0x11440]  }
0x22b: {  	v43 =	vld [tilespmem:$0x11450]  }
0x22c: {  	v44 =	vld [tilespmem:$0x11500]  }
0x22d: {  	s12 =	sadd.s32 $0xFFFFFFFD, s9;
	v45 =	vld [tilespmem:$0x11510]  }
0x22e: {  	v46 =	vadd.s32 s12, v0  }
0x22f: {  	v47 =	vadd.s32 s12, v2;
	v5 =	vmul.f32 v5, v4  }
0x230: {  	v48 =	vor.u32 $0x600, v33;
	v4 =	vmul.f32 v43, v4  }
0x231: {  	v5 =	vadd.f32 v44, v5  }
0x232: {  	v4 =	vadd.f32 v45, v4  }
0x233: {  	[tilespmem:v46+s8+$0x0] =	vst.idx.msk $0xffff, v5  }
0x234: {  	[tilespmem:v47+s8+$0x0] =	vst.idx.msk $0xffff, v4  }
0x235: {  	v4 =	vld.idx.msk [tilespmem:v48+s31+$0x0], $0xffff  }
0x236: {  	v5 =	vld [tilespmem:$0x11460]  }
0x237: {  	v49 =	vld [tilespmem:$0x11470]  }
0x238: {  	v50 =	vld [tilespmem:$0x11520]  }
0x239: {  	s13 =	sadd.s32 $0xFFFFFFFE, s9;
	v51 =	vld [tilespmem:$0x11530]  }
0x23a: {  	v52 =	vadd.s32 s13, v0  }
0x23b: {  	v53 =	vadd.s32 s13, v2;
	v5 =	vmul.f32 v5, v4  }
0x23c: {  	v54 =	vor.u32 $0x800, v33;
	v4 =	vmul.f32 v49, v4  }
0x23d: {  	v5 =	vadd.f32 v50, v5  }
0x23e: {  	v4 =	vadd.f32 v51, v4  }
0x23f: {  	[tilespmem:v52+s8+$0x0] =	vst.idx.msk $0xffff, v5  }
0x240: {  	[tilespmem:v53+s8+$0x0] =	vst.idx.msk $0xffff, v4  }
0x241: {  	v4 =	vld.idx.msk [tilespmem:v54+s31+$0x0], $0xffff  }
0x242: {  	v5 =	vld [tilespmem:$0x11480]  }
0x243: {  	s11 =	sadd.s32 $0xFFFFFFFF, s9;
	v55 =	vld [tilespmem:$0x11490]  }
0x244: {  	v57 =	vadd.s32 s11, v0;
	v56 =	vld [tilespmem:$0x11540]  }
0x245: {  	v58 =	vadd.s32 s11, v2;
	v9 =	vand.u32 $0x1FFF8, v57;
	v11 =	vld [tilespmem:$0x11550]  }
0x246: {  	v10 =	vand.u32 $0x1FFF8, v58;
	v9 =	vor.u32 v1, v9  }
0x247: {  	v10 =	vor.u32 v1, v10;
	v5 =	vmul.f32 v5, v4  }
0x248: {  	v59 =	vor.u32 $0xA00, v33;
	v4 =	vmul.f32 v55, v4  }
0x249: {  	v5 =	vadd.f32 v56, v5  }
0x24a: {  	v4 =	vadd.f32 v11, v4  }
0x24b: {  	[tilespmem:v9+s8+$0x0] =	vst.idx.msk $0xffff, v5  }
0x24c: {  	[tilespmem:v10+s8+$0x0] =	vst.idx.msk $0xffff, v4  }
0x24d: {  	v4 =	vld.idx.msk [tilespmem:v59+s31+$0x0], $0xffff  }
0x24e: {  	v5 =	vld [tilespmem:$0x114A0]  }
0x24f: {  	v60 =	vld [tilespmem:$0x114B0]  }
0x250: {  	v61 =	vld [tilespmem:$0x11560]  }
0x251: {  	v62 =	vld [tilespmem:$0x11570];
	_ =	sdelay $0x1  }
0x252: {  	v63 =	vadd.s32 s9, v2;
	v5 =	vmul.f32 v5, v4  }
0x253: {  	v4 =	vmul.f32 v60, v4  }
0x254: {  	s4 =	sadd.s32 s29, s4;
	v5 =	vadd.f32 v61, v5  }
0x255: {  	s3 =	sadd.s32 $0x1, s3;
	s4 =	smul.u32 $0x68, s4;
	v4 =	vadd.f32 v62, v4  }
0x256: {  	s12 =	rddreg [dreg:$0x1];
	p0 =	sne.s32 s3, $0x8;
	[tilespmem:v3+s8+$0x0] =	vst.idx.msk $0xffff, v5  }
.Ltmp21:
0x257: {  	s13 =	simm.s32 $0x0;
	s4 =	sadd.s32 s12, s4;
	[tilespmem:v63+s8+$0x0] =	vst.idx.msk $0xffff, v4;
	(pc) =	sbr.rel @p0 .LBB2_2-.Ltmp21, $4  }
0x258: {  	[hbm4b:s4+s13] =	stream.linear.scatter [tilespmem:s8], [sflag:$0x3], $0xD000, $0x38;
	[tilespmem:$0x11580] =	vst v63  }
0x259: {  	_ =	swait.ge [sflag:s1], $0xD000  }
0x25a: {  	[sflag:s1] =	ssyncset.done $0x0  }
0x25b: {  	s2 =	sadd.s32 $0x40, s2;
	[sflag:s1] =	ssyncadd.s32 $0xFFFF3000  }
0x25c: {  	s3 =	rddreg [dreg:$0xe]  }
0x25d: {  	s2 =	rddreg [dreg:$0xd];
	s3 =	sadd.s32 $0x1, s3  }
0x25e: {  	p0 =	sne.s32 s3, s2  }
.Ltmp22:
0x25f: {  	_ = 	snop;
	(pc) =	sbr.rel @p0 .LBB2_1-.Ltmp22, $1  }
0x260: {  	_ =	sdelay $0x3  }
0x261: {  	_ =	sfence.sel $0x180000  }
0x262: {  	[bflag:$0x0] =	sbarrier.arrive $0xFFFF  }
0x263: {  	_ =	strace $0x90000047  }
0x264: {  	s0 =	stileid.u32;
	[bflag:$0x2] =	sbarrier.arrive $0xFFFF  }
0x265: {  	p0 =	sne.s32 s0, $0x0;
	s0 =	rddreg [dreg:$0x2]  }
0x266: {  	s0 =	sadd.s32 @!p0 $0x100000, s0  }
0x267: {  	[sflag:s0] =	ssyncadd.tile.s32 @!p0 $0x1;
	_ =	shalt  }
.Lfunc_end2:
_tile_overlayer_lowered:
.L_overlay_start_2:
0x268: {  	(tag) =	ssettag $0x2  }
0x269: {  	s0 =	rddreg [dreg:$0x0];
	s2 =	stileid.u32  }
0x26a: {  	s1 =	rddreg [dreg:$0x1];
	p0 =	sne.s32 s2, $0x0  }
0x26b: {  	s3 =	rddreg [dreg:$0x2];
	[bflag:$0x3] =	sbarrier.arrive $0xFFFF;
	s2 =	simm.s32 @!p0 $0x1C03  }
0x26c: {  	[timem:s3], [sflag:s2] =	dma.local @!p0 [hbm:s0], s1  }
0x26d: {  	s0 =	simm.s32 @!p0 $0x3  }
0x26e: {  	_ =	swait.ge @!p0 [sflag:s0], s1  }
0x26f: {  	s1 =	ssub.s32 @!p0 $0x0, s1;
	[sflag:s0] =	ssyncset.done @!p0 $0x0  }
0x270: {  	[sflag:s0] =	ssyncadd.s32 @!p0 s1  }
0x271: {  	[bflag:$0x3] =	sbarrier.arrive $0xFFFF  }
0x272: {  	_ =	shalt  }

// kernel: sparse-core-data-format-call.cloned.1.call-start
scs
called_computation_lowered:
.L_overlay_start_0:
0x0: {  	s2 =	sld [smem:$0x3FD9]  }
0x1: {  	s3 =	sld [smem:$0x3FFE];
	_ =	sdelay $0x1  }
0x2: {  	s1 =	srdreg.scid  }
0x3: {  	s0 =	sand.u32 $0x1, s1  }
0x4: {  	s18 =	sshll.u32 s0, $0xA;
	s2 =	sadd.s32 s3, s2  }
0x5: {  	s2 =	sadd.s32 s2, s18  }
0x6: {  	[smem:$0x3FC4] =	sst s2  }
0x7: {  	_ = 	snop  }
0x8: {  	s2 =	sld [smem:$0x3FD0];
	(tm) =	ssettm $0x1  }
0x9: {  	s19 =	sld [smem:$0x3FFB];
	_ =	sdelay $0x3  }
0xa: {  	_ =	strace s19  }
0xb: {  	s3 =	sld [smem:$0x3FFC];
	_ =	sdelay $0x3  }
0xc: {  	_ =	strace s3  }
0xd: {  	s3 =	sld [smem:$0x3FFD];
	_ =	sdelay $0x3  }
0xe: {  	_ =	strace s3  }
0xf: {  	_ =	strace $0x8FFFFFFF  }
0x10: {  	s20 =	sld [smem:$0x3FDB];
	_ =	sdelay $0x1  }
0x11: {  	s4 =	simm.s32 $_scs_section_size  }
0x12: {  	s5 =	simm.s32 $_size__tile_overlayer_lowered;
	s6 =	simm.s32 $_tile_overlayer_lowered  }
0x13: {  	s23 =	simm.s32 $0x1BFF;
	s22 =	sshll.u32 s6, $0x1;
	s3 =	sadd.s32 s4, s20  }
0x14: {  	s7 =	simm.s32 $0x0;
	s21 =	sshll.u32 s5, $0x1;
	s5 =	sadd.s32 s22, s3  }
0x15: {  	[timem:s7], [sflag:s23] =	dma.local [hbm:s5], s21  }
0x16: {  	_ =	swait.ge [sflag:s23], s21  }
0x17: {  	s4 =	ssub.s32 $0x0, s21;
	[sflag:s23] =	ssyncset.done $0x0  }
0x18: {  	[sflag:s23] =	ssyncadd.s32 s4;
	_ =	sdelay $0x1  }
0x19: {  	s24 =	simm.s32 $0x1B8B  }
0x1a: {  	_ =	swait.ge [sflag:s24], $0x1  }
0x1b: {  	[sflag:s24] =	ssyncset.done $0x0  }
0x1c: {  	s26 =	simm.s32 $0x1B8E;
	s25 =	sld [smem:$0x3FFE];
	[sflag:s24] =	ssyncadd.s32 $0xFFFFFFFF  }
0x1d: {  	s27 =	simm.s32 $execute0_lowered;
	[smem:$0x3FD2] =	sst s26  }
0x1e: {  	s5 =	sshll.u32 s27, $0x1;
	_ =	strace $0x80000049;
	[dreg:$0x1] =	wrdreg $0xFFFFFFFF  }
0x1f: {  	s28 =	simm.s32 $_size_execute0_lowered;
	s3 =	sadd.s32 s3, s5;
	[dreg:$0x0] =	wrdreg $0x0  }
0x20: {  	s5 =	sshll.u32 s28, $0x1;
	[dreg:$0x2] =	wrdreg s3  }
0x21: {  	[dreg:$0x3] =	wrdreg s5  }
0x22: {  	[dreg:$0x4] =	wrdreg $0xC0  }
0x23: {  	_ =	task [dreg:s7], $0x5FFFF  }
0x24: {  	[dreg:$0x1] =	wrdreg $0xFFFFFFFF  }
0x25: {  	[dreg:$0x0] =	wrdreg $0x60  }
0x26: {  	[dreg:$0x2] =	wrdreg s25  }
0x27: {  	[dreg:$0x3] =	wrdreg s2  }
0x28: {  	[dreg:$0x4] =	wrdreg $0x9  }
0x29: {  	_ =	task.clear_ibuf [dreg:s7], $0x5FFFF;
	_ =	strace $0x90000049  }
0x2a: {  	s29 =	simm.s32 $0x9;
	_ =	strace $0x8000004B  }
0x2b: {  	_ =	swait.ge [sflag:s29], $0x1  }
0x2c: {  	[sflag:s29] =	ssyncadd.s32 $0xFFFFFFFF  }
0x2d: {  	_ =	strace $0x9000004B  }
0x2e: {  	_ =	sfence  }
0x2f: {  	s30 =	sld [smem:$0x0];
	_ =	sdelay $0x2  }
0x30: {  	s31 =	sshll.u32 s1, $0xD;
	s1 =	sshrl.u32 s1, $0x2  }
0x31: {  	s3 =	sand.u32 $0x4000, s31;
	s1 =	sadd.s32 s1, s30  }
0x32: {  	s0 =	sor.u32 s3, s0;
	s1 =	sshll.u32 s1, $0x11  }
0x33: {  	s0 =	sor.u32 s1, s0  }
0x34: {  	s0 =	sadd.s32 $0x8F2B, s0  }
0x35: {  	[sflag:s0] =	ssyncadd.remote.s32 $0x1  }
0x36: {  	_ =	sfence.sel $0xFFFF  }
0x37: {  	[dreg:$0x0] =	wrdreg $0xFFFFFFFF;
	(pc) =	sbr.abs _section_cstart, $3  }
0x38: {  	[dreg:$0x1] =	wrdreg $0xFFFFFFFF  }
0x39: {  	_ =	task.clear_ibuf [dreg:s7], $0x2FFFF;
	_ =	strace $0x9FFFFFFF  }
0x3a: {  	(tm) =	ssettm $0x7FFFFFFF  }
0x3b: {  	_ =	shalt  }
tec
execute0_lowered:
.L_overlay_start_1:
0x0: {  	(tag) =	ssettag $0x1  }
0x1: {  	s0 =	srdreg.scid;
	s5 =	rddreg [dreg:$0x0]  }
0x2: {  	s3 =	rddreg [dreg:$0x1];
	s1 =	sshll.u32 s0, $0x4  }
0x3: {  	s7 =	simm.s32 $0x1;
	s0 =	stileid.u32;
	s1 =	sand.u32 $0x10, s1  }
0x4: {  	s8 =	simm.s32 $0x2;
	s15 =	simm.s32 $0x0;
	s1 =	sor.u32 s0, s1  }
0x5: {  	s14 =	simm.s32 $0x0;
	s9 =	simm.s32 $0x0;
	s2 =	sshll.u32 s1, $0x7  }
0x6: {  	s10 =	simm.s32 $0x0;
	s11 =	simm.s32 $0x0;
	s6 =	ssub.s32 $0x4000, s2  }
0x7: {  	s13 =	simm.s32 $0x0;
	s5 =	sadd.s32 $0x1000, s5;
	s4 =	sand.u32 $0xF80, s6  }
.Ltmp0:
0x8: {  	s1 =	rddreg [dreg:$0x2];
	p0 =	sne.s32 s4, $0x0;
	(pc) =	sbr.rel .LBB1_1-.Ltmp0, $4  }
0x9: {  	_ =	strace $0x8000004A;
	s6 =	sshrl.u32 s6, $0xC;
	s7 =	simm.s32 @!p0 $0x0  }
0xa: {  	s12 =	smov.u32 s2;
	s4 =	simm.s32 $0x1;
	s6 =	sadd.s32 s7, s6  }
0xb: {  	[sflag:s4] =	ssyncpa.u1 $0x0;
	p0 =	por $0x0, $0x0;
	s6 =	sshll.u32 s6, $0x5  }
0xc: {  	[sflag:s8] =	ssyncpa.u1 $0x0;
	s8 =	simm.s32 $0x80000;
	s7 =	sor.u32 $0x1, s6  }
.LBB1_4:
0xd: {  	p1 =	sgt.s32 s9, $0x1F;
	s18 =	smov.u32 s9;
	s19 =	sshra.s32 s9, $0x1F  }
0xe: {  	s20 =	sand.u32 $0x78, s10;
	s21 =	sshll.u32 s9, $0xE;
	s31 =	sshra.s32 s10, $0x1F  }
0xf: {  	s23 =	sshll.u32 s10, $0x3;
	s26 =	sshll.u32 s9, $0x7;
	s18 =	simm.s32 @!p1 $0x1F  }
0x10: {  	s19 =	sand.u32 s19, s9;
	p1 =	sgt.s32 s10, $0x3F80;
	s21 =	sand.u32 $0x60000, s21  }
0x11: {  	s24 =	sand.u32 $0x7FC00, s23;
	s18 =	ssub.s32 s18, s19;
	s19 =	smov.u32 s10  }
0x12: {  	s23 =	sand.u32 $0x3C00, s23;
	s22 =	sadd.s32 $0xFFFFFFE1, s18;
	s19 =	simm.s32 @!p1 $0x3F80  }
0x13: {  	s18 =	ssub.s32 $0x20, s18;
	p1 =	sgt.s32 s22, $0x0;
	s22 =	sand.u32 s31, s10  }
0x14: {  	s21 =	sadd.s32 s24, s21;
	s18 =	smul.u32 $0x1A, s18;
	s19 =	ssub.s32 s19, s22  }
0x15: {  	s20 =	sor.u32 s20, s23;
	s22 =	sand.u32 $0x380, s26;
	s25 =	sadd.s32 $0xFFFFC080, s19  }
0x16: {  	s18 =	simm.s32 @p1 $0x0;
	s19 =	ssub.s32 $0x4000, s19;
	p1 =	sgt.s32 s25, $0x7F  }
0x17: {  	s21 =	sand.u32 $0x7C000, s21;
	s20 =	sor.u32 s22, s20;
	s19 =	simm.s32 @p1 $0x0  }
0x18: {  	s28 =	sand.u32 $0x7, s10;
	s27 =	sor.u32 s21, s20;
	s18 =	smul.u32 s19, s18  }
0x19: {  	s20 =	sshll.u32 s28, $0x12;
	s19 =	sshrl.u32 s27, $0x3  }
0x1a: {  	[tilespmem:s17+$0x0 ss:$0x81] =	vst.msk $0xffff, v0;
	s31 =	sor.u32 $0x80, s20;
	s30 =	sadd.s32 s3, s19;
	s29 =	sand.u32 $0x3FFFFFFE, s18  }
0x1b: {  	[hbm4b:s30+s31] =	stream.strided.scatter [tilespmem:s16], [sflag:$0x2], s29, s8, s31, $0x20;
	[tilespmem:$0x4040] =	vst v63  }
.LBB1_5:
0x1c: {  	p1 =	slt.u32 s13, $0x2  }
0x1d: {  	s17 =	smov.u32 s15;
	p2 =	sgt.s32 @!p1 s15, $0x1F;
	s16 =	sshra.s32 @!p1 s15, $0x1F  }
0x1e: {  	p3 =	sgt.s32 @!p1 s14, $0x3F80;
	s18 =	sshra.s32 @!p1 s14, $0x1F;
	p2 =	por !p2, p1  }
0x1f: {  	s15 =	sand.u32 @!p1 s16, s15;
	p3 =	por !p3, p1;
	s16 =	smov.u32 s14  }
0x20: {  	s14 =	sand.u32 @!p1 s18, s14;
	s17 =	simm.s32 @p2 $0x1F;
	s16 =	simm.s32 @p3 $0x3F80  }
0x21: {  	s18 =	smov.u32 s12;
	s15 =	ssub.s32 @!p1 s17, s15;
	s14 =	ssub.s32 @!p1 s16, s14  }
0x22: {  	s16 =	sadd.s32 @!p1 $0xFFFFFFE1, s15;
	s15 =	ssub.s32 @!p1 $0x20, s15;
	s17 =	sadd.s32 @!p1 $0xFFFFC080, s14  }
0x23: {  	p2 =	sgt.s32 @!p1 s16, $0x0;
	s15 =	smul.u32 @!p1 $0x1A, s15;
	p3 =	sgt.s32 @!p1 s17, $0x7F  }
0x24: {  	s14 =	ssub.s32 @!p1 $0x4000, s14;
	p2 =	por !p2, p1;
	p3 =	por !p3, p1  }
0x25: {  	s16 =	sadd.s32 $0x1, s11;
	s15 =	simm.s32 @!p2 $0x0;
	s14 =	simm.s32 @!p3 $0x0  }
0x26: {  	p2 =	sgt.s32 s16, $0x1F;
	s14 =	smul.u32 @!p1 s14, s15;
	s15 =	sadd.s32 $0x1000, s12  }
0x27: {  	s18 =	smov.u32 @p2 s15  }
0x28: {  	s16 =	simm.s32 @p2 $0x0;
	p2 =	sgt.s32 s18, $0x3FFF  }
0x29: {  	s18 =	smov.u32 @p2 s2;
	p2 =	sne.s32 s13, s7  }
.Ltmp1:
0x2a: {  	p0 =	por !p0, !p0;
	s17 =	simm.s32 @!p1 $0x2;
	(pc) =	sbr.rel @!p2 .LBB1_6-.Ltmp1, $4  }
0x2b: {  	s15 =	smov.u32 s9;
	s9 =	smov.u32 s11;
	s14 =	sand.u32 @!p1 $0x3FFFFFFE, s14  }
0x2c: {  	s11 =	smov.u32 s16;
	_ =	swait.ge @!p1 [sflag:s17], s14;
	s19 =	ssub.s32 @!p1 $0x0, s14  }
0x2d: {  	s14 =	smov.u32 s10;
	s13 =	sadd.s32 $0x1, s13;
	[sflag:s17] =	ssyncset.done @!p1 $0x0  }
0x2e: {  	s10 =	smov.u32 s12;
	s12 =	smov.u32 s18;
	[sflag:s17] =	ssyncadd.s32 @!p1 s19  }
.LBB1_1:
0x2f: {  	p1 =	sge.u32 s13, s6  }
0x30: {  	s31 =	sadd.s32 $0xFFFFFFFF, s13;
	s16 =	sxor.u32 @!p1 $0xFFFFFFFF, s13  }
0x31: {  	s17 =	sshll.u32 @!p1 s12, $0x9;
	s18 =	sshll.u32 @!p1 s11, $0x4;
	s19 =	simm.s32 @!p1 $0x1000  }
0x32: {  	s16 =	sshll.u32 @!p1 s16, $0xC;
	s18 =	sand.u32 @!p1 $0x1F0, s18;
	s17 =	sadd.s32 @!p1 s5, s17  }
0x33: {  	s16 =	sand.u32 @!p1 $0x1000, s16;
	s17 =	sadd.s32 @!p1 s18, s17;
	s18 =	simm.s32 @!p1 $0x20  }
0x34: {  	[tilespmem:s16], [sflag:$0x1] =	stream.strided.gather @!p1 [hbm4b:s17+s18], $0x1000, s19, s18, $0x38;
	[tilespmem:$0x4040] =	vst v63  }
0x35: {  	p1 =	sge.u32 s31, s6  }
.Ltmp2:
0x36: {  	_ = 	snop;
	(pc) =	sbr.rel @p1 .LBB1_5-.Ltmp2, $1  }
0x37: {  	_ =	sdelay $0x3  }
0x38: {  	s16 =	simm.s32 $0x1  }
0x39: {  	_ =	swait.ge [sflag:s4], $0x1000;
	s16 =	simm.s32 @!p0 $0x0  }
0x3a: {  	[sflag:s4] =	ssyncset.done $0x0;
	s17 =	sshll.u32 s16, $0xC  }
0x3b: {  	[sflag:s4] =	ssyncadd.s32 $0xFFFFF000;
	s20 =	sor.u32 $0x10, s17  }
0x3c: {  	s16 =	smul.u32 $0x4080, s16;
	v1 =	vld [tilespmem:s20+$0x0]  }
0x3d: {  	s30 =	sand.u32 $0x1, s13;
	v0 =	vld [tilespmem:s20+$0xFFFFFFF0]  }
0x3e: {  	s17 =	smul.u32 $0x4080, s30;
	s16 =	sshrl.u32 s16, $0x2  }
0x3f: {  	s18 =	sor.u32 $0x2000, s16  }
0x40: {  	s31 =	sshrl.u32 s17, $0x2;
	s17 =	sadd.s32 $0x0, s18  }
0x41: {  	s19 =	simm.s32 $0x4;
	s20 =	sadd.s32 $0x20, s20;
	s16 =	sor.u32 $0x2000, s31;
	[tilespmem:s17+$0x810 ss:$0x81] =	vst.msk $0xffff, v1  }
.LBB1_3:
0x42: {  	v1 =	vld [tilespmem:s20+$0x0];
	p1 =	sne.s32 s19, $0x1FC;
	[tilespmem:s17+$0x0 ss:$0x81] =	vst.msk $0xffff, v0;
	s17 =	smov.u32 s19;
	s19 =	sadd.s32 $0x4, s19  }
.Ltmp3:
0x43: {  	v0 =	vld [tilespmem:s20+$0xFFFFFFF0];
	(pc) =	sbr.rel @p1 .LBB1_3-.Ltmp3, $4  }
0x44: {  	_ = 	snop  }
0x45: {  	s17 =	sshra.s32 s17, $0x2  }
0x46: {  	s17 =	sadd.s32 s17, s18  }
0x47: {  	s20 =	sadd.s32 $0x20, s20;
	[tilespmem:s17+$0x810 ss:$0x81] =	vst.msk $0xffff, v1  }
.Ltmp4:
0x48: {  	_ = 	snop;
	(pc) =	sbr.rel .LBB1_4-.Ltmp4, $1  }
0x49: {  	_ =	sdelay $0x3  }
.LBB1_6:
0x4a: {  	_ =	sfence.sel $0x180000  }
0x4b: {  	s2 =	simm.s32 $0x1;
	[bflag:$0x0] =	sbarrier.arrive $0xFFFF  }
0x4c: {  	s31 =	simm.s32 $0x2;
	[sflag:s2] =	ssyncpa.u1 $0x1  }
0x4d: {  	[sflag:s31] =	ssyncpa.u1 $0x1  }
0x4e: {  	p0 =	sne.s32 s0, $0x0;
	_ =	strace $0x9000004A  }
0x4f: {  	s0 =	sadd.s32 @!p0 $0x100000, s1;
	[bflag:$0x2] =	sbarrier.arrive $0xFFFF  }
0x50: {  	[sflag:s0] =	ssyncadd.tile.s32 @!p0 $0x1;
	_ =	shalt  }
.Lfunc_end1:
_tile_overlayer_lowered:
.L_overlay_start_2:
0x51: {  	(tag) =	ssettag $0x2  }
0x52: {  	s0 =	rddreg [dreg:$0x0];
	s2 =	stileid.u32  }
0x53: {  	s1 =	rddreg [dreg:$0x1];
	p0 =	sne.s32 s2, $0x0  }
0x54: {  	s3 =	rddreg [dreg:$0x2];
	[bflag:$0x3] =	sbarrier.arrive $0xFFFF;
	s2 =	simm.s32 @!p0 $0x1C01  }
0x55: {  	[timem:s3], [sflag:s2] =	dma.local @!p0 [hbm:s0], s1  }
0x56: {  	s0 =	simm.s32 @!p0 $0x1  }
0x57: {  	_ =	swait.ge @!p0 [sflag:s0], s1  }
0x58: {  	s1 =	ssub.s32 @!p0 $0x0, s1;
	[sflag:s0] =	ssyncset.done @!p0 $0x0  }
0x59: {  	[sflag:s0] =	ssyncadd.s32 @!p0 s1  }
0x5a: {  	[bflag:$0x3] =	sbarrier.arrive $0xFFFF  }
0x5b: {  	_ =	shalt  }

</sc_bundles>
